<compile_context>
chip_gen: v7x
topology: tpu7x:2x2x1
jax: 0.10.2.dev20260603
libtpu: 0.0.44.dev20260713+nightly
codegen_flags: <defaults>
</compile_context>

<pallas_src>
import functools

import jax
import jax.numpy as jnp
from jax import lax
from jax.experimental import pallas as pl
from jax.experimental.pallas import tpu as pltpu
from jax.experimental.pallas import tpu_sc as plsc

F = 5000
B = 2
K = 8
FP = 5120
NCH = FP // 16
NSUB = 16
RPT = 314
NPAIR = RPT * K
NBCH = NPAIR // 16
LASTR = F - (NSUB - 1) * RPT
PAD_VAL = 1e30
EPS = 1e-8


def _cross(ax, ay, az, bx, by, bz):
    return (ay * bz - az * by, az * bx - ax * bz, ax * by - ay * bx)


def _dot3(ax, ay, az, bx, by, bz):
    return ax * bx + ay * by + az * bz


def _interval(d0, d1, d2, p0, p1, p2):
    lo = jnp.full((16,), jnp.inf, jnp.float32)
    hi = jnp.full((16,), -jnp.inf, jnp.float32)
    d = (d0, d1, d2)
    p = (p0, p1, p2)
    for a, b in ((0, 1), (1, 2), (2, 0)):
        da, db = d[a], d[b]
        crossing = (da * db) < 0.0
        denom = da - db
        safe = jnp.where(jnp.abs(denom) > 1e-30, denom, 1.0)
        t = da / safe
        s = p[a] + t * (p[b] - p[a])
        lo = jnp.where(crossing, jnp.minimum(lo, s), lo)
        hi = jnp.where(crossing, jnp.maximum(hi, s), hi)
    return lo, hi


def _tri_tri_hit(v, u):
    v0 = v[0:3]; v1 = v[3:6]; v2 = v[6:9]
    u0 = u[0:3]; u1 = u[3:6]; u2 = u[6:9]
    e1 = [u1[c] - u0[c] for c in range(3)]
    e2 = [u2[c] - u0[c] for c in range(3)]
    n2 = _cross(*e1, *e2)
    d2 = -_dot3(*n2, *u0)
    dv0 = _dot3(*n2, *v0) + d2
    dv1 = _dot3(*n2, *v1) + d2
    dv2 = _dot3(*n2, *v2) + d2
    f1 = [v1[c] - v0[c] for c in range(3)]
    f2 = [v2[c] - v0[c] for c in range(3)]
    n1 = _cross(*f1, *f2)
    d1 = -_dot3(*n1, *v0)
    du0 = _dot3(*n1, *u0) + d1
    du1 = _dot3(*n1, *u1) + d1
    du2 = _dot3(*n1, *u2) + d1
    sep_v = ((dv0 > EPS) & (dv1 > EPS) & (dv2 > EPS)) | \
            ((dv0 < -EPS) & (dv1 < -EPS) & (dv2 < -EPS))
    sep_u = ((du0 > EPS) & (du1 > EPS) & (du2 > EPS)) | \
            ((du0 < -EPS) & (du1 < -EPS) & (du2 < -EPS))
    dd = _cross(*n1, *n2)
    coplanar = _dot3(*dd, *dd) <= EPS
    pv0 = _dot3(*dd, *v0); pv1 = _dot3(*dd, *v1); pv2 = _dot3(*dd, *v2)
    pu0 = _dot3(*dd, *u0); pu1 = _dot3(*dd, *u1); pu2 = _dot3(*dd, *u2)
    lo1, hi1 = _interval(dv0, dv1, dv2, pv0, pv1, pv2)
    lo2, hi2 = _interval(du0, du1, du2, pu0, pu1, pu2)
    seg = jnp.maximum(lo1, lo2) <= jnp.minimum(hi1, hi2)
    return (~sep_v) & (~sep_u) & (~coplanar) & seg


def _splat_i32(x):
    return jnp.full((16,), x, jnp.int32)


def _bvh_body(tri_hbm, oi_hbm, oj_hbm, *scratch):
    tri_v = scratch[0:9]
    aabb_v = scratch[9:15]
    cand_v = scratch[15]
    oi_v = scratch[16]
    oj_v = scratch[17]
    cnt_v = scratch[18]
    cid = lax.axis_index("c")
    sid = lax.axis_index("s")
    row_base = sid * RPT
    lanes = lax.broadcasted_iota(jnp.int32, (16,), 0)

    dma_sem = scratch[19]
    handles = [
        pltpu.make_async_copy(tri_hbm.at[pl.ds((cid * 9 + cc) * FP, FP)],
                              tri_v[cc], dma_sem)
        for cc in range(9)
    ]
    for h in handles:
        h.start()
    for h in handles:
        h.wait()

    @plsc.parallel_loop(0, NCH, 1, unroll=4)
    def aabb_body(c):
        o = c * 16
        for d in range(3):
            a0 = tri_v[d][pl.ds(o, 16)]
            a1 = tri_v[3 + d][pl.ds(o, 16)]
            a2 = tri_v[6 + d][pl.ds(o, 16)]
            aabb_v[d][pl.ds(o, 16)] = jnp.minimum(jnp.minimum(a0, a1), a2)
            aabb_v[3 + d][pl.ds(o, 16)] = jnp.maximum(jnp.maximum(a0, a1), a2)

    def init_cand(c, carry):
        cand_v[pl.ds(c * 16, 16)] = _splat_i32(-1)
        return carry
    lax.fori_loop(0, NBCH, init_cand, 0)

    def init_out(c, carry):
        oi_v[pl.ds(c * 16, 16)] = _splat_i32(-1)
        oj_v[pl.ds(c * 16, 16)] = _splat_i32(-1)
        return carry
    lax.fori_loop(0, NBCH, init_out, 0)

    def init_cnt(c, carry):
        cnt_v[pl.ds(c * 16, 16)] = _splat_i32(K)
        return carry
    lax.fori_loop(0, 20, init_cnt, 0)

    c0min = [aabb_v[d][pl.ds(0, 16)] for d in range(3)]
    c0max = [aabb_v[3 + d][pl.ds(0, 16)] for d in range(3)]

    @plsc.parallel_loop(0, RPT, 1, unroll=4)
    def row_pass1(r):
        i = row_base + r

        @pl.when(i < F)
        def _():
            iv = jnp.full((16,), i, jnp.int32)
            bmin = [plsc.load_gather(aabb_v[d], [iv]) for d in range(3)]
            bmax = [plsc.load_gather(aabb_v[3 + d], [iv]) for d in range(3)]
            ov = lanes != i
            for d in range(3):
                ov = ov & (bmin[d] <= c0max[d]) & (c0min[d] <= bmax[d])
            inc = ov.astype(jnp.int32)
            pref = plsc.cumsum(inc)
            pos = pref - 1
            m = ov & (pos < K)
            idxv = r * K + jnp.clip(pos, 0, K - 1)
            plsc.store_scatter(cand_v, [idxv], lanes, mask=m)
            rv = jnp.full((16,), r, jnp.int32)
            plsc.store_scatter(cnt_v, [rv], pref, mask=lanes == 15)

    def row_pass2(r, carry):
        i = row_base + r
        cnt0 = plsc.load_gather(cnt_v, [jnp.full((16,), r, jnp.int32)])[0]

        @pl.when(cnt0 < K)
        def _():
            iv = jnp.full((16,), i, jnp.int32)
            bmin = [plsc.load_gather(aabb_v[d], [iv]) for d in range(3)]
            bmax = [plsc.load_gather(aabb_v[3 + d], [iv]) for d in range(3)]
            slot_base = r * K

            def cond(st):
                ch, cnt = st
                return (cnt < K) & (ch < NCH)

            def wbody(st):
                ch, cnt = st
                o = ch * 16
                jv = o + lanes
                ov = jv != i
                for d in range(3):
                    cmin = aabb_v[d][pl.ds(o, 16)]
                    cmax = aabb_v[3 + d][pl.ds(o, 16)]
                    ov = ov & (bmin[d] <= cmax) & (cmin <= bmax[d])
                inc = ov.astype(jnp.int32)
                pref = plsc.cumsum(inc)
                pos = pref + (cnt - 1)
                m = ov & (pos < K)
                idxv = slot_base + jnp.clip(pos, 0, K - 1)
                plsc.store_scatter(cand_v, [idxv], jv, mask=m)
                return (ch + 1, cnt + pref[15])

            lax.while_loop(cond, wbody, (jnp.int32(1), cnt0))
        return carry
    lax.fori_loop(0, RPT, row_pass2, 0)

    @plsc.parallel_loop(0, NBCH, 1, unroll=4)
    def pair_chunk(c):
        p = c * 16 + lanes
        rloc = lax.shift_right_logical(p, 3)
        ig = row_base + rloc
        jj = cand_v[pl.ds(c * 16, 16)]
        valid = jj >= 0
        jc = jnp.maximum(jj, 0)
        t1 = [plsc.load_gather(tri_v[cc], [ig]) for cc in range(9)]
        t2 = [plsc.load_gather(tri_v[cc], [jc]) for cc in range(9)]
        ok = valid & _tri_tri_hit(t1, t2)
        plsc.store_scatter(oi_v, [p], ig, mask=ok)
        plsc.store_scatter(oj_v, [p], jj, mask=ok)

    pstart = row_base * K

    @pl.when(sid < NSUB - 1)
    def _():
        pltpu.sync_copy(oi_v.at[pl.ds(0, RPT * K)],
                        oi_hbm.at[cid, pl.ds(pstart, RPT * K)])
        pltpu.sync_copy(oj_v.at[pl.ds(0, RPT * K)],
                        oj_hbm.at[cid, pl.ds(pstart, RPT * K)])

    @pl.when(sid == NSUB - 1)
    def _():
        pltpu.sync_copy(oi_v.at[pl.ds(0, LASTR * K)],
                        oi_hbm.at[cid, pl.ds(pstart, LASTR * K)])
        pltpu.sync_copy(oj_v.at[pl.ds(0, LASTR * K)],
                        oj_hbm.at[cid, pl.ds(pstart, LASTR * K)])


@jax.jit
def _bvh_sc(tri_soa):
    mesh = plsc.VectorSubcoreMesh(core_axis_name="c", subcore_axis_name="s")
    fn = functools.partial(
        pl.kernel,
        out_type=(jax.ShapeDtypeStruct((B, F * K), jnp.int32),
                  jax.ShapeDtypeStruct((B, F * K), jnp.int32)),
        mesh=mesh,
        compiler_params=pltpu.CompilerParams(
            use_tc_tiling_on_sc=False, needs_layout_passes=False),
        scratch_types=(
            [pltpu.VMEM((FP,), jnp.float32) for _ in range(9)]
            + [pltpu.VMEM((FP,), jnp.float32) for _ in range(6)]
            + [pltpu.VMEM((NPAIR,), jnp.int32),
               pltpu.VMEM((NPAIR,), jnp.int32),
               pltpu.VMEM((NPAIR,), jnp.int32),
               pltpu.VMEM((320,), jnp.int32),
               pltpu.SemaphoreType.DMA]
        ),
    )(_bvh_body)
    return fn(tri_soa)


def kernel(triangles):
    tri_t = jnp.transpose(triangles, (0, 2, 3, 1)).reshape(B, 9, F)
    tri_p = jnp.pad(tri_t, ((0, 0), (0, 0), (0, FP - F)),
                    constant_values=PAD_VAL)
    oi, oj = _bvh_sc(tri_p.reshape(-1))
    return jnp.stack([oi, oj], axis=-1)

# --- scband reference (transcript-rebuilt; emitter-appended) ---
"""Pipeline reference for scband-bvh-38336878084112 (READ-ONLY COPY).

The authoritative reference and input builder live on the scoring server;
editing this copy changes nothing except your own understanding.
"""

import jax, jax.numpy as jnp
import numpy as np

MAX_COLLISIONS = 8


def setup_inputs(seed: int = 0) -> dict:
    key = jax.random.key(seed)
    triangles = jax.random.normal(key, (2, 5000, 3, 3), dtype=jnp.float32)
    return {"triangles": triangles}


def _tri_tri_intersect(t1, t2, eps=1e-8):
    # t1, t2: [..., 3, 3] triangles (3 vertices x 3 coords).
    v0, v1, v2 = t1[..., 0, :], t1[..., 1, :], t1[..., 2, :]
    u0, u1, u2 = t2[..., 0, :], t2[..., 1, :], t2[..., 2, :]
    # plane of triangle 2
    n2 = jnp.cross(u1 - u0, u2 - u0)
    d2 = -jnp.sum(n2 * u0, axis=-1)
    dv = jnp.stack([jnp.sum(n2 * v0, -1) + d2,
                    jnp.sum(n2 * v1, -1) + d2,
                    jnp.sum(n2 * v2, -1) + d2], axis=-1)
    # plane of triangle 1
    n1 = jnp.cross(v1 - v0, v2 - v0)
    d1 = -jnp.sum(n1 * v0, axis=-1)
    du = jnp.stack([jnp.sum(n1 * u0, -1) + d1,
                    jnp.sum(n1 * u1, -1) + d1,
                    jnp.sum(n1 * u2, -1) + d1], axis=-1)
    sep_v = jnp.all(dv > eps, axis=-1) | jnp.all(dv < -eps, axis=-1)
    sep_u = jnp.all(du > eps, axis=-1) | jnp.all(du < -eps, axis=-1)
    # intersection line direction
    D = jnp.cross(n1, n2)
    coplanar = jnp.sum(D * D, axis=-1) <= eps

    def interval(tri, d):
        proj = jnp.sum(D[..., None, :] * tri, axis=-1)  # [..., 3]
        lo = jnp.full(d.shape[:-1], jnp.inf, dtype=tri.dtype)
        hi = jnp.full(d.shape[:-1], -jnp.inf, dtype=tri.dtype)
        for a, b in ((0, 1), (1, 2), (2, 0)):
            da, db = d[..., a], d[..., b]
            crossing = (da * db) < 0.0
            denom = da - db
            t = da / jnp.where(jnp.abs(denom) > 1e-30, denom, 1.0)
            s = proj[..., a] + t * (proj[..., b] - proj[..., a])
            lo = jnp.where(crossing, jnp.minimum(lo, s), lo)
            hi = jnp.where(crossing, jnp.maximum(hi, s), hi)
        return lo, hi

    lo1, hi1 = interval(t1, dv)
    lo2, hi2 = interval(t2, du)
    seg = jnp.maximum(lo1, lo2) <= jnp.minimum(hi1, hi2)
    return (~sep_v) & (~sep_u) & (~coplanar) & seg


def _bvh_forward(triangles, max_collisions=MAX_COLLISIONS):
    B, F = triangles.shape[0], triangles.shape[1]
    K = max_collisions
    # broad phase: per-triangle AABBs, all-pairs overlap test (BVH equivalent)
    bmin = jnp.min(triangles, axis=2)  # [B, F, 3]
    bmax = jnp.max(triangles, axis=2)  # [B, F, 3]
    ov = jnp.all((bmin[:, :, None, :] <= bmax[:, None, :, :]) &
                 (bmin[:, None, :, :] <= bmax[:, :, None, :]), axis=-1)  # [B, F, F]
    idx = jnp.arange(F)
    ov = ov & (idx[None, :, None] != idx[None, None, :])
    # cap candidates per triangle at max_collisions (BVH max_collisions semantics)
    vals, cand = jax.lax.top_k(ov.astype(jnp.float32), K)  # [B, F, K]
    valid = vals > 0.5
    # narrow phase: exact triangle-triangle intersection (Moller interval test)
    tri_i = jnp.broadcast_to(triangles[:, :, None, :, :], (B, F, K, 3, 3))
    tri_j = jax.vmap(lambda t, c: t[c])(triangles, cand)  # [B, F, K, 3, 3]
    hit = _tri_tri_intersect(tri_i, tri_j)
    valid = valid & hit
    i_idx = jnp.broadcast_to(idx[None, :, None], (B, F, K))
    pairs = jnp.stack([i_idx, cand], axis=-1)  # [B, F, K, 2]
    out = jnp.where(valid[..., None], pairs, -1)
    return out.reshape(B, F * K, 2).astype(jnp.int32)


def reference(triangles):
    return _bvh_forward(triangles, MAX_COLLISIONS)

if __name__ == "__main__":
    import jax
    _d = setup_inputs()
    print(jax.jit(kernel)(*tuple(_d.values())))

</pallas_src>

<mosaic_0001>
#map = affine_map<(d0, d1) -> (0)>
#map1 = affine_map<(d0, d1) -> (0, 0)>
module attributes {stable_mosaic.version = 14 : i64} {
  func.func @_bvh_body(%arg0: i32, %arg1: i32, %arg2: memref<92160xf32, #tpu.memory_space<hbm>>, %arg3: memref<2x40000xi32, #tpu.memory_space<hbm>>, %arg4: memref<2x40000xi32, #tpu.memory_space<hbm>>, %arg5: memref<5120xf32, #tpu.memory_space<vmem>>, %arg6: memref<5120xf32, #tpu.memory_space<vmem>>, %arg7: memref<5120xf32, #tpu.memory_space<vmem>>, %arg8: memref<5120xf32, #tpu.memory_space<vmem>>, %arg9: memref<5120xf32, #tpu.memory_space<vmem>>, %arg10: memref<5120xf32, #tpu.memory_space<vmem>>, %arg11: memref<5120xf32, #tpu.memory_space<vmem>>, %arg12: memref<5120xf32, #tpu.memory_space<vmem>>, %arg13: memref<5120xf32, #tpu.memory_space<vmem>>, %arg14: memref<5120xf32, #tpu.memory_space<vmem>>, %arg15: memref<5120xf32, #tpu.memory_space<vmem>>, %arg16: memref<5120xf32, #tpu.memory_space<vmem>>, %arg17: memref<5120xf32, #tpu.memory_space<vmem>>, %arg18: memref<5120xf32, #tpu.memory_space<vmem>>, %arg19: memref<5120xf32, #tpu.memory_space<vmem>>, %arg20: memref<2512xi32, #tpu.memory_space<vmem>>, %arg21: memref<2512xi32, #tpu.memory_space<vmem>>, %arg22: memref<2512xi32, #tpu.memory_space<vmem>>, %arg23: memref<320xi32, #tpu.memory_space<vmem>>, %arg24: memref<!tpu.dma_semaphore, #tpu.memory_space<semaphore_mem>>) attributes {dimension_semantics = [#tpu.dimension_semantics<core_parallel>, #tpu.dimension_semantics<subcore_parallel>], iteration_bounds = array<i64: 2, 16>, scalar_prefetch = 0 : i64, scratch_operands = 20 : i64, tpu.core_type = #tpu.core_type<sc_vector_subcore>, window_params = [{transform_indices = #map}, {transform_indices = #map1}, {transform_indices = #map1}]} {
    %mul3A = arith.constant 314 : i32
    %mul3A_0 = arith.muli %arg1, %mul3A : i32
    %iota3A = tpu.iota {dimensions = array<i32: 0>} : vector<16xi32>
    %mul3A_1 = arith.constant 9 : i32
    %mul3A_2 = arith.muli %arg0, %mul3A_1 : i32
    %add3A = arith.constant 0 : i32
    %add3A_3 = arith.addi %mul3A_2, %add3A : i32
    %mul3A_4 = arith.constant 5120 : i32
    %mul3A_5 = arith.muli %add3A_3, %mul3A_4 : i32
    %mul3A_6 = arith.constant 9 : i32
    %mul3A_7 = arith.muli %arg0, %mul3A_6 : i32
    %add3A_8 = arith.constant 1 : i32
    %add3A_9 = arith.addi %mul3A_7, %add3A_8 : i32
    %mul3A_10 = arith.constant 5120 : i32
    %mul3A_11 = arith.muli %add3A_9, %mul3A_10 : i32
    %mul3A_12 = arith.constant 9 : i32
    %mul3A_13 = arith.muli %arg0, %mul3A_12 : i32
    %add3A_14 = arith.constant 2 : i32
    %add3A_15 = arith.addi %mul3A_13, %add3A_14 : i32
    %mul3A_16 = arith.constant 5120 : i32
    %mul3A_17 = arith.muli %add3A_15, %mul3A_16 : i32
    %mul3A_18 = arith.constant 9 : i32
    %mul3A_19 = arith.muli %arg0, %mul3A_18 : i32
    %add3A_20 = arith.constant 3 : i32
    %add3A_21 = arith.addi %mul3A_19, %add3A_20 : i32
    %mul3A_22 = arith.constant 5120 : i32
    %mul3A_23 = arith.muli %add3A_21, %mul3A_22 : i32
    %mul3A_24 = arith.constant 9 : i32
    %mul3A_25 = arith.muli %arg0, %mul3A_24 : i32
    %add3A_26 = arith.constant 4 : i32
    %add3A_27 = arith.addi %mul3A_25, %add3A_26 : i32
    %mul3A_28 = arith.constant 5120 : i32
    %mul3A_29 = arith.muli %add3A_27, %mul3A_28 : i32
    %mul3A_30 = arith.constant 9 : i32
    %mul3A_31 = arith.muli %arg0, %mul3A_30 : i32
    %add3A_32 = arith.constant 5 : i32
    %add3A_33 = arith.addi %mul3A_31, %add3A_32 : i32
    %mul3A_34 = arith.constant 5120 : i32
    %mul3A_35 = arith.muli %add3A_33, %mul3A_34 : i32
    %mul3A_36 = arith.constant 9 : i32
    %mul3A_37 = arith.muli %arg0, %mul3A_36 : i32
    %add3A_38 = arith.constant 6 : i32
    %add3A_39 = arith.addi %mul3A_37, %add3A_38 : i32
    %mul3A_40 = arith.constant 5120 : i32
    %mul3A_41 = arith.muli %add3A_39, %mul3A_40 : i32
    %mul3A_42 = arith.constant 9 : i32
    %mul3A_43 = arith.muli %arg0, %mul3A_42 : i32
    %add3A_44 = arith.constant 7 : i32
    %add3A_45 = arith.addi %mul3A_43, %add3A_44 : i32
    %mul3A_46 = arith.constant 5120 : i32
    %mul3A_47 = arith.muli %add3A_45, %mul3A_46 : i32
    %mul3A_48 = arith.constant 9 : i32
    %mul3A_49 = arith.muli %arg0, %mul3A_48 : i32
    %add3A_50 = arith.constant 8 : i32
    %add3A_51 = arith.addi %mul3A_49, %add3A_50 : i32
    %mul3A_52 = arith.constant 5120 : i32
    %mul3A_53 = arith.muli %add3A_51, %mul3A_52 : i32
    %dma_start3A = tpu.memref_slice %arg2[%mul3A_5] : memref<92160xf32, #tpu.memory_space<hbm>> -> memref<5120xf32, #tpu.memory_space<hbm>>
    %dma_start3A_54 = tpu.memref_slice %arg2[%mul3A_5] : memref<92160xf32, #tpu.memory_space<hbm>> -> memref<5120xf32, #tpu.memory_space<hbm>>
    tpu.enqueue_dma source(%dma_start3A_54 : memref<5120xf32, #tpu.memory_space<hbm>>) target(%arg5 : memref<5120xf32, #tpu.memory_space<vmem>>) target_semaphore(%arg24 : memref<!tpu.dma_semaphore, #tpu.memory_space<semaphore_mem>>)
    %dma_start3A_55 = tpu.memref_slice %arg2[%mul3A_11] : memref<92160xf32, #tpu.memory_space<hbm>> -> memref<5120xf32, #tpu.memory_space<hbm>>
    %dma_start3A_56 = tpu.memref_slice %arg2[%mul3A_11] : memref<92160xf32, #tpu.memory_space<hbm>> -> memref<5120xf32, #tpu.memory_space<hbm>>
    tpu.enqueue_dma source(%dma_start3A_56 : memref<5120xf32, #tpu.memory_space<hbm>>) target(%arg6 : memref<5120xf32, #tpu.memory_space<vmem>>) target_semaphore(%arg24 : memref<!tpu.dma_semaphore, #tpu.memory_space<semaphore_mem>>)
    %dma_start3A_57 = tpu.memref_slice %arg2[%mul3A_17] : memref<92160xf32, #tpu.memory_space<hbm>> -> memref<5120xf32, #tpu.memory_space<hbm>>
    %dma_start3A_58 = tpu.memref_slice %arg2[%mul3A_17] : memref<92160xf32, #tpu.memory_space<hbm>> -> memref<5120xf32, #tpu.memory_space<hbm>>
    tpu.enqueue_dma source(%dma_start3A_58 : memref<5120xf32, #tpu.memory_space<hbm>>) target(%arg7 : memref<5120xf32, #tpu.memory_space<vmem>>) target_semaphore(%arg24 : memref<!tpu.dma_semaphore, #tpu.memory_space<semaphore_mem>>)
    %dma_start3A_59 = tpu.memref_slice %arg2[%mul3A_23] : memref<92160xf32, #tpu.memory_space<hbm>> -> memref<5120xf32, #tpu.memory_space<hbm>>
    %dma_start3A_60 = tpu.memref_slice %arg2[%mul3A_23] : memref<92160xf32, #tpu.memory_space<hbm>> -> memref<5120xf32, #tpu.memory_space<hbm>>
    tpu.enqueue_dma source(%dma_start3A_60 : memref<5120xf32, #tpu.memory_space<hbm>>) target(%arg8 : memref<5120xf32, #tpu.memory_space<vmem>>) target_semaphore(%arg24 : memref<!tpu.dma_semaphore, #tpu.memory_space<semaphore_mem>>)
    %dma_start3A_61 = tpu.memref_slice %arg2[%mul3A_29] : memref<92160xf32, #tpu.memory_space<hbm>> -> memref<5120xf32, #tpu.memory_space<hbm>>
    %dma_start3A_62 = tpu.memref_slice %arg2[%mul3A_29] : memref<92160xf32, #tpu.memory_space<hbm>> -> memref<5120xf32, #tpu.memory_space<hbm>>
    tpu.enqueue_dma source(%dma_start3A_62 : memref<5120xf32, #tpu.memory_space<hbm>>) target(%arg9 : memref<5120xf32, #tpu.memory_space<vmem>>) target_semaphore(%arg24 : memref<!tpu.dma_semaphore, #tpu.memory_space<semaphore_mem>>)
    %dma_start3A_63 = tpu.memref_slice %arg2[%mul3A_35] : memref<92160xf32, #tpu.memory_space<hbm>> -> memref<5120xf32, #tpu.memory_space<hbm>>
    %dma_start3A_64 = tpu.memref_slice %arg2[%mul3A_35] : memref<92160xf32, #tpu.memory_space<hbm>> -> memref<5120xf32, #tpu.memory_space<hbm>>
    tpu.enqueue_dma source(%dma_start3A_64 : memref<5120xf32, #tpu.memory_space<hbm>>) target(%arg10 : memref<5120xf32, #tpu.memory_space<vmem>>) target_semaphore(%arg24 : memref<!tpu.dma_semaphore, #tpu.memory_space<semaphore_mem>>)
    %dma_start3A_65 = tpu.memref_slice %arg2[%mul3A_41] : memref<92160xf32, #tpu.memory_space<hbm>> -> memref<5120xf32, #tpu.memory_space<hbm>>
    %dma_start3A_66 = tpu.memref_slice %arg2[%mul3A_41] : memref<92160xf32, #tpu.memory_space<hbm>> -> memref<5120xf32, #tpu.memory_space<hbm>>
    tpu.enqueue_dma source(%dma_start3A_66 : memref<5120xf32, #tpu.memory_space<hbm>>) target(%arg11 : memref<5120xf32, #tpu.memory_space<vmem>>) target_semaphore(%arg24 : memref<!tpu.dma_semaphore, #tpu.memory_space<semaphore_mem>>)
    %dma_start3A_67 = tpu.memref_slice %arg2[%mul3A_47] : memref<92160xf32, #tpu.memory_space<hbm>> -> memref<5120xf32, #tpu.memory_space<hbm>>
    %dma_start3A_68 = tpu.memref_slice %arg2[%mul3A_47] : memref<92160xf32, #tpu.memory_space<hbm>> -> memref<5120xf32, #tpu.memory_space<hbm>>
    tpu.enqueue_dma source(%dma_start3A_68 : memref<5120xf32, #tpu.memory_space<hbm>>) target(%arg12 : memref<5120xf32, #tpu.memory_space<vmem>>) target_semaphore(%arg24 : memref<!tpu.dma_semaphore, #tpu.memory_space<semaphore_mem>>)
    %dma_start3A_69 = tpu.memref_slice %arg2[%mul3A_53] : memref<92160xf32, #tpu.memory_space<hbm>> -> memref<5120xf32, #tpu.memory_space<hbm>>
    %dma_start3A_70 = tpu.memref_slice %arg2[%mul3A_53] : memref<92160xf32, #tpu.memory_space<hbm>> -> memref<5120xf32, #tpu.memory_space<hbm>>
    tpu.enqueue_dma source(%dma_start3A_70 : memref<5120xf32, #tpu.memory_space<hbm>>) target(%arg13 : memref<5120xf32, #tpu.memory_space<vmem>>) target_semaphore(%arg24 : memref<!tpu.dma_semaphore, #tpu.memory_space<semaphore_mem>>)
    %dma_wait3A = tpu.memref_slice %arg2[%mul3A_5] : memref<92160xf32, #tpu.memory_space<hbm>> -> memref<5120xf32, #tpu.memory_space<hbm>>
    %dma_wait3A_71 = tpu.memref_slice %arg2[%mul3A_5] : memref<92160xf32, #tpu.memory_space<hbm>> -> memref<5120xf32, #tpu.memory_space<hbm>>
    tpu.wait_dma2 semaphore(%arg24 : memref<!tpu.dma_semaphore, #tpu.memory_space<semaphore_mem>>) src(%dma_wait3A_71 : memref<5120xf32, #tpu.memory_space<hbm>>) dst(%arg5 : memref<5120xf32, #tpu.memory_space<vmem>>)
    %dma_wait3A_72 = tpu.memref_slice %arg2[%mul3A_11] : memref<92160xf32, #tpu.memory_space<hbm>> -> memref<5120xf32, #tpu.memory_space<hbm>>
    %dma_wait3A_73 = tpu.memref_slice %arg2[%mul3A_11] : memref<92160xf32, #tpu.memory_space<hbm>> -> memref<5120xf32, #tpu.memory_space<hbm>>
    tpu.wait_dma2 semaphore(%arg24 : memref<!tpu.dma_semaphore, #tpu.memory_space<semaphore_mem>>) src(%dma_wait3A_73 : memref<5120xf32, #tpu.memory_space<hbm>>) dst(%arg6 : memref<5120xf32, #tpu.memory_space<vmem>>)
    %dma_wait3A_74 = tpu.memref_slice %arg2[%mul3A_17] : memref<92160xf32, #tpu.memory_space<hbm>> -> memref<5120xf32, #tpu.memory_space<hbm>>
    %dma_wait3A_75 = tpu.memref_slice %arg2[%mul3A_17] : memref<92160xf32, #tpu.memory_space<hbm>> -> memref<5120xf32, #tpu.memory_space<hbm>>
    tpu.wait_dma2 semaphore(%arg24 : memref<!tpu.dma_semaphore, #tpu.memory_space<semaphore_mem>>) src(%dma_wait3A_75 : memref<5120xf32, #tpu.memory_space<hbm>>) dst(%arg7 : memref<5120xf32, #tpu.memory_space<vmem>>)
    %dma_wait3A_76 = tpu.memref_slice %arg2[%mul3A_23] : memref<92160xf32, #tpu.memory_space<hbm>> -> memref<5120xf32, #tpu.memory_space<hbm>>
    %dma_wait3A_77 = tpu.memref_slice %arg2[%mul3A_23] : memref<92160xf32, #tpu.memory_space<hbm>> -> memref<5120xf32, #tpu.memory_space<hbm>>
    tpu.wait_dma2 semaphore(%arg24 : memref<!tpu.dma_semaphore, #tpu.memory_space<semaphore_mem>>) src(%dma_wait3A_77 : memref<5120xf32, #tpu.memory_space<hbm>>) dst(%arg8 : memref<5120xf32, #tpu.memory_space<vmem>>)
    %dma_wait3A_78 = tpu.memref_slice %arg2[%mul3A_29] : memref<92160xf32, #tpu.memory_space<hbm>> -> memref<5120xf32, #tpu.memory_space<hbm>>
    %dma_wait3A_79 = tpu.memref_slice %arg2[%mul3A_29] : memref<92160xf32, #tpu.memory_space<hbm>> -> memref<5120xf32, #tpu.memory_space<hbm>>
    tpu.wait_dma2 semaphore(%arg24 : memref<!tpu.dma_semaphore, #tpu.memory_space<semaphore_mem>>) src(%dma_wait3A_79 : memref<5120xf32, #tpu.memory_space<hbm>>) dst(%arg9 : memref<5120xf32, #tpu.memory_space<vmem>>)
    %dma_wait3A_80 = tpu.memref_slice %arg2[%mul3A_35] : memref<92160xf32, #tpu.memory_space<hbm>> -> memref<5120xf32, #tpu.memory_space<hbm>>
    %dma_wait3A_81 = tpu.memref_slice %arg2[%mul3A_35] : memref<92160xf32, #tpu.memory_space<hbm>> -> memref<5120xf32, #tpu.memory_space<hbm>>
    tpu.wait_dma2 semaphore(%arg24 : memref<!tpu.dma_semaphore, #tpu.memory_space<semaphore_mem>>) src(%dma_wait3A_81 : memref<5120xf32, #tpu.memory_space<hbm>>) dst(%arg10 : memref<5120xf32, #tpu.memory_space<vmem>>)
    %dma_wait3A_82 = tpu.memref_slice %arg2[%mul3A_41] : memref<92160xf32, #tpu.memory_space<hbm>> -> memref<5120xf32, #tpu.memory_space<hbm>>
    %dma_wait3A_83 = tpu.memref_slice %arg2[%mul3A_41] : memref<92160xf32, #tpu.memory_space<hbm>> -> memref<5120xf32, #tpu.memory_space<hbm>>
    tpu.wait_dma2 semaphore(%arg24 : memref<!tpu.dma_semaphore, #tpu.memory_space<semaphore_mem>>) src(%dma_wait3A_83 : memref<5120xf32, #tpu.memory_space<hbm>>) dst(%arg11 : memref<5120xf32, #tpu.memory_space<vmem>>)
    %dma_wait3A_84 = tpu.memref_slice %arg2[%mul3A_47] : memref<92160xf32, #tpu.memory_space<hbm>> -> memref<5120xf32, #tpu.memory_space<hbm>>
    %dma_wait3A_85 = tpu.memref_slice %arg2[%mul3A_47] : memref<92160xf32, #tpu.memory_space<hbm>> -> memref<5120xf32, #tpu.memory_space<hbm>>
    tpu.wait_dma2 semaphore(%arg24 : memref<!tpu.dma_semaphore, #tpu.memory_space<semaphore_mem>>) src(%dma_wait3A_85 : memref<5120xf32, #tpu.memory_space<hbm>>) dst(%arg12 : memref<5120xf32, #tpu.memory_space<vmem>>)
    %dma_wait3A_86 = tpu.memref_slice %arg2[%mul3A_53] : memref<92160xf32, #tpu.memory_space<hbm>> -> memref<5120xf32, #tpu.memory_space<hbm>>
    %dma_wait3A_87 = tpu.memref_slice %arg2[%mul3A_53] : memref<92160xf32, #tpu.memory_space<hbm>> -> memref<5120xf32, #tpu.memory_space<hbm>>
    tpu.wait_dma2 semaphore(%arg24 : memref<!tpu.dma_semaphore, #tpu.memory_space<semaphore_mem>>) src(%dma_wait3A_87 : memref<5120xf32, #tpu.memory_space<hbm>>) dst(%arg13 : memref<5120xf32, #tpu.memory_space<vmem>>)
    %parallel_loop3A = arith.constant 0 : i32
    %parallel_loop3A_88 = arith.constant 320 : i32
    %parallel_loop3A_89 = arith.constant 1 : i32
    scf.for %parallel_loop3A_138 = %parallel_loop3A to %parallel_loop3A_88 step %parallel_loop3A_89  : i32 {
      %parallel_loop3A_139 = arith.constant 16 : i32
      %parallel_loop3A_140 = arith.muli %parallel_loop3A_138, %parallel_loop3A_139 : i32
      %parallel_loop3A_141 = arith.index_cast %parallel_loop3A_140 : i32 to index
      %parallel_loop3A_142 = tpu.vector_load %arg5[%parallel_loop3A_141] {strides = array<i32>} : memref<5120xf32, #tpu.memory_space<vmem>>, vector<16xf32>,
      %parallel_loop3A_143 = arith.index_cast %parallel_loop3A_140 : i32 to index
      %parallel_loop3A_144 = tpu.vector_load %arg8[%parallel_loop3A_143] {strides = array<i32>} : memref<5120xf32, #tpu.memory_space<vmem>>, vector<16xf32>,
      %parallel_loop3A_145 = arith.index_cast %parallel_loop3A_140 : i32 to index
      %parallel_loop3A_146 = tpu.vector_load %arg11[%parallel_loop3A_145] {strides = array<i32>} : memref<5120xf32, #tpu.memory_space<vmem>>, vector<16xf32>,
      %parallel_loop3A_147 = arith.minimumf %parallel_loop3A_142, %parallel_loop3A_144 : vector<16xf32>
      %parallel_loop3A_148 = arith.minimumf %parallel_loop3A_147, %parallel_loop3A_146 : vector<16xf32>
      %parallel_loop3A_149 = arith.index_cast %parallel_loop3A_140 : i32 to index
      %parallel_loop3A_150 = tpu.vector_load %arg14[%parallel_loop3A_149] {strides = array<i32>} : memref<5120xf32, #tpu.memory_space<vmem>>, vector<16xf32>,
      tpu.vector_store %arg14[%parallel_loop3A_149], %parallel_loop3A_148 {strides = array<i32>} : memref<5120xf32, #tpu.memory_space<vmem>>, vector<16xf32>,
      %parallel_loop3A_151 = arith.maximumf %parallel_loop3A_142, %parallel_loop3A_144 : vector<16xf32>
      %parallel_loop3A_152 = arith.maximumf %parallel_loop3A_151, %parallel_loop3A_146 : vector<16xf32>
      %parallel_loop3A_153 = arith.index_cast %parallel_loop3A_140 : i32 to index
      %parallel_loop3A_154 = tpu.vector_load %arg17[%parallel_loop3A_153] {strides = array<i32>} : memref<5120xf32, #tpu.memory_space<vmem>>, vector<16xf32>,
      tpu.vector_store %arg17[%parallel_loop3A_153], %parallel_loop3A_152 {strides = array<i32>} : memref<5120xf32, #tpu.memory_space<vmem>>, vector<16xf32>,
      %parallel_loop3A_155 = arith.index_cast %parallel_loop3A_140 : i32 to index
      %parallel_loop3A_156 = tpu.vector_load %arg6[%parallel_loop3A_155] {strides = array<i32>} : memref<5120xf32, #tpu.memory_space<vmem>>, vector<16xf32>,
      %parallel_loop3A_157 = arith.index_cast %parallel_loop3A_140 : i32 to index
      %parallel_loop3A_158 = tpu.vector_load %arg9[%parallel_loop3A_157] {strides = array<i32>} : memref<5120xf32, #tpu.memory_space<vmem>>, vector<16xf32>,
      %parallel_loop3A_159 = arith.index_cast %parallel_loop3A_140 : i32 to index
      %parallel_loop3A_160 = tpu.vector_load %arg12[%parallel_loop3A_159] {strides = array<i32>} : memref<5120xf32, #tpu.memory_space<vmem>>, vector<16xf32>,
      %parallel_loop3A_161 = arith.minimumf %parallel_loop3A_156, %parallel_loop3A_158 : vector<16xf32>
      %parallel_loop3A_162 = arith.minimumf %parallel_loop3A_161, %parallel_loop3A_160 : vector<16xf32>
      %parallel_loop3A_163 = arith.index_cast %parallel_loop3A_140 : i32 to index
      %parallel_loop3A_164 = tpu.vector_load %arg15[%parallel_loop3A_163] {strides = array<i32>} : memref<5120xf32, #tpu.memory_space<vmem>>, vector<16xf32>,
      tpu.vector_store %arg15[%parallel_loop3A_163], %parallel_loop3A_162 {strides = array<i32>} : memref<5120xf32, #tpu.memory_space<vmem>>, vector<16xf32>,
      %parallel_loop3A_165 = arith.maximumf %parallel_loop3A_156, %parallel_loop3A_158 : vector<16xf32>
      %parallel_loop3A_166 = arith.maximumf %parallel_loop3A_165, %parallel_loop3A_160 : vector<16xf32>
      %parallel_loop3A_167 = arith.index_cast %parallel_loop3A_140 : i32 to index
      %parallel_loop3A_168 = tpu.vector_load %arg18[%parallel_loop3A_167] {strides = array<i32>} : memref<5120xf32, #tpu.memory_space<vmem>>, vector<16xf32>,
      tpu.vector_store %arg18[%parallel_loop3A_167], %parallel_loop3A_166 {strides = array<i32>} : memref<5120xf32, #tpu.memory_space<vmem>>, vector<16xf32>,
      %parallel_loop3A_169 = arith.index_cast %parallel_loop3A_140 : i32 to index
      %parallel_loop3A_170 = tpu.vector_load %arg7[%parallel_loop3A_169] {strides = array<i32>} : memref<5120xf32, #tpu.memory_space<vmem>>, vector<16xf32>,
      %parallel_loop3A_171 = arith.index_cast %parallel_loop3A_140 : i32 to index
      %parallel_loop3A_172 = tpu.vector_load %arg10[%parallel_loop3A_171] {strides = array<i32>} : memref<5120xf32, #tpu.memory_space<vmem>>, vector<16xf32>,
      %parallel_loop3A_173 = arith.index_cast %parallel_loop3A_140 : i32 to index
      %parallel_loop3A_174 = tpu.vector_load %arg13[%parallel_loop3A_173] {strides = array<i32>} : memref<5120xf32, #tpu.memory_space<vmem>>, vector<16xf32>,
      %parallel_loop3A_175 = arith.minimumf %parallel_loop3A_170, %parallel_loop3A_172 : vector<16xf32>
      %parallel_loop3A_176 = arith.minimumf %parallel_loop3A_175, %parallel_loop3A_174 : vector<16xf32>
      %parallel_loop3A_177 = arith.index_cast %parallel_loop3A_140 : i32 to index
      %parallel_loop3A_178 = tpu.vector_load %arg16[%parallel_loop3A_177] {strides = array<i32>} : memref<5120xf32, #tpu.memory_space<vmem>>, vector<16xf32>,
      tpu.vector_store %arg16[%parallel_loop3A_177], %parallel_loop3A_176 {strides = array<i32>} : memref<5120xf32, #tpu.memory_space<vmem>>, vector<16xf32>,
      %parallel_loop3A_179 = arith.maximumf %parallel_loop3A_170, %parallel_loop3A_172 : vector<16xf32>
      %parallel_loop3A_180 = arith.maximumf %parallel_loop3A_179, %parallel_loop3A_174 : vector<16xf32>
      %parallel_loop3A_181 = arith.index_cast %parallel_loop3A_140 : i32 to index
      %parallel_loop3A_182 = tpu.vector_load %arg19[%parallel_loop3A_181] {strides = array<i32>} : memref<5120xf32, #tpu.memory_space<vmem>>, vector<16xf32>,
      tpu.vector_store %arg19[%parallel_loop3A_181], %parallel_loop3A_180 {strides = array<i32>} : memref<5120xf32, #tpu.memory_space<vmem>>, vector<16xf32>,
    } {sc.loop_unroll_factor = 4 : i64, sc.parallel_access}
    %scan3A = arith.constant 0 : i32
    %scan3A_90 = arith.constant 0 : i32
    %scan3A_91 = arith.constant 157 : i32
    %scan3A_92 = arith.addi %scan3A_90, %scan3A_91 : i32
    %scan3A_93 = arith.constant 1 : i32
    scf.for %scan3A_138 = %scan3A_90 to %scan3A_92 step %scan3A_93  : i32 {
      %broadcast_in_dim3A = arith.constant -1 : i32
      %broadcast_in_dim3A_139 = vector.broadcast %broadcast_in_dim3A : i32 to vector<16xi32>
      %mul3A_140 = arith.constant 16 : i32
      %mul3A_141 = arith.muli %scan3A_138, %mul3A_140 : i32
      %swap3A = arith.index_cast %mul3A_141 : i32 to index
      %swap3A_142 = tpu.vector_load %arg20[%swap3A] {strides = array<i32>} : memref<2512xi32, #tpu.memory_space<vmem>>, vector<16xi32>,
      tpu.vector_store %arg20[%swap3A], %broadcast_in_dim3A_139 {strides = array<i32>} : memref<2512xi32, #tpu.memory_space<vmem>>, vector<16xi32>,
    }
    %scan3A_94 = arith.constant 157 : i32
    %scan3A_95 = arith.constant 0 : i32
    %scan3A_96 = arith.constant 0 : i32
    %scan3A_97 = arith.constant 157 : i32
    %scan3A_98 = arith.addi %scan3A_96, %scan3A_97 : i32
    %scan3A_99 = arith.constant 1 : i32
    scf.for %scan3A_138 = %scan3A_96 to %scan3A_98 step %scan3A_99  : i32 {
      %broadcast_in_dim3A = arith.constant -1 : i32
      %broadcast_in_dim3A_139 = vector.broadcast %broadcast_in_dim3A : i32 to vector<16xi32>
      %mul3A_140 = arith.constant 16 : i32
      %mul3A_141 = arith.muli %scan3A_138, %mul3A_140 : i32
      %swap3A = arith.index_cast %mul3A_141 : i32 to index
      %swap3A_142 = tpu.vector_load %arg21[%swap3A] {strides = array<i32>} : memref<2512xi32, #tpu.memory_space<vmem>>, vector<16xi32>,
      tpu.vector_store %arg21[%swap3A], %broadcast_in_dim3A_139 {strides = array<i32>} : memref<2512xi32, #tpu.memory_space<vmem>>, vector<16xi32>,
      %broadcast_in_dim3A_143 = arith.constant -1 : i32
      %broadcast_in_dim3A_144 = vector.broadcast %broadcast_in_dim3A_143 : i32 to vector<16xi32>
      %mul3A_145 = arith.constant 16 : i32
      %mul3A_146 = arith.muli %scan3A_138, %mul3A_145 : i32
      %swap3A_147 = arith.index_cast %mul3A_146 : i32 to index
      %swap3A_148 = tpu.vector_load %arg22[%swap3A_147] {strides = array<i32>} : memref<2512xi32, #tpu.memory_space<vmem>>, vector<16xi32>,
      tpu.vector_store %arg22[%swap3A_147], %broadcast_in_dim3A_144 {strides = array<i32>} : memref<2512xi32, #tpu.memory_space<vmem>>, vector<16xi32>,
    }
    %scan3A_100 = arith.constant 157 : i32
    %scan3A_101 = arith.constant 0 : i32
    %scan3A_102 = arith.constant 0 : i32
    %scan3A_103 = arith.constant 20 : i32
    %scan3A_104 = arith.addi %scan3A_102, %scan3A_103 : i32
    %scan3A_105 = arith.constant 1 : i32
    scf.for %scan3A_138 = %scan3A_102 to %scan3A_104 step %scan3A_105  : i32 {
      %broadcast_in_dim3A = arith.constant 8 : i32
      %broadcast_in_dim3A_139 = vector.broadcast %broadcast_in_dim3A : i32 to vector<16xi32>
      %mul3A_140 = arith.constant 16 : i32
      %mul3A_141 = arith.muli %scan3A_138, %mul3A_140 : i32
      %swap3A = arith.index_cast %mul3A_141 : i32 to index
      %swap3A_142 = tpu.vector_load %arg23[%swap3A] {strides = array<i32>} : memref<320xi32, #tpu.memory_space<vmem>>, vector<16xi32>,
      tpu.vector_store %arg23[%swap3A], %broadcast_in_dim3A_139 {strides = array<i32>} : memref<320xi32, #tpu.memory_space<vmem>>, vector<16xi32>,
    }
    %scan3A_106 = arith.constant 20 : i32
    %get3A = arith.constant 0 : index
    %get3A_107 = tpu.vector_load %arg14[%get3A] {strides = array<i32>} : memref<5120xf32, #tpu.memory_space<vmem>>, vector<16xf32>,
    %get3A_108 = arith.constant 0 : index
    %get3A_109 = tpu.vector_load %arg15[%get3A_108] {strides = array<i32>} : memref<5120xf32, #tpu.memory_space<vmem>>, vector<16xf32>,
    %get3A_110 = arith.constant 0 : index
    %get3A_111 = tpu.vector_load %arg16[%get3A_110] {strides = array<i32>} : memref<5120xf32, #tpu.memory_space<vmem>>, vector<16xf32>,
    %get3A_112 = arith.constant 0 : index
    %get3A_113 = tpu.vector_load %arg17[%get3A_112] {strides = array<i32>} : memref<5120xf32, #tpu.memory_space<vmem>>, vector<16xf32>,
    %get3A_114 = arith.constant 0 : index
    %get3A_115 = tpu.vector_load %arg18[%get3A_114] {strides = array<i32>} : memref<5120xf32, #tpu.memory_space<vmem>>, vector<16xf32>,
    %get3A_116 = arith.constant 0 : index
    %get3A_117 = tpu.vector_load %arg19[%get3A_116] {strides = array<i32>} : memref<5120xf32, #tpu.memory_space<vmem>>, vector<16xf32>,
    %parallel_loop3A_118 = arith.constant 0 : i32
    %parallel_loop3A_119 = arith.constant 314 : i32
    %parallel_loop3A_120 = arith.constant 1 : i32
    scf.for %parallel_loop3A_138 = %parallel_loop3A_118 to %parallel_loop3A_119 step %parallel_loop3A_120  : i32 {
      %parallel_loop3A_139 = arith.addi %mul3A_0, %parallel_loop3A_138 : i32
      %parallel_loop3A_140 = arith.constant 5000 : i32
      %parallel_loop3A_141 = arith.cmpi slt, %parallel_loop3A_139, %parallel_loop3A_140 : i32
      %parallel_loop3A_142 = arith.extui %parallel_loop3A_141 : i1 to i32
      %parallel_loop3A_143 = arith.constant 0 : i32
      %parallel_loop3A_144 = arith.cmpi ne, %parallel_loop3A_142, %parallel_loop3A_143 : i32
      scf.if %parallel_loop3A_144 {
        %parallel_loop3A_145 = vector.broadcast %parallel_loop3A_139 : i32 to vector<16xi32>
        %parallel_loop3A_146 = tpu.vector_load_idx %arg14[%parallel_loop3A_145] : memref<5120xf32, #tpu.memory_space<vmem>>[vector<16xi32>], vector<16xf32>,
        %parallel_loop3A_147 = tpu.vector_load_idx %arg15[%parallel_loop3A_145] : memref<5120xf32, #tpu.memory_space<vmem>>[vector<16xi32>], vector<16xf32>,
        %parallel_loop3A_148 = tpu.vector_load_idx %arg16[%parallel_loop3A_145] : memref<5120xf32, #tpu.memory_space<vmem>>[vector<16xi32>], vector<16xf32>,
        %parallel_loop3A_149 = tpu.vector_load_idx %arg17[%parallel_loop3A_145] : memref<5120xf32, #tpu.memory_space<vmem>>[vector<16xi32>], vector<16xf32>,
        %parallel_loop3A_150 = tpu.vector_load_idx %arg18[%parallel_loop3A_145] : memref<5120xf32, #tpu.memory_space<vmem>>[vector<16xi32>], vector<16xf32>,
        %parallel_loop3A_151 = tpu.vector_load_idx %arg19[%parallel_loop3A_145] : memref<5120xf32, #tpu.memory_space<vmem>>[vector<16xi32>], vector<16xf32>,
        %parallel_loop3A_152 = vector.broadcast %parallel_loop3A_139 : i32 to vector<16xi32>
        %parallel_loop3A_153 = arith.cmpi ne, %iota3A, %parallel_loop3A_152 : vector<16xi32>
        %parallel_loop3A_154 = arith.cmpf ole, %parallel_loop3A_146, %get3A_113 : vector<16xf32>
        %parallel_loop3A_155 = arith.andi %parallel_loop3A_153, %parallel_loop3A_154 : vector<16xi1>
        %parallel_loop3A_156 = arith.cmpf ole, %get3A_107, %parallel_loop3A_149 : vector<16xf32>
        %parallel_loop3A_157 = arith.andi %parallel_loop3A_155, %parallel_loop3A_156 : vector<16xi1>
        %parallel_loop3A_158 = arith.cmpf ole, %parallel_loop3A_147, %get3A_115 : vector<16xf32>
        %parallel_loop3A_159 = arith.andi %parallel_loop3A_157, %parallel_loop3A_158 : vector<16xi1>
        %parallel_loop3A_160 = arith.cmpf ole, %get3A_109, %parallel_loop3A_150 : vector<16xf32>
        %parallel_loop3A_161 = arith.andi %parallel_loop3A_159, %parallel_loop3A_160 : vector<16xi1>
        %parallel_loop3A_162 = arith.cmpf ole, %parallel_loop3A_148, %get3A_117 : vector<16xf32>
        %parallel_loop3A_163 = arith.andi %parallel_loop3A_161, %parallel_loop3A_162 : vector<16xi1>
        %parallel_loop3A_164 = arith.cmpf ole, %get3A_111, %parallel_loop3A_151 : vector<16xf32>
        %parallel_loop3A_165 = arith.andi %parallel_loop3A_163, %parallel_loop3A_164 : vector<16xi1>
        %parallel_loop3A_166 = arith.extui %parallel_loop3A_165 : vector<16xi1> to vector<16xi32>
        %parallel_loop3A_167 = arith.constant true
        %parallel_loop3A_168 = vector.broadcast %parallel_loop3A_167 : i1 to vector<16xi1>
        %parallel_loop3A_169 = tpu.scan <sum>, %parallel_loop3A_166 masked %parallel_loop3A_168 : vector<16xi32>, vector<16xi1> -> vector<16xi32>
        %parallel_loop3A_170 = arith.constant 1 : i32
        %parallel_loop3A_171 = vector.broadcast %parallel_loop3A_170 : i32 to vector<16xi32>
        %parallel_loop3A_172 = arith.subi %parallel_loop3A_169, %parallel_loop3A_171 : vector<16xi32>
        %parallel_loop3A_173 = arith.constant 8 : i32
        %parallel_loop3A_174 = vector.broadcast %parallel_loop3A_173 : i32 to vector<16xi32>
        %parallel_loop3A_175 = arith.cmpi slt, %parallel_loop3A_172, %parallel_loop3A_174 : vector<16xi32>
        %parallel_loop3A_176 = arith.andi %parallel_loop3A_165, %parallel_loop3A_175 : vector<16xi1>
        %parallel_loop3A_177 = arith.constant 8 : i32
        %parallel_loop3A_178 = arith.muli %parallel_loop3A_138, %parallel_loop3A_177 : i32
        %parallel_loop3A_179 = arith.constant 0 : i32
        %parallel_loop3A_180 = arith.constant 7 : i32
        %parallel_loop3A_181 = vector.broadcast %parallel_loop3A_179 : i32 to vector<16xi32>
        %parallel_loop3A_182 = arith.maxsi %parallel_loop3A_181, %parallel_loop3A_172 : vector<16xi32>
        %parallel_loop3A_183 = vector.broadcast %parallel_loop3A_180 : i32 to vector<16xi32>
        %parallel_loop3A_184 = arith.minsi %parallel_loop3A_183, %parallel_loop3A_182 : vector<16xi32>
        %parallel_loop3A_185 = vector.broadcast %parallel_loop3A_178 : i32 to vector<16xi32>
        %parallel_loop3A_186 = arith.addi %parallel_loop3A_185, %parallel_loop3A_184 : vector<16xi32>
        tpu.vector_store_idx %arg20[%parallel_loop3A_186], %iota3A masked %parallel_loop3A_176 : memref<2512xi32, #tpu.memory_space<vmem>>[vector<16xi32>], vector<16xi32>, vector<16xi1>
        %parallel_loop3A_187 = vector.broadcast %parallel_loop3A_138 : i32 to vector<16xi32>
        %parallel_loop3A_188 = arith.constant 15 : i32
        %parallel_loop3A_189 = vector.broadcast %parallel_loop3A_188 : i32 to vector<16xi32>
        %parallel_loop3A_190 = arith.cmpi eq, %iota3A, %parallel_loop3A_189 : vector<16xi32>
        tpu.vector_store_idx %arg23[%parallel_loop3A_187], %parallel_loop3A_169 masked %parallel_loop3A_190 : memref<320xi32, #tpu.memory_space<vmem>>[vector<16xi32>], vector<16xi32>, vector<16xi1>
      } else {
      }
    } {sc.loop_unroll_factor = 4 : i64, sc.parallel_access}
    %scan3A_121 = arith.constant 0 : i32
    %scan3A_122 = arith.constant 0 : i32
    %scan3A_123 = arith.constant 314 : i32
    %scan3A_124 = arith.addi %scan3A_122, %scan3A_123 : i32
    %scan3A_125 = arith.constant 1 : i32
    scf.for %scan3A_138 = %scan3A_122 to %scan3A_124 step %scan3A_125  : i32 {
      %add3A_139 = arith.addi %mul3A_0, %scan3A_138 : i32
      %broadcast_in_dim3A = vector.broadcast %scan3A_138 : i32 to vector<16xi32>
      %gather3A = tpu.vector_load_idx %arg23[%broadcast_in_dim3A] : memref<320xi32, #tpu.memory_space<vmem>>[vector<16xi32>], vector<16xi32>,
      %slice3A = vector.extract_strided_slice %gather3A {offsets = [0], sizes = [1], strides = [1]} : vector<16xi32> to vector<1xi32>
      %squeeze3A = vector.extract %slice3A[0] : i32 from vector<1xi32>
      %lt3A_140 = arith.constant 8 : i32
      %lt3A_141 = arith.cmpi slt, %squeeze3A, %lt3A_140 : i32
      %convert_element_type3A_142 = arith.extui %lt3A_141 : i1 to i32
      %cond3A_143 = arith.constant 0 : i32
      %cond3A_144 = arith.cmpi ne, %convert_element_type3A_142, %cond3A_143 : i32
      scf.if %cond3A_144 {
        %broadcast_in_dim3A_145 = vector.broadcast %add3A_139 : i32 to vector<16xi32>
        %gather3A_146 = tpu.vector_load_idx %arg14[%broadcast_in_dim3A_145] : memref<5120xf32, #tpu.memory_space<vmem>>[vector<16xi32>], vector<16xf32>,
        %gather3A_147 = tpu.vector_load_idx %arg15[%broadcast_in_dim3A_145] : memref<5120xf32, #tpu.memory_space<vmem>>[vector<16xi32>], vector<16xf32>,
        %gather3A_148 = tpu.vector_load_idx %arg16[%broadcast_in_dim3A_145] : memref<5120xf32, #tpu.memory_space<vmem>>[vector<16xi32>], vector<16xf32>,
        %gather3A_149 = tpu.vector_load_idx %arg17[%broadcast_in_dim3A_145] : memref<5120xf32, #tpu.memory_space<vmem>>[vector<16xi32>], vector<16xf32>,
        %gather3A_150 = tpu.vector_load_idx %arg18[%broadcast_in_dim3A_145] : memref<5120xf32, #tpu.memory_space<vmem>>[vector<16xi32>], vector<16xf32>,
        %gather3A_151 = tpu.vector_load_idx %arg19[%broadcast_in_dim3A_145] : memref<5120xf32, #tpu.memory_space<vmem>>[vector<16xi32>], vector<16xf32>,
        %mul3A_152 = arith.constant 8 : i32
        %mul3A_153 = arith.muli %scan3A_138, %mul3A_152 : i32
        %while3A = arith.constant 1 : i32
        %while3A_154:2 = scf.while (%while3A_155 = %while3A, %while3A_156 = %squeeze3A) : (i32, i32) -> (i32, i32) {
          %lt3A_157 = arith.constant 8 : i32
          %lt3A_158 = arith.cmpi slt, %while3A_156, %lt3A_157 : i32
          %lt3A_159 = arith.constant 320 : i32
          %lt3A_160 = arith.cmpi slt, %while3A_155, %lt3A_159 : i32
          %and3A = arith.andi %lt3A_158, %lt3A_160 : i1
          scf.condition(%and3A) %while3A_155, %while3A_156 : i32, i32
        } do {
        ^bb0(%while3A_155: i32, %while3A_156: i32):
          %mul3A_157 = arith.constant 16 : i32
          %mul3A_158 = arith.muli %while3A_155, %mul3A_157 : i32
          %add3A_159 = vector.broadcast %mul3A_158 : i32 to vector<16xi32>
          %add3A_160 = arith.addi %add3A_159, %iota3A : vector<16xi32>
          %ne3A = vector.broadcast %add3A_139 : i32 to vector<16xi32>
          %ne3A_161 = arith.cmpi ne, %add3A_160, %ne3A : vector<16xi32>
          %get3A_162 = arith.index_cast %mul3A_158 : i32 to index
          %get3A_163 = tpu.vector_load %arg14[%get3A_162] {strides = array<i32>} : memref<5120xf32, #tpu.memory_space<vmem>>, vector<16xf32>,
          %get3A_164 = arith.index_cast %mul3A_158 : i32 to index
          %get3A_165 = tpu.vector_load %arg17[%get3A_164] {strides = array<i32>} : memref<5120xf32, #tpu.memory_space<vmem>>, vector<16xf32>,
          %le3A = arith.cmpf ole, %gather3A_146, %get3A_165 : vector<16xf32>
          %and3A = arith.andi %ne3A_161, %le3A : vector<16xi1>
          %le3A_166 = arith.cmpf ole, %get3A_163, %gather3A_149 : vector<16xf32>
          %and3A_167 = arith.andi %and3A, %le3A_166 : vector<16xi1>
          %get3A_168 = arith.index_cast %mul3A_158 : i32 to index
          %get3A_169 = tpu.vector_load %arg15[%get3A_168] {strides = array<i32>} : memref<5120xf32, #tpu.memory_space<vmem>>, vector<16xf32>,
          %get3A_170 = arith.index_cast %mul3A_158 : i32 to index
          %get3A_171 = tpu.vector_load %arg18[%get3A_170] {strides = array<i32>} : memref<5120xf32, #tpu.memory_space<vmem>>, vector<16xf32>,
          %le3A_172 = arith.cmpf ole, %gather3A_147, %get3A_171 : vector<16xf32>
          %and3A_173 = arith.andi %and3A_167, %le3A_172 : vector<16xi1>
          %le3A_174 = arith.cmpf ole, %get3A_169, %gather3A_150 : vector<16xf32>
          %and3A_175 = arith.andi %and3A_173, %le3A_174 : vector<16xi1>
          %get3A_176 = arith.index_cast %mul3A_158 : i32 to index
          %get3A_177 = tpu.vector_load %arg16[%get3A_176] {strides = array<i32>} : memref<5120xf32, #tpu.memory_space<vmem>>, vector<16xf32>,
          %get3A_178 = arith.index_cast %mul3A_158 : i32 to index
          %get3A_179 = tpu.vector_load %arg19[%get3A_178] {strides = array<i32>} : memref<5120xf32, #tpu.memory_space<vmem>>, vector<16xf32>,
          %le3A_180 = arith.cmpf ole, %gather3A_148, %get3A_179 : vector<16xf32>
          %and3A_181 = arith.andi %and3A_175, %le3A_180 : vector<16xi1>
          %le3A_182 = arith.cmpf ole, %get3A_177, %gather3A_151 : vector<16xf32>
          %and3A_183 = arith.andi %and3A_181, %le3A_182 : vector<16xi1>
          %convert_element_type3A_184 = arith.extui %and3A_183 : vector<16xi1> to vector<16xi32>
          %broadcast_in_dim3A_185 = arith.constant true
          %broadcast_in_dim3A_186 = vector.broadcast %broadcast_in_dim3A_185 : i1 to vector<16xi1>
          %masked_cumsum3A = tpu.scan <sum>, %convert_element_type3A_184 masked %broadcast_in_dim3A_186 : vector<16xi32>, vector<16xi1> -> vector<16xi32>
          %sub3A = arith.constant 1 : i32
          %sub3A_187 = arith.subi %while3A_156, %sub3A : i32
          %add3A_188 = vector.broadcast %sub3A_187 : i32 to vector<16xi32>
          %add3A_189 = arith.addi %masked_cumsum3A, %add3A_188 : vector<16xi32>
          %lt3A_190 = arith.constant 8 : i32
          %lt3A_191 = vector.broadcast %lt3A_190 : i32 to vector<16xi32>
          %lt3A_192 = arith.cmpi slt, %add3A_189, %lt3A_191 : vector<16xi32>
          %and3A_193 = arith.andi %and3A_183, %lt3A_192 : vector<16xi1>
          %jit3A = arith.constant 0 : i32
          %jit3A_194 = arith.constant 7 : i32
          %max3A = vector.broadcast %jit3A : i32 to vector<16xi32>
          %max3A_195 = arith.maxsi %max3A, %add3A_189 : vector<16xi32>
          %min3A = vector.broadcast %jit3A_194 : i32 to vector<16xi32>
          %min3A_196 = arith.minsi %min3A, %max3A_195 : vector<16xi32>
          %add3A_197 = vector.broadcast %mul3A_153 : i32 to vector<16xi32>
          %add3A_198 = arith.addi %add3A_197, %min3A_196 : vector<16xi32>
          tpu.vector_store_idx %arg20[%add3A_198], %add3A_160 masked %and3A_193 : memref<2512xi32, #tpu.memory_space<vmem>>[vector<16xi32>], vector<16xi32>, vector<16xi1>
          %add3A_199 = arith.constant 1 : i32
          %add3A_200 = arith.addi %while3A_155, %add3A_199 : i32
          %slice3A_201 = vector.extract_strided_slice %masked_cumsum3A {offsets = [15], sizes = [1], strides = [1]} : vector<16xi32> to vector<1xi32>
          %squeeze3A_202 = vector.extract %slice3A_201[0] : i32 from vector<1xi32>
          %add3A_203 = arith.addi %while3A_156, %squeeze3A_202 : i32
          scf.yield %add3A_200, %add3A_203 : i32, i32
        }
      } else {
      }
    }
    %scan3A_126 = arith.constant 314 : i32
    %parallel_loop3A_127 = arith.constant 0 : i32
    %parallel_loop3A_128 = arith.constant 157 : i32
    %parallel_loop3A_129 = arith.constant 1 : i32
    scf.for %parallel_loop3A_138 = %parallel_loop3A_127 to %parallel_loop3A_128 step %parallel_loop3A_129  : i32 {
      %parallel_loop3A_139 = arith.constant 16 : i32
      %parallel_loop3A_140 = arith.muli %parallel_loop3A_138, %parallel_loop3A_139 : i32
      %parallel_loop3A_141 = vector.broadcast %parallel_loop3A_140 : i32 to vector<16xi32>
      %parallel_loop3A_142 = arith.addi %parallel_loop3A_141, %iota3A : vector<16xi32>
      %parallel_loop3A_143 = arith.constant 3 : i32
      %parallel_loop3A_144 = vector.broadcast %parallel_loop3A_143 : i32 to vector<16xi32>
      %parallel_loop3A_145 = arith.shrui %parallel_loop3A_142, %parallel_loop3A_144 : vector<16xi32>
      %parallel_loop3A_146 = vector.broadcast %mul3A_0 : i32 to vector<16xi32>
      %parallel_loop3A_147 = arith.addi %parallel_loop3A_146, %parallel_loop3A_145 : vector<16xi32>
      %parallel_loop3A_148 = arith.constant 16 : i32
      %parallel_loop3A_149 = arith.muli %parallel_loop3A_138, %parallel_loop3A_148 : i32
      %parallel_loop3A_150 = arith.index_cast %parallel_loop3A_149 : i32 to index
      %parallel_loop3A_151 = tpu.vector_load %arg20[%parallel_loop3A_150] {strides = array<i32>} : memref<2512xi32, #tpu.memory_space<vmem>>, vector<16xi32>,
      %parallel_loop3A_152 = arith.constant 0 : i32
      %parallel_loop3A_153 = vector.broadcast %parallel_loop3A_152 : i32 to vector<16xi32>
      %parallel_loop3A_154 = arith.cmpi sge, %parallel_loop3A_151, %parallel_loop3A_153 : vector<16xi32>
      %parallel_loop3A_155 = arith.constant 0 : i32
      %parallel_loop3A_156 = vector.broadcast %parallel_loop3A_155 : i32 to vector<16xi32>
      %parallel_loop3A_157 = arith.maxsi %parallel_loop3A_151, %parallel_loop3A_156 : vector<16xi32>
      %parallel_loop3A_158 = tpu.vector_load_idx %arg5[%parallel_loop3A_147] : memref<5120xf32, #tpu.memory_space<vmem>>[vector<16xi32>], vector<16xf32>,
      %parallel_loop3A_159 = tpu.vector_load_idx %arg6[%parallel_loop3A_147] : memref<5120xf32, #tpu.memory_space<vmem>>[vector<16xi32>], vector<16xf32>,
      %parallel_loop3A_160 = tpu.vector_load_idx %arg7[%parallel_loop3A_147] : memref<5120xf32, #tpu.memory_space<vmem>>[vector<16xi32>], vector<16xf32>,
      %parallel_loop3A_161 = tpu.vector_load_idx %arg8[%parallel_loop3A_147] : memref<5120xf32, #tpu.memory_space<vmem>>[vector<16xi32>], vector<16xf32>,
      %parallel_loop3A_162 = tpu.vector_load_idx %arg9[%parallel_loop3A_147] : memref<5120xf32, #tpu.memory_space<vmem>>[vector<16xi32>], vector<16xf32>,
      %parallel_loop3A_163 = tpu.vector_load_idx %arg10[%parallel_loop3A_147] : memref<5120xf32, #tpu.memory_space<vmem>>[vector<16xi32>], vector<16xf32>,
      %parallel_loop3A_164 = tpu.vector_load_idx %arg11[%parallel_loop3A_147] : memref<5120xf32, #tpu.memory_space<vmem>>[vector<16xi32>], vector<16xf32>,
      %parallel_loop3A_165 = tpu.vector_load_idx %arg12[%parallel_loop3A_147] : memref<5120xf32, #tpu.memory_space<vmem>>[vector<16xi32>], vector<16xf32>,
      %parallel_loop3A_166 = tpu.vector_load_idx %arg13[%parallel_loop3A_147] : memref<5120xf32, #tpu.memory_space<vmem>>[vector<16xi32>], vector<16xf32>,
      %parallel_loop3A_167 = tpu.vector_load_idx %arg5[%parallel_loop3A_157] : memref<5120xf32, #tpu.memory_space<vmem>>[vector<16xi32>], vector<16xf32>,
      %parallel_loop3A_168 = tpu.vector_load_idx %arg6[%parallel_loop3A_157] : memref<5120xf32, #tpu.memory_space<vmem>>[vector<16xi32>], vector<16xf32>,
      %parallel_loop3A_169 = tpu.vector_load_idx %arg7[%parallel_loop3A_157] : memref<5120xf32, #tpu.memory_space<vmem>>[vector<16xi32>], vector<16xf32>,
      %parallel_loop3A_170 = tpu.vector_load_idx %arg8[%parallel_loop3A_157] : memref<5120xf32, #tpu.memory_space<vmem>>[vector<16xi32>], vector<16xf32>,
      %parallel_loop3A_171 = tpu.vector_load_idx %arg9[%parallel_loop3A_157] : memref<5120xf32, #tpu.memory_space<vmem>>[vector<16xi32>], vector<16xf32>,
      %parallel_loop3A_172 = tpu.vector_load_idx %arg10[%parallel_loop3A_157] : memref<5120xf32, #tpu.memory_space<vmem>>[vector<16xi32>], vector<16xf32>,
      %parallel_loop3A_173 = tpu.vector_load_idx %arg11[%parallel_loop3A_157] : memref<5120xf32, #tpu.memory_space<vmem>>[vector<16xi32>], vector<16xf32>,
      %parallel_loop3A_174 = tpu.vector_load_idx %arg12[%parallel_loop3A_157] : memref<5120xf32, #tpu.memory_space<vmem>>[vector<16xi32>], vector<16xf32>,
      %parallel_loop3A_175 = tpu.vector_load_idx %arg13[%parallel_loop3A_157] : memref<5120xf32, #tpu.memory_space<vmem>>[vector<16xi32>], vector<16xf32>,
      %parallel_loop3A_176 = arith.subf %parallel_loop3A_170, %parallel_loop3A_167 : vector<16xf32>
      %parallel_loop3A_177 = arith.subf %parallel_loop3A_171, %parallel_loop3A_168 : vector<16xf32>
      %parallel_loop3A_178 = arith.subf %parallel_loop3A_172, %parallel_loop3A_169 : vector<16xf32>
      %parallel_loop3A_179 = arith.subf %parallel_loop3A_173, %parallel_loop3A_167 : vector<16xf32>
      %parallel_loop3A_180 = arith.subf %parallel_loop3A_174, %parallel_loop3A_168 : vector<16xf32>
      %parallel_loop3A_181 = arith.subf %parallel_loop3A_175, %parallel_loop3A_169 : vector<16xf32>
      %parallel_loop3A_182 = arith.mulf %parallel_loop3A_177, %parallel_loop3A_181 : vector<16xf32>
      %parallel_loop3A_183 = arith.mulf %parallel_loop3A_178, %parallel_loop3A_180 : vector<16xf32>
      %parallel_loop3A_184 = arith.subf %parallel_loop3A_182, %parallel_loop3A_183 : vector<16xf32>
      %parallel_loop3A_185 = arith.mulf %parallel_loop3A_178, %parallel_loop3A_179 : vector<16xf32>
      %parallel_loop3A_186 = arith.mulf %parallel_loop3A_176, %parallel_loop3A_181 : vector<16xf32>
      %parallel_loop3A_187 = arith.subf %parallel_loop3A_185, %parallel_loop3A_186 : vector<16xf32>
      %parallel_loop3A_188 = arith.mulf %parallel_loop3A_176, %parallel_loop3A_180 : vector<16xf32>
      %parallel_loop3A_189 = arith.mulf %parallel_loop3A_177, %parallel_loop3A_179 : vector<16xf32>
      %parallel_loop3A_190 = arith.subf %parallel_loop3A_188, %parallel_loop3A_189 : vector<16xf32>
      %parallel_loop3A_191 = arith.mulf %parallel_loop3A_184, %parallel_loop3A_167 : vector<16xf32>
      %parallel_loop3A_192 = arith.mulf %parallel_loop3A_187, %parallel_loop3A_168 : vector<16xf32>
      %parallel_loop3A_193 = arith.addf %parallel_loop3A_191, %parallel_loop3A_192 : vector<16xf32>
      %parallel_loop3A_194 = arith.mulf %parallel_loop3A_190, %parallel_loop3A_169 : vector<16xf32>
      %parallel_loop3A_195 = arith.addf %parallel_loop3A_193, %parallel_loop3A_194 : vector<16xf32>
      %parallel_loop3A_196 = arith.constant 0.000000e+00 : f32
      %parallel_loop3A_197 = vector.broadcast %parallel_loop3A_196 : f32 to vector<16xf32>
      %parallel_loop3A_198 = arith.subf %parallel_loop3A_197, %parallel_loop3A_195 : vector<16xf32>
      %parallel_loop3A_199 = arith.mulf %parallel_loop3A_184, %parallel_loop3A_158 : vector<16xf32>
      %parallel_loop3A_200 = arith.mulf %parallel_loop3A_187, %parallel_loop3A_159 : vector<16xf32>
      %parallel_loop3A_201 = arith.addf %parallel_loop3A_199, %parallel_loop3A_200 : vector<16xf32>
      %parallel_loop3A_202 = arith.mulf %parallel_loop3A_190, %parallel_loop3A_160 : vector<16xf32>
      %parallel_loop3A_203 = arith.addf %parallel_loop3A_201, %parallel_loop3A_202 : vector<16xf32>
      %parallel_loop3A_204 = arith.addf %parallel_loop3A_203, %parallel_loop3A_198 : vector<16xf32>
      %parallel_loop3A_205 = arith.mulf %parallel_loop3A_184, %parallel_loop3A_161 : vector<16xf32>
      %parallel_loop3A_206 = arith.mulf %parallel_loop3A_187, %parallel_loop3A_162 : vector<16xf32>
      %parallel_loop3A_207 = arith.addf %parallel_loop3A_205, %parallel_loop3A_206 : vector<16xf32>
      %parallel_loop3A_208 = arith.mulf %parallel_loop3A_190, %parallel_loop3A_163 : vector<16xf32>
      %parallel_loop3A_209 = arith.addf %parallel_loop3A_207, %parallel_loop3A_208 : vector<16xf32>
      %parallel_loop3A_210 = arith.addf %parallel_loop3A_209, %parallel_loop3A_198 : vector<16xf32>
      %parallel_loop3A_211 = arith.mulf %parallel_loop3A_184, %parallel_loop3A_164 : vector<16xf32>
      %parallel_loop3A_212 = arith.mulf %parallel_loop3A_187, %parallel_loop3A_165 : vector<16xf32>
      %parallel_loop3A_213 = arith.addf %parallel_loop3A_211, %parallel_loop3A_212 : vector<16xf32>
      %parallel_loop3A_214 = arith.mulf %parallel_loop3A_190, %parallel_loop3A_166 : vector<16xf32>
      %parallel_loop3A_215 = arith.addf %parallel_loop3A_213, %parallel_loop3A_214 : vector<16xf32>
      %parallel_loop3A_216 = arith.addf %parallel_loop3A_215, %parallel_loop3A_198 : vector<16xf32>
      %parallel_loop3A_217 = arith.subf %parallel_loop3A_161, %parallel_loop3A_158 : vector<16xf32>
      %parallel_loop3A_218 = arith.subf %parallel_loop3A_162, %parallel_loop3A_159 : vector<16xf32>
      %parallel_loop3A_219 = arith.subf %parallel_loop3A_163, %parallel_loop3A_160 : vector<16xf32>
      %parallel_loop3A_220 = arith.subf %parallel_loop3A_164, %parallel_loop3A_158 : vector<16xf32>
      %parallel_loop3A_221 = arith.subf %parallel_loop3A_165, %parallel_loop3A_159 : vector<16xf32>
      %parallel_loop3A_222 = arith.subf %parallel_loop3A_166, %parallel_loop3A_160 : vector<16xf32>
      %parallel_loop3A_223 = arith.mulf %parallel_loop3A_218, %parallel_loop3A_222 : vector<16xf32>
      %parallel_loop3A_224 = arith.mulf %parallel_loop3A_219, %parallel_loop3A_221 : vector<16xf32>
      %parallel_loop3A_225 = arith.subf %parallel_loop3A_223, %parallel_loop3A_224 : vector<16xf32>
      %parallel_loop3A_226 = arith.mulf %parallel_loop3A_219, %parallel_loop3A_220 : vector<16xf32>
      %parallel_loop3A_227 = arith.mulf %parallel_loop3A_217, %parallel_loop3A_222 : vector<16xf32>
      %parallel_loop3A_228 = arith.subf %parallel_loop3A_226, %parallel_loop3A_227 : vector<16xf32>
      %parallel_loop3A_229 = arith.mulf %parallel_loop3A_217, %parallel_loop3A_221 : vector<16xf32>
      %parallel_loop3A_230 = arith.mulf %parallel_loop3A_218, %parallel_loop3A_220 : vector<16xf32>
      %parallel_loop3A_231 = arith.subf %parallel_loop3A_229, %parallel_loop3A_230 : vector<16xf32>
      %parallel_loop3A_232 = arith.mulf %parallel_loop3A_225, %parallel_loop3A_158 : vector<16xf32>
      %parallel_loop3A_233 = arith.mulf %parallel_loop3A_228, %parallel_loop3A_159 : vector<16xf32>
      %parallel_loop3A_234 = arith.addf %parallel_loop3A_232, %parallel_loop3A_233 : vector<16xf32>
      %parallel_loop3A_235 = arith.mulf %parallel_loop3A_231, %parallel_loop3A_160 : vector<16xf32>
      %parallel_loop3A_236 = arith.addf %parallel_loop3A_234, %parallel_loop3A_235 : vector<16xf32>
      %parallel_loop3A_237 = arith.constant 0.000000e+00 : f32
      %parallel_loop3A_238 = vector.broadcast %parallel_loop3A_237 : f32 to vector<16xf32>
      %parallel_loop3A_239 = arith.subf %parallel_loop3A_238, %parallel_loop3A_236 : vector<16xf32>
      %parallel_loop3A_240 = arith.mulf %parallel_loop3A_225, %parallel_loop3A_167 : vector<16xf32>
      %parallel_loop3A_241 = arith.mulf %parallel_loop3A_228, %parallel_loop3A_168 : vector<16xf32>
      %parallel_loop3A_242 = arith.addf %parallel_loop3A_240, %parallel_loop3A_241 : vector<16xf32>
      %parallel_loop3A_243 = arith.mulf %parallel_loop3A_231, %parallel_loop3A_169 : vector<16xf32>
      %parallel_loop3A_244 = arith.addf %parallel_loop3A_242, %parallel_loop3A_243 : vector<16xf32>
      %parallel_loop3A_245 = arith.addf %parallel_loop3A_244, %parallel_loop3A_239 : vector<16xf32>
      %parallel_loop3A_246 = arith.mulf %parallel_loop3A_225, %parallel_loop3A_170 : vector<16xf32>
      %parallel_loop3A_247 = arith.mulf %parallel_loop3A_228, %parallel_loop3A_171 : vector<16xf32>
      %parallel_loop3A_248 = arith.addf %parallel_loop3A_246, %parallel_loop3A_247 : vector<16xf32>
      %parallel_loop3A_249 = arith.mulf %parallel_loop3A_231, %parallel_loop3A_172 : vector<16xf32>
      %parallel_loop3A_250 = arith.addf %parallel_loop3A_248, %parallel_loop3A_249 : vector<16xf32>
      %parallel_loop3A_251 = arith.addf %parallel_loop3A_250, %parallel_loop3A_239 : vector<16xf32>
      %parallel_loop3A_252 = arith.mulf %parallel_loop3A_225, %parallel_loop3A_173 : vector<16xf32>
      %parallel_loop3A_253 = arith.mulf %parallel_loop3A_228, %parallel_loop3A_174 : vector<16xf32>
      %parallel_loop3A_254 = arith.addf %parallel_loop3A_252, %parallel_loop3A_253 : vector<16xf32>
      %parallel_loop3A_255 = arith.mulf %parallel_loop3A_231, %parallel_loop3A_175 : vector<16xf32>
      %parallel_loop3A_256 = arith.addf %parallel_loop3A_254, %parallel_loop3A_255 : vector<16xf32>
      %parallel_loop3A_257 = arith.addf %parallel_loop3A_256, %parallel_loop3A_239 : vector<16xf32>
      %parallel_loop3A_258 = arith.constant 9.99999993E-9 : f32
      %parallel_loop3A_259 = vector.broadcast %parallel_loop3A_258 : f32 to vector<16xf32>
      %parallel_loop3A_260 = arith.cmpf ogt, %parallel_loop3A_204, %parallel_loop3A_259 : vector<16xf32>
      %parallel_loop3A_261 = arith.constant 9.99999993E-9 : f32
      %parallel_loop3A_262 = vector.broadcast %parallel_loop3A_261 : f32 to vector<16xf32>
      %parallel_loop3A_263 = arith.cmpf ogt, %parallel_loop3A_210, %parallel_loop3A_262 : vector<16xf32>
      %parallel_loop3A_264 = arith.andi %parallel_loop3A_260, %parallel_loop3A_263 : vector<16xi1>
      %parallel_loop3A_265 = arith.constant 9.99999993E-9 : f32
      %parallel_loop3A_266 = vector.broadcast %parallel_loop3A_265 : f32 to vector<16xf32>
      %parallel_loop3A_267 = arith.cmpf ogt, %parallel_loop3A_216, %parallel_loop3A_266 : vector<16xf32>
      %parallel_loop3A_268 = arith.andi %parallel_loop3A_264, %parallel_loop3A_267 : vector<16xi1>
      %parallel_loop3A_269 = arith.constant -9.99999993E-9 : f32
      %parallel_loop3A_270 = vector.broadcast %parallel_loop3A_269 : f32 to vector<16xf32>
      %parallel_loop3A_271 = arith.cmpf olt, %parallel_loop3A_204, %parallel_loop3A_270 : vector<16xf32>
      %parallel_loop3A_272 = arith.constant -9.99999993E-9 : f32
      %parallel_loop3A_273 = vector.broadcast %parallel_loop3A_272 : f32 to vector<16xf32>
      %parallel_loop3A_274 = arith.cmpf olt, %parallel_loop3A_210, %parallel_loop3A_273 : vector<16xf32>
      %parallel_loop3A_275 = arith.andi %parallel_loop3A_271, %parallel_loop3A_274 : vector<16xi1>
      %parallel_loop3A_276 = arith.constant -9.99999993E-9 : f32
      %parallel_loop3A_277 = vector.broadcast %parallel_loop3A_276 : f32 to vector<16xf32>
      %parallel_loop3A_278 = arith.cmpf olt, %parallel_loop3A_216, %parallel_loop3A_277 : vector<16xf32>
      %parallel_loop3A_279 = arith.andi %parallel_loop3A_275, %parallel_loop3A_278 : vector<16xi1>
      %parallel_loop3A_280 = arith.ori %parallel_loop3A_268, %parallel_loop3A_279 : vector<16xi1>
      %parallel_loop3A_281 = arith.constant 9.99999993E-9 : f32
      %parallel_loop3A_282 = vector.broadcast %parallel_loop3A_281 : f32 to vector<16xf32>
      %parallel_loop3A_283 = arith.cmpf ogt, %parallel_loop3A_245, %parallel_loop3A_282 : vector<16xf32>
      %parallel_loop3A_284 = arith.constant 9.99999993E-9 : f32
      %parallel_loop3A_285 = vector.broadcast %parallel_loop3A_284 : f32 to vector<16xf32>
      %parallel_loop3A_286 = arith.cmpf ogt, %parallel_loop3A_251, %parallel_loop3A_285 : vector<16xf32>
      %parallel_loop3A_287 = arith.andi %parallel_loop3A_283, %parallel_loop3A_286 : vector<16xi1>
      %parallel_loop3A_288 = arith.constant 9.99999993E-9 : f32
      %parallel_loop3A_289 = vector.broadcast %parallel_loop3A_288 : f32 to vector<16xf32>
      %parallel_loop3A_290 = arith.cmpf ogt, %parallel_loop3A_257, %parallel_loop3A_289 : vector<16xf32>
      %parallel_loop3A_291 = arith.andi %parallel_loop3A_287, %parallel_loop3A_290 : vector<16xi1>
      %parallel_loop3A_292 = arith.constant -9.99999993E-9 : f32
      %parallel_loop3A_293 = vector.broadcast %parallel_loop3A_292 : f32 to vector<16xf32>
      %parallel_loop3A_294 = arith.cmpf olt, %parallel_loop3A_245, %parallel_loop3A_293 : vector<16xf32>
      %parallel_loop3A_295 = arith.constant -9.99999993E-9 : f32
      %parallel_loop3A_296 = vector.broadcast %parallel_loop3A_295 : f32 to vector<16xf32>
      %parallel_loop3A_297 = arith.cmpf olt, %parallel_loop3A_251, %parallel_loop3A_296 : vector<16xf32>
      %parallel_loop3A_298 = arith.andi %parallel_loop3A_294, %parallel_loop3A_297 : vector<16xi1>
      %parallel_loop3A_299 = arith.constant -9.99999993E-9 : f32
      %parallel_loop3A_300 = vector.broadcast %parallel_loop3A_299 : f32 to vector<16xf32>
      %parallel_loop3A_301 = arith.cmpf olt, %parallel_loop3A_257, %parallel_loop3A_300 : vector<16xf32>
      %parallel_loop3A_302 = arith.andi %parallel_loop3A_298, %parallel_loop3A_301 : vector<16xi1>
      %parallel_loop3A_303 = arith.ori %parallel_loop3A_291, %parallel_loop3A_302 : vector<16xi1>
      %parallel_loop3A_304 = arith.mulf %parallel_loop3A_228, %parallel_loop3A_190 : vector<16xf32>
      %parallel_loop3A_305 = arith.mulf %parallel_loop3A_231, %parallel_loop3A_187 : vector<16xf32>
      %parallel_loop3A_306 = arith.subf %parallel_loop3A_304, %parallel_loop3A_305 : vector<16xf32>
      %parallel_loop3A_307 = arith.mulf %parallel_loop3A_231, %parallel_loop3A_184 : vector<16xf32>
      %parallel_loop3A_308 = arith.mulf %parallel_loop3A_225, %parallel_loop3A_190 : vector<16xf32>
      %parallel_loop3A_309 = arith.subf %parallel_loop3A_307, %parallel_loop3A_308 : vector<16xf32>
      %parallel_loop3A_310 = arith.mulf %parallel_loop3A_225, %parallel_loop3A_187 : vector<16xf32>
      %parallel_loop3A_311 = arith.mulf %parallel_loop3A_228, %parallel_loop3A_184 : vector<16xf32>
      %parallel_loop3A_312 = arith.subf %parallel_loop3A_310, %parallel_loop3A_311 : vector<16xf32>
      %parallel_loop3A_313 = arith.mulf %parallel_loop3A_306, %parallel_loop3A_306 : vector<16xf32>
      %parallel_loop3A_314 = arith.mulf %parallel_loop3A_309, %parallel_loop3A_309 : vector<16xf32>
      %parallel_loop3A_315 = arith.addf %parallel_loop3A_313, %parallel_loop3A_314 : vector<16xf32>
      %parallel_loop3A_316 = arith.mulf %parallel_loop3A_312, %parallel_loop3A_312 : vector<16xf32>
      %parallel_loop3A_317 = arith.addf %parallel_loop3A_315, %parallel_loop3A_316 : vector<16xf32>
      %parallel_loop3A_318 = arith.constant 9.99999993E-9 : f32
      %parallel_loop3A_319 = vector.broadcast %parallel_loop3A_318 : f32 to vector<16xf32>
      %parallel_loop3A_320 = arith.cmpf ole, %parallel_loop3A_317, %parallel_loop3A_319 : vector<16xf32>
      %parallel_loop3A_321 = arith.mulf %parallel_loop3A_306, %parallel_loop3A_158 : vector<16xf32>
      %parallel_loop3A_322 = arith.mulf %parallel_loop3A_309, %parallel_loop3A_159 : vector<16xf32>
      %parallel_loop3A_323 = arith.addf %parallel_loop3A_321, %parallel_loop3A_322 : vector<16xf32>
      %parallel_loop3A_324 = arith.mulf %parallel_loop3A_312, %parallel_loop3A_160 : vector<16xf32>
      %parallel_loop3A_325 = arith.addf %parallel_loop3A_323, %parallel_loop3A_324 : vector<16xf32>
      %parallel_loop3A_326 = arith.mulf %parallel_loop3A_306, %parallel_loop3A_161 : vector<16xf32>
      %parallel_loop3A_327 = arith.mulf %parallel_loop3A_309, %parallel_loop3A_162 : vector<16xf32>
      %parallel_loop3A_328 = arith.addf %parallel_loop3A_326, %parallel_loop3A_327 : vector<16xf32>
      %parallel_loop3A_329 = arith.mulf %parallel_loop3A_312, %parallel_loop3A_163 : vector<16xf32>
      %parallel_loop3A_330 = arith.addf %parallel_loop3A_328, %parallel_loop3A_329 : vector<16xf32>
      %parallel_loop3A_331 = arith.mulf %parallel_loop3A_306, %parallel_loop3A_164 : vector<16xf32>
      %parallel_loop3A_332 = arith.mulf %parallel_loop3A_309, %parallel_loop3A_165 : vector<16xf32>
      %parallel_loop3A_333 = arith.addf %parallel_loop3A_331, %parallel_loop3A_332 : vector<16xf32>
      %parallel_loop3A_334 = arith.mulf %parallel_loop3A_312, %parallel_loop3A_166 : vector<16xf32>
      %parallel_loop3A_335 = arith.addf %parallel_loop3A_333, %parallel_loop3A_334 : vector<16xf32>
      %parallel_loop3A_336 = arith.mulf %parallel_loop3A_306, %parallel_loop3A_167 : vector<16xf32>
      %parallel_loop3A_337 = arith.mulf %parallel_loop3A_309, %parallel_loop3A_168 : vector<16xf32>
      %parallel_loop3A_338 = arith.addf %parallel_loop3A_336, %parallel_loop3A_337 : vector<16xf32>
      %parallel_loop3A_339 = arith.mulf %parallel_loop3A_312, %parallel_loop3A_169 : vector<16xf32>
      %parallel_loop3A_340 = arith.addf %parallel_loop3A_338, %parallel_loop3A_339 : vector<16xf32>
      %parallel_loop3A_341 = arith.mulf %parallel_loop3A_306, %parallel_loop3A_170 : vector<16xf32>
      %parallel_loop3A_342 = arith.mulf %parallel_loop3A_309, %parallel_loop3A_171 : vector<16xf32>
      %parallel_loop3A_343 = arith.addf %parallel_loop3A_341, %parallel_loop3A_342 : vector<16xf32>
      %parallel_loop3A_344 = arith.mulf %parallel_loop3A_312, %parallel_loop3A_172 : vector<16xf32>
      %parallel_loop3A_345 = arith.addf %parallel_loop3A_343, %parallel_loop3A_344 : vector<16xf32>
      %parallel_loop3A_346 = arith.mulf %parallel_loop3A_306, %parallel_loop3A_173 : vector<16xf32>
      %parallel_loop3A_347 = arith.mulf %parallel_loop3A_309, %parallel_loop3A_174 : vector<16xf32>
      %parallel_loop3A_348 = arith.addf %parallel_loop3A_346, %parallel_loop3A_347 : vector<16xf32>
      %parallel_loop3A_349 = arith.mulf %parallel_loop3A_312, %parallel_loop3A_175 : vector<16xf32>
      %parallel_loop3A_350 = arith.addf %parallel_loop3A_348, %parallel_loop3A_349 : vector<16xf32>
      %parallel_loop3A_351 = arith.constant 0x7F800000 : f32
      %parallel_loop3A_352 = vector.broadcast %parallel_loop3A_351 : f32 to vector<16xf32>
      %parallel_loop3A_353 = arith.constant 0xFF800000 : f32
      %parallel_loop3A_354 = vector.broadcast %parallel_loop3A_353 : f32 to vector<16xf32>
      %parallel_loop3A_355 = arith.mulf %parallel_loop3A_204, %parallel_loop3A_210 : vector<16xf32>
      %parallel_loop3A_356 = arith.constant 0.000000e+00 : f32
      %parallel_loop3A_357 = vector.broadcast %parallel_loop3A_356 : f32 to vector<16xf32>
      %parallel_loop3A_358 = arith.cmpf olt, %parallel_loop3A_355, %parallel_loop3A_357 : vector<16xf32>
      %parallel_loop3A_359 = arith.subf %parallel_loop3A_204, %parallel_loop3A_210 : vector<16xf32>
      %parallel_loop3A_360 = math.absf %parallel_loop3A_359 : vector<16xf32>
      %parallel_loop3A_361 = arith.constant 1.000000e-30 : f32
      %parallel_loop3A_362 = vector.broadcast %parallel_loop3A_361 : f32 to vector<16xf32>
      %parallel_loop3A_363 = arith.cmpf ogt, %parallel_loop3A_360, %parallel_loop3A_362 : vector<16xf32>
      %parallel_loop3A_364 = arith.constant 1.000000e+00 : f32
      %parallel_loop3A_365 = vector.broadcast %parallel_loop3A_364 : f32 to vector<16xf32>
      %parallel_loop3A_366 = arith.select %parallel_loop3A_363, %parallel_loop3A_359, %parallel_loop3A_365 : vector<16xi1>, vector<16xf32>
      %parallel_loop3A_367 = arith.divf %parallel_loop3A_204, %parallel_loop3A_366 : vector<16xf32>
      %parallel_loop3A_368 = arith.subf %parallel_loop3A_330, %parallel_loop3A_325 : vector<16xf32>
      %parallel_loop3A_369 = arith.mulf %parallel_loop3A_367, %parallel_loop3A_368 : vector<16xf32>
      %parallel_loop3A_370 = arith.addf %parallel_loop3A_325, %parallel_loop3A_369 : vector<16xf32>
      %parallel_loop3A_371 = arith.minimumf %parallel_loop3A_352, %parallel_loop3A_370 : vector<16xf32>
      %parallel_loop3A_372 = arith.select %parallel_loop3A_358, %parallel_loop3A_371, %parallel_loop3A_352 : vector<16xi1>, vector<16xf32>
      %parallel_loop3A_373 = arith.maximumf %parallel_loop3A_354, %parallel_loop3A_370 : vector<16xf32>
      %parallel_loop3A_374 = arith.select %parallel_loop3A_358, %parallel_loop3A_373, %parallel_loop3A_354 : vector<16xi1>, vector<16xf32>
      %parallel_loop3A_375 = arith.mulf %parallel_loop3A_210, %parallel_loop3A_216 : vector<16xf32>
      %parallel_loop3A_376 = arith.constant 0.000000e+00 : f32
      %parallel_loop3A_377 = vector.broadcast %parallel_loop3A_376 : f32 to vector<16xf32>
      %parallel_loop3A_378 = arith.cmpf olt, %parallel_loop3A_375, %parallel_loop3A_377 : vector<16xf32>
      %parallel_loop3A_379 = arith.subf %parallel_loop3A_210, %parallel_loop3A_216 : vector<16xf32>
      %parallel_loop3A_380 = math.absf %parallel_loop3A_379 : vector<16xf32>
      %parallel_loop3A_381 = arith.constant 1.000000e-30 : f32
      %parallel_loop3A_382 = vector.broadcast %parallel_loop3A_381 : f32 to vector<16xf32>
      %parallel_loop3A_383 = arith.cmpf ogt, %parallel_loop3A_380, %parallel_loop3A_382 : vector<16xf32>
      %parallel_loop3A_384 = arith.constant 1.000000e+00 : f32
      %parallel_loop3A_385 = vector.broadcast %parallel_loop3A_384 : f32 to vector<16xf32>
      %parallel_loop3A_386 = arith.select %parallel_loop3A_383, %parallel_loop3A_379, %parallel_loop3A_385 : vector<16xi1>, vector<16xf32>
      %parallel_loop3A_387 = arith.divf %parallel_loop3A_210, %parallel_loop3A_386 : vector<16xf32>
      %parallel_loop3A_388 = arith.subf %parallel_loop3A_335, %parallel_loop3A_330 : vector<16xf32>
      %parallel_loop3A_389 = arith.mulf %parallel_loop3A_387, %parallel_loop3A_388 : vector<16xf32>
      %parallel_loop3A_390 = arith.addf %parallel_loop3A_330, %parallel_loop3A_389 : vector<16xf32>
      %parallel_loop3A_391 = arith.minimumf %parallel_loop3A_372, %parallel_loop3A_390 : vector<16xf32>
      %parallel_loop3A_392 = arith.select %parallel_loop3A_378, %parallel_loop3A_391, %parallel_loop3A_372 : vector<16xi1>, vector<16xf32>
      %parallel_loop3A_393 = arith.maximumf %parallel_loop3A_374, %parallel_loop3A_390 : vector<16xf32>
      %parallel_loop3A_394 = arith.select %parallel_loop3A_378, %parallel_loop3A_393, %parallel_loop3A_374 : vector<16xi1>, vector<16xf32>
      %parallel_loop3A_395 = arith.mulf %parallel_loop3A_216, %parallel_loop3A_204 : vector<16xf32>
      %parallel_loop3A_396 = arith.constant 0.000000e+00 : f32
      %parallel_loop3A_397 = vector.broadcast %parallel_loop3A_396 : f32 to vector<16xf32>
      %parallel_loop3A_398 = arith.cmpf olt, %parallel_loop3A_395, %parallel_loop3A_397 : vector<16xf32>
      %parallel_loop3A_399 = arith.subf %parallel_loop3A_216, %parallel_loop3A_204 : vector<16xf32>
      %parallel_loop3A_400 = math.absf %parallel_loop3A_399 : vector<16xf32>
      %parallel_loop3A_401 = arith.constant 1.000000e-30 : f32
      %parallel_loop3A_402 = vector.broadcast %parallel_loop3A_401 : f32 to vector<16xf32>
      %parallel_loop3A_403 = arith.cmpf ogt, %parallel_loop3A_400, %parallel_loop3A_402 : vector<16xf32>
      %parallel_loop3A_404 = arith.constant 1.000000e+00 : f32
      %parallel_loop3A_405 = vector.broadcast %parallel_loop3A_404 : f32 to vector<16xf32>
      %parallel_loop3A_406 = arith.select %parallel_loop3A_403, %parallel_loop3A_399, %parallel_loop3A_405 : vector<16xi1>, vector<16xf32>
      %parallel_loop3A_407 = arith.divf %parallel_loop3A_216, %parallel_loop3A_406 : vector<16xf32>
      %parallel_loop3A_408 = arith.subf %parallel_loop3A_325, %parallel_loop3A_335 : vector<16xf32>
      %parallel_loop3A_409 = arith.mulf %parallel_loop3A_407, %parallel_loop3A_408 : vector<16xf32>
      %parallel_loop3A_410 = arith.addf %parallel_loop3A_335, %parallel_loop3A_409 : vector<16xf32>
      %parallel_loop3A_411 = arith.minimumf %parallel_loop3A_392, %parallel_loop3A_410 : vector<16xf32>
      %parallel_loop3A_412 = arith.select %parallel_loop3A_398, %parallel_loop3A_411, %parallel_loop3A_392 : vector<16xi1>, vector<16xf32>
      %parallel_loop3A_413 = arith.maximumf %parallel_loop3A_394, %parallel_loop3A_410 : vector<16xf32>
      %parallel_loop3A_414 = arith.select %parallel_loop3A_398, %parallel_loop3A_413, %parallel_loop3A_394 : vector<16xi1>, vector<16xf32>
      %parallel_loop3A_415 = arith.constant 0x7F800000 : f32
      %parallel_loop3A_416 = vector.broadcast %parallel_loop3A_415 : f32 to vector<16xf32>
      %parallel_loop3A_417 = arith.constant 0xFF800000 : f32
      %parallel_loop3A_418 = vector.broadcast %parallel_loop3A_417 : f32 to vector<16xf32>
      %parallel_loop3A_419 = arith.mulf %parallel_loop3A_245, %parallel_loop3A_251 : vector<16xf32>
      %parallel_loop3A_420 = arith.constant 0.000000e+00 : f32
      %parallel_loop3A_421 = vector.broadcast %parallel_loop3A_420 : f32 to vector<16xf32>
      %parallel_loop3A_422 = arith.cmpf olt, %parallel_loop3A_419, %parallel_loop3A_421 : vector<16xf32>
      %parallel_loop3A_423 = arith.subf %parallel_loop3A_245, %parallel_loop3A_251 : vector<16xf32>
      %parallel_loop3A_424 = math.absf %parallel_loop3A_423 : vector<16xf32>
      %parallel_loop3A_425 = arith.constant 1.000000e-30 : f32
      %parallel_loop3A_426 = vector.broadcast %parallel_loop3A_425 : f32 to vector<16xf32>
      %parallel_loop3A_427 = arith.cmpf ogt, %parallel_loop3A_424, %parallel_loop3A_426 : vector<16xf32>
      %parallel_loop3A_428 = arith.constant 1.000000e+00 : f32
      %parallel_loop3A_429 = vector.broadcast %parallel_loop3A_428 : f32 to vector<16xf32>
      %parallel_loop3A_430 = arith.select %parallel_loop3A_427, %parallel_loop3A_423, %parallel_loop3A_429 : vector<16xi1>, vector<16xf32>
      %parallel_loop3A_431 = arith.divf %parallel_loop3A_245, %parallel_loop3A_430 : vector<16xf32>
      %parallel_loop3A_432 = arith.subf %parallel_loop3A_345, %parallel_loop3A_340 : vector<16xf32>
      %parallel_loop3A_433 = arith.mulf %parallel_loop3A_431, %parallel_loop3A_432 : vector<16xf32>
      %parallel_loop3A_434 = arith.addf %parallel_loop3A_340, %parallel_loop3A_433 : vector<16xf32>
      %parallel_loop3A_435 = arith.minimumf %parallel_loop3A_416, %parallel_loop3A_434 : vector<16xf32>
      %parallel_loop3A_436 = arith.select %parallel_loop3A_422, %parallel_loop3A_435, %parallel_loop3A_416 : vector<16xi1>, vector<16xf32>
      %parallel_loop3A_437 = arith.maximumf %parallel_loop3A_418, %parallel_loop3A_434 : vector<16xf32>
      %parallel_loop3A_438 = arith.select %parallel_loop3A_422, %parallel_loop3A_437, %parallel_loop3A_418 : vector<16xi1>, vector<16xf32>
      %parallel_loop3A_439 = arith.mulf %parallel_loop3A_251, %parallel_loop3A_257 : vector<16xf32>
      %parallel_loop3A_440 = arith.constant 0.000000e+00 : f32
      %parallel_loop3A_441 = vector.broadcast %parallel_loop3A_440 : f32 to vector<16xf32>
      %parallel_loop3A_442 = arith.cmpf olt, %parallel_loop3A_439, %parallel_loop3A_441 : vector<16xf32>
      %parallel_loop3A_443 = arith.subf %parallel_loop3A_251, %parallel_loop3A_257 : vector<16xf32>
      %parallel_loop3A_444 = math.absf %parallel_loop3A_443 : vector<16xf32>
      %parallel_loop3A_445 = arith.constant 1.000000e-30 : f32
      %parallel_loop3A_446 = vector.broadcast %parallel_loop3A_445 : f32 to vector<16xf32>
      %parallel_loop3A_447 = arith.cmpf ogt, %parallel_loop3A_444, %parallel_loop3A_446 : vector<16xf32>
      %parallel_loop3A_448 = arith.constant 1.000000e+00 : f32
      %parallel_loop3A_449 = vector.broadcast %parallel_loop3A_448 : f32 to vector<16xf32>
      %parallel_loop3A_450 = arith.select %parallel_loop3A_447, %parallel_loop3A_443, %parallel_loop3A_449 : vector<16xi1>, vector<16xf32>
      %parallel_loop3A_451 = arith.divf %parallel_loop3A_251, %parallel_loop3A_450 : vector<16xf32>
      %parallel_loop3A_452 = arith.subf %parallel_loop3A_350, %parallel_loop3A_345 : vector<16xf32>
      %parallel_loop3A_453 = arith.mulf %parallel_loop3A_451, %parallel_loop3A_452 : vector<16xf32>
      %parallel_loop3A_454 = arith.addf %parallel_loop3A_345, %parallel_loop3A_453 : vector<16xf32>
      %parallel_loop3A_455 = arith.minimumf %parallel_loop3A_436, %parallel_loop3A_454 : vector<16xf32>
      %parallel_loop3A_456 = arith.select %parallel_loop3A_442, %parallel_loop3A_455, %parallel_loop3A_436 : vector<16xi1>, vector<16xf32>
      %parallel_loop3A_457 = arith.maximumf %parallel_loop3A_438, %parallel_loop3A_454 : vector<16xf32>
      %parallel_loop3A_458 = arith.select %parallel_loop3A_442, %parallel_loop3A_457, %parallel_loop3A_438 : vector<16xi1>, vector<16xf32>
      %parallel_loop3A_459 = arith.mulf %parallel_loop3A_257, %parallel_loop3A_245 : vector<16xf32>
      %parallel_loop3A_460 = arith.constant 0.000000e+00 : f32
      %parallel_loop3A_461 = vector.broadcast %parallel_loop3A_460 : f32 to vector<16xf32>
      %parallel_loop3A_462 = arith.cmpf olt, %parallel_loop3A_459, %parallel_loop3A_461 : vector<16xf32>
      %parallel_loop3A_463 = arith.subf %parallel_loop3A_257, %parallel_loop3A_245 : vector<16xf32>
      %parallel_loop3A_464 = math.absf %parallel_loop3A_463 : vector<16xf32>
      %parallel_loop3A_465 = arith.constant 1.000000e-30 : f32
      %parallel_loop3A_466 = vector.broadcast %parallel_loop3A_465 : f32 to vector<16xf32>
      %parallel_loop3A_467 = arith.cmpf ogt, %parallel_loop3A_464, %parallel_loop3A_466 : vector<16xf32>
      %parallel_loop3A_468 = arith.constant 1.000000e+00 : f32
      %parallel_loop3A_469 = vector.broadcast %parallel_loop3A_468 : f32 to vector<16xf32>
      %parallel_loop3A_470 = arith.select %parallel_loop3A_467, %parallel_loop3A_463, %parallel_loop3A_469 : vector<16xi1>, vector<16xf32>
      %parallel_loop3A_471 = arith.divf %parallel_loop3A_257, %parallel_loop3A_470 : vector<16xf32>
      %parallel_loop3A_472 = arith.subf %parallel_loop3A_340, %parallel_loop3A_350 : vector<16xf32>
      %parallel_loop3A_473 = arith.mulf %parallel_loop3A_471, %parallel_loop3A_472 : vector<16xf32>
      %parallel_loop3A_474 = arith.addf %parallel_loop3A_350, %parallel_loop3A_473 : vector<16xf32>
      %parallel_loop3A_475 = arith.minimumf %parallel_loop3A_456, %parallel_loop3A_474 : vector<16xf32>
      %parallel_loop3A_476 = arith.select %parallel_loop3A_462, %parallel_loop3A_475, %parallel_loop3A_456 : vector<16xi1>, vector<16xf32>
      %parallel_loop3A_477 = arith.maximumf %parallel_loop3A_458, %parallel_loop3A_474 : vector<16xf32>
      %parallel_loop3A_478 = arith.select %parallel_loop3A_462, %parallel_loop3A_477, %parallel_loop3A_458 : vector<16xi1>, vector<16xf32>
      %parallel_loop3A_479 = arith.maximumf %parallel_loop3A_412, %parallel_loop3A_476 : vector<16xf32>
      %parallel_loop3A_480 = arith.minimumf %parallel_loop3A_414, %parallel_loop3A_478 : vector<16xf32>
      %parallel_loop3A_481 = arith.cmpf ole, %parallel_loop3A_479, %parallel_loop3A_480 : vector<16xf32>
      %parallel_loop3A_482 = arith.constant dense<true> : vector<16xi1>
      %parallel_loop3A_483 = arith.xori %parallel_loop3A_280, %parallel_loop3A_482 : vector<16xi1>
      %parallel_loop3A_484 = arith.constant dense<true> : vector<16xi1>
      %parallel_loop3A_485 = arith.xori %parallel_loop3A_303, %parallel_loop3A_484 : vector<16xi1>
      %parallel_loop3A_486 = arith.andi %parallel_loop3A_483, %parallel_loop3A_485 : vector<16xi1>
      %parallel_loop3A_487 = arith.constant dense<true> : vector<16xi1>
      %parallel_loop3A_488 = arith.xori %parallel_loop3A_320, %parallel_loop3A_487 : vector<16xi1>
      %parallel_loop3A_489 = arith.andi %parallel_loop3A_486, %parallel_loop3A_488 : vector<16xi1>
      %parallel_loop3A_490 = arith.andi %parallel_loop3A_489, %parallel_loop3A_481 : vector<16xi1>
      %parallel_loop3A_491 = arith.andi %parallel_loop3A_154, %parallel_loop3A_490 : vector<16xi1>
      tpu.vector_store_idx %arg21[%parallel_loop3A_142], %parallel_loop3A_147 masked %parallel_loop3A_491 : memref<2512xi32, #tpu.memory_space<vmem>>[vector<16xi32>], vector<16xi32>, vector<16xi1>
      tpu.vector_store_idx %arg22[%parallel_loop3A_142], %parallel_loop3A_151 masked %parallel_loop3A_491 : memref<2512xi32, #tpu.memory_space<vmem>>[vector<16xi32>], vector<16xi32>, vector<16xi1>
    } {sc.loop_unroll_factor = 4 : i64, sc.parallel_access}
    %mul3A_130 = arith.constant 8 : i32
    %mul3A_131 = arith.muli %mul3A_0, %mul3A_130 : i32
    %lt3A = arith.constant 15 : i32
    %lt3A_132 = arith.cmpi slt, %arg1, %lt3A : i32
    %convert_element_type3A = arith.extui %lt3A_132 : i1 to i32
    %cond3A = arith.constant 0 : i32
    %cond3A_133 = arith.cmpi ne, %convert_element_type3A, %cond3A : i32
    scf.if %cond3A_133 {
      "tpu.region"() ({
        %run_scoped3A = tpu.sem_alloc : memref<!tpu.dma_semaphore, #tpu.memory_space<semaphore_mem>>
        %dma_start3A_138 = arith.constant 0 : i32
        %dma_start3A_139 = tpu.memref_slice %arg21[%dma_start3A_138] : memref<2512xi32, #tpu.memory_space<vmem>> -> memref<2512xi32, #tpu.memory_space<vmem>>
        %dma_start3A_140 = tpu.memref_slice %arg3[%arg0, %mul3A_131] : memref<2x40000xi32, #tpu.memory_space<hbm>> -> memref<1x2512xi32, #tpu.memory_space<hbm>>
        %dma_start3A_141 = tpu.memref_squeeze %dma_start3A_140 : memref<1x2512xi32, #tpu.memory_space<hbm>> -> memref<2512xi32, #tpu.memory_space<hbm>>
        %dma_start3A_142 = tpu.memref_slice %arg3[%arg0, %mul3A_131] : memref<2x40000xi32, #tpu.memory_space<hbm>> -> memref<1x2512xi32, #tpu.memory_space<hbm>>
        %dma_start3A_143 = tpu.memref_squeeze %dma_start3A_142 : memref<1x2512xi32, #tpu.memory_space<hbm>> -> memref<2512xi32, #tpu.memory_space<hbm>>
        %dma_start3A_144 = arith.constant 0 : i32
        %dma_start3A_145 = tpu.memref_slice %arg21[%dma_start3A_144] : memref<2512xi32, #tpu.memory_space<vmem>> -> memref<2512xi32, #tpu.memory_space<vmem>>
        tpu.enqueue_dma source(%dma_start3A_145 : memref<2512xi32, #tpu.memory_space<vmem>>) target(%dma_start3A_143 : memref<2512xi32, #tpu.memory_space<hbm>>) target_semaphore(%run_scoped3A : memref<!tpu.dma_semaphore, #tpu.memory_space<semaphore_mem>>)
        %dma_wait3A_146 = arith.constant 0 : i32
        %dma_wait3A_147 = tpu.memref_slice %arg21[%dma_wait3A_146] : memref<2512xi32, #tpu.memory_space<vmem>> -> memref<2512xi32, #tpu.memory_space<vmem>>
        %dma_wait3A_148 = tpu.memref_slice %arg3[%arg0, %mul3A_131] : memref<2x40000xi32, #tpu.memory_space<hbm>> -> memref<1x2512xi32, #tpu.memory_space<hbm>>
        %dma_wait3A_149 = tpu.memref_squeeze %dma_wait3A_148 : memref<1x2512xi32, #tpu.memory_space<hbm>> -> memref<2512xi32, #tpu.memory_space<hbm>>
        %dma_wait3A_150 = tpu.memref_slice %arg3[%arg0, %mul3A_131] : memref<2x40000xi32, #tpu.memory_space<hbm>> -> memref<1x2512xi32, #tpu.memory_space<hbm>>
        %dma_wait3A_151 = tpu.memref_squeeze %dma_wait3A_150 : memref<1x2512xi32, #tpu.memory_space<hbm>> -> memref<2512xi32, #tpu.memory_space<hbm>>
        %dma_wait3A_152 = arith.constant 0 : i32
        %dma_wait3A_153 = tpu.memref_slice %arg21[%dma_wait3A_152] : memref<2512xi32, #tpu.memory_space<vmem>> -> memref<2512xi32, #tpu.memory_space<vmem>>
        tpu.wait_dma2 semaphore(%run_scoped3A : memref<!tpu.dma_semaphore, #tpu.memory_space<semaphore_mem>>) src(%dma_wait3A_153 : memref<2512xi32, #tpu.memory_space<vmem>>) dst(%dma_wait3A_151 : memref<2512xi32, #tpu.memory_space<hbm>>)
        tpu.yield
      }) : () -> ()
      "tpu.region"() ({
        %run_scoped3A = tpu.sem_alloc : memref<!tpu.dma_semaphore, #tpu.memory_space<semaphore_mem>>
        %dma_start3A_138 = arith.constant 0 : i32
        %dma_start3A_139 = tpu.memref_slice %arg22[%dma_start3A_138] : memref<2512xi32, #tpu.memory_space<vmem>> -> memref<2512xi32, #tpu.memory_space<vmem>>
        %dma_start3A_140 = tpu.memref_slice %arg4[%arg0, %mul3A_131] : memref<2x40000xi32, #tpu.memory_space<hbm>> -> memref<1x2512xi32, #tpu.memory_space<hbm>>
        %dma_start3A_141 = tpu.memref_squeeze %dma_start3A_140 : memref<1x2512xi32, #tpu.memory_space<hbm>> -> memref<2512xi32, #tpu.memory_space<hbm>>
        %dma_start3A_142 = tpu.memref_slice %arg4[%arg0, %mul3A_131] : memref<2x40000xi32, #tpu.memory_space<hbm>> -> memref<1x2512xi32, #tpu.memory_space<hbm>>
        %dma_start3A_143 = tpu.memref_squeeze %dma_start3A_142 : memref<1x2512xi32, #tpu.memory_space<hbm>> -> memref<2512xi32, #tpu.memory_space<hbm>>
        %dma_start3A_144 = arith.constant 0 : i32
        %dma_start3A_145 = tpu.memref_slice %arg22[%dma_start3A_144] : memref<2512xi32, #tpu.memory_space<vmem>> -> memref<2512xi32, #tpu.memory_space<vmem>>
        tpu.enqueue_dma source(%dma_start3A_145 : memref<2512xi32, #tpu.memory_space<vmem>>) target(%dma_start3A_143 : memref<2512xi32, #tpu.memory_space<hbm>>) target_semaphore(%run_scoped3A : memref<!tpu.dma_semaphore, #tpu.memory_space<semaphore_mem>>)
        %dma_wait3A_146 = arith.constant 0 : i32
        %dma_wait3A_147 = tpu.memref_slice %arg22[%dma_wait3A_146] : memref<2512xi32, #tpu.memory_space<vmem>> -> memref<2512xi32, #tpu.memory_space<vmem>>
        %dma_wait3A_148 = tpu.memref_slice %arg4[%arg0, %mul3A_131] : memref<2x40000xi32, #tpu.memory_space<hbm>> -> memref<1x2512xi32, #tpu.memory_space<hbm>>
        %dma_wait3A_149 = tpu.memref_squeeze %dma_wait3A_148 : memref<1x2512xi32, #tpu.memory_space<hbm>> -> memref<2512xi32, #tpu.memory_space<hbm>>
        %dma_wait3A_150 = tpu.memref_slice %arg4[%arg0, %mul3A_131] : memref<2x40000xi32, #tpu.memory_space<hbm>> -> memref<1x2512xi32, #tpu.memory_space<hbm>>
        %dma_wait3A_151 = tpu.memref_squeeze %dma_wait3A_150 : memref<1x2512xi32, #tpu.memory_space<hbm>> -> memref<2512xi32, #tpu.memory_space<hbm>>
        %dma_wait3A_152 = arith.constant 0 : i32
        %dma_wait3A_153 = tpu.memref_slice %arg22[%dma_wait3A_152] : memref<2512xi32, #tpu.memory_space<vmem>> -> memref<2512xi32, #tpu.memory_space<vmem>>
        tpu.wait_dma2 semaphore(%run_scoped3A : memref<!tpu.dma_semaphore, #tpu.memory_space<semaphore_mem>>) src(%dma_wait3A_153 : memref<2512xi32, #tpu.memory_space<vmem>>) dst(%dma_wait3A_151 : memref<2512xi32, #tpu.memory_space<hbm>>)
        tpu.yield
      }) : () -> ()
    } else {
    }
    %eq3A = arith.constant 15 : i32
    %eq3A_134 = arith.cmpi eq, %arg1, %eq3A : i32
    %convert_element_type3A_135 = arith.extui %eq3A_134 : i1 to i32
    %cond3A_136 = arith.constant 0 : i32
    %cond3A_137 = arith.cmpi ne, %convert_element_type3A_135, %cond3A_136 : i32
    scf.if %cond3A_137 {
      "tpu.region"() ({
        %run_scoped3A = tpu.sem_alloc : memref<!tpu.dma_semaphore, #tpu.memory_space<semaphore_mem>>
        %dma_start3A_138 = arith.constant 0 : i32
        %dma_start3A_139 = tpu.memref_slice %arg21[%dma_start3A_138] : memref<2512xi32, #tpu.memory_space<vmem>> -> memref<2320xi32, #tpu.memory_space<vmem>>
        %dma_start3A_140 = tpu.memref_slice %arg3[%arg0, %mul3A_131] : memref<2x40000xi32, #tpu.memory_space<hbm>> -> memref<1x2320xi32, #tpu.memory_space<hbm>>
        %dma_start3A_141 = tpu.memref_squeeze %dma_start3A_140 : memref<1x2320xi32, #tpu.memory_space<hbm>> -> memref<2320xi32, #tpu.memory_space<hbm>>
        %dma_start3A_142 = tpu.memref_slice %arg3[%arg0, %mul3A_131] : memref<2x40000xi32, #tpu.memory_space<hbm>> -> memref<1x2320xi32, #tpu.memory_space<hbm>>
        %dma_start3A_143 = tpu.memref_squeeze %dma_start3A_142 : memref<1x2320xi32, #tpu.memory_space<hbm>> -> memref<2320xi32, #tpu.memory_space<hbm>>
        %dma_start3A_144 = arith.constant 0 : i32
        %dma_start3A_145 = tpu.memref_slice %arg21[%dma_start3A_144] : memref<2512xi32, #tpu.memory_space<vmem>> -> memref<2320xi32, #tpu.memory_space<vmem>>
        tpu.enqueue_dma source(%dma_start3A_145 : memref<2320xi32, #tpu.memory_space<vmem>>) target(%dma_start3A_143 : memref<2320xi32, #tpu.memory_space<hbm>>) target_semaphore(%run_scoped3A : memref<!tpu.dma_semaphore, #tpu.memory_space<semaphore_mem>>)
        %dma_wait3A_146 = arith.constant 0 : i32
        %dma_wait3A_147 = tpu.memref_slice %arg21[%dma_wait3A_146] : memref<2512xi32, #tpu.memory_space<vmem>> -> memref<2320xi32, #tpu.memory_space<vmem>>
        %dma_wait3A_148 = tpu.memref_slice %arg3[%arg0, %mul3A_131] : memref<2x40000xi32, #tpu.memory_space<hbm>> -> memref<1x2320xi32, #tpu.memory_space<hbm>>
        %dma_wait3A_149 = tpu.memref_squeeze %dma_wait3A_148 : memref<1x2320xi32, #tpu.memory_space<hbm>> -> memref<2320xi32, #tpu.memory_space<hbm>>
        %dma_wait3A_150 = tpu.memref_slice %arg3[%arg0, %mul3A_131] : memref<2x40000xi32, #tpu.memory_space<hbm>> -> memref<1x2320xi32, #tpu.memory_space<hbm>>
        %dma_wait3A_151 = tpu.memref_squeeze %dma_wait3A_150 : memref<1x2320xi32, #tpu.memory_space<hbm>> -> memref<2320xi32, #tpu.memory_space<hbm>>
        %dma_wait3A_152 = arith.constant 0 : i32
        %dma_wait3A_153 = tpu.memref_slice %arg21[%dma_wait3A_152] : memref<2512xi32, #tpu.memory_space<vmem>> -> memref<2320xi32, #tpu.memory_space<vmem>>
        tpu.wait_dma2 semaphore(%run_scoped3A : memref<!tpu.dma_semaphore, #tpu.memory_space<semaphore_mem>>) src(%dma_wait3A_153 : memref<2320xi32, #tpu.memory_space<vmem>>) dst(%dma_wait3A_151 : memref<2320xi32, #tpu.memory_space<hbm>>)
        tpu.yield
      }) : () -> ()
      "tpu.region"() ({
        %run_scoped3A = tpu.sem_alloc : memref<!tpu.dma_semaphore, #tpu.memory_space<semaphore_mem>>
        %dma_start3A_138 = arith.constant 0 : i32
        %dma_start3A_139 = tpu.memref_slice %arg22[%dma_start3A_138] : memref<2512xi32, #tpu.memory_space<vmem>> -> memref<2320xi32, #tpu.memory_space<vmem>>
        %dma_start3A_140 = tpu.memref_slice %arg4[%arg0, %mul3A_131] : memref<2x40000xi32, #tpu.memory_space<hbm>> -> memref<1x2320xi32, #tpu.memory_space<hbm>>
        %dma_start3A_141 = tpu.memref_squeeze %dma_start3A_140 : memref<1x2320xi32, #tpu.memory_space<hbm>> -> memref<2320xi32, #tpu.memory_space<hbm>>
        %dma_start3A_142 = tpu.memref_slice %arg4[%arg0, %mul3A_131] : memref<2x40000xi32, #tpu.memory_space<hbm>> -> memref<1x2320xi32, #tpu.memory_space<hbm>>
        %dma_start3A_143 = tpu.memref_squeeze %dma_start3A_142 : memref<1x2320xi32, #tpu.memory_space<hbm>> -> memref<2320xi32, #tpu.memory_space<hbm>>
        %dma_start3A_144 = arith.constant 0 : i32
        %dma_start3A_145 = tpu.memref_slice %arg22[%dma_start3A_144] : memref<2512xi32, #tpu.memory_space<vmem>> -> memref<2320xi32, #tpu.memory_space<vmem>>
        tpu.enqueue_dma source(%dma_start3A_145 : memref<2320xi32, #tpu.memory_space<vmem>>) target(%dma_start3A_143 : memref<2320xi32, #tpu.memory_space<hbm>>) target_semaphore(%run_scoped3A : memref<!tpu.dma_semaphore, #tpu.memory_space<semaphore_mem>>)
        %dma_wait3A_146 = arith.constant 0 : i32
        %dma_wait3A_147 = tpu.memref_slice %arg22[%dma_wait3A_146] : memref<2512xi32, #tpu.memory_space<vmem>> -> memref<2320xi32, #tpu.memory_space<vmem>>
        %dma_wait3A_148 = tpu.memref_slice %arg4[%arg0, %mul3A_131] : memref<2x40000xi32, #tpu.memory_space<hbm>> -> memref<1x2320xi32, #tpu.memory_space<hbm>>
        %dma_wait3A_149 = tpu.memref_squeeze %dma_wait3A_148 : memref<1x2320xi32, #tpu.memory_space<hbm>> -> memref<2320xi32, #tpu.memory_space<hbm>>
        %dma_wait3A_150 = tpu.memref_slice %arg4[%arg0, %mul3A_131] : memref<2x40000xi32, #tpu.memory_space<hbm>> -> memref<1x2320xi32, #tpu.memory_space<hbm>>
        %dma_wait3A_151 = tpu.memref_squeeze %dma_wait3A_150 : memref<1x2320xi32, #tpu.memory_space<hbm>> -> memref<2320xi32, #tpu.memory_space<hbm>>
        %dma_wait3A_152 = arith.constant 0 : i32
        %dma_wait3A_153 = tpu.memref_slice %arg22[%dma_wait3A_152] : memref<2512xi32, #tpu.memory_space<vmem>> -> memref<2320xi32, #tpu.memory_space<vmem>>
        tpu.wait_dma2 semaphore(%run_scoped3A : memref<!tpu.dma_semaphore, #tpu.memory_space<semaphore_mem>>) src(%dma_wait3A_153 : memref<2320xi32, #tpu.memory_space<vmem>>) dst(%dma_wait3A_151 : memref<2320xi32, #tpu.memory_space<hbm>>)
        tpu.yield
      }) : () -> ()
    } else {
    }
    return
  }
}

</mosaic_0001>

<sc_bundles>
// kernel: _bvh_sc.3.cloned.1.call-start
scs
__scs_entry_jumppad:
0x0: {  	(pc) =	sbr.rel $0x88, $3  }
0x1: {  	(tag) =	ssettag $0x0;
	lr =	simm.s32 $0x1  }
0x2: {  	[smem:$0x3FA0] =	sst lr;
	_ =	strace $0xD0000000  }
0x3: {  	_ = 	snop  }
0x4: {  	_ = 	snop  }
0x5: {  	_ = 	snop  }
0x6: {  	_ = 	snop  }
0x7: {  	_ = 	snop  }
__scs_overlays_trampoline_lowered:
0x8: {  	[smem:$0x3FAF] =	sst s0  }
0x9: {  	[smem:$0x3FB0] =	sst s1  }
0xa: {  	[smem:$0x3FB1] =	sst s2  }
0xb: {  	[smem:$0x3FB2] =	sst s3  }
0xc: {  	[smem:$0x3FB3] =	sst s4  }
0xd: {  	[smem:$0x3FB4] =	sst s5  }
0xe: {  	[smem:$0x3FB5] =	sst s6  }
0xf: {  	[smem:$0x3FB6] =	sst s7  }
0x10: {  	[smem:$0x3FB7] =	sst s8  }
0x11: {  	[smem:$0x3FB8] =	sst s9;
	s0 =	simm.s32 @!p0 $0x0  }
0x12: {  	s1 =	sld [smem:$0x3F9E];
	s0 =	simm.s32 @p0 $0x1  }
0x13: {  	[smem:$0x3FB9] =	sst s0;
	s0 =	simm.s32 @!p1 $0x0  }
0x14: {  	s2 =	sld [smem:$0x3F9D];
	s0 =	simm.s32 @p1 $0x1  }
0x15: {  	[smem:$0x3FBA] =	sst s0;
	s0 =	simm.s32 @!p2 $0x0  }
0x16: {  	s3 =	sld [smem:$0x3FDB];
	s0 =	simm.s32 @p2 $0x1  }
0x17: {  	s4 =	simm.s32 $0x1BF5;
	[smem:$0x3FBC] =	sst s0  }
0x18: {  	s0 =	sld [smem:$0x3F9F];
	_ =	swait.ge [sflag:s4], $0x0  }
0x19: {  	s7 =	sld [smem:$0x3FA0]  }
0x1a: {  	s8 =	sadd.s32 $0xFFFFE003, lr  }
0x1b: {  	s9 =	sadd.s32 $0xFFFFFEF7, lr;
	s5 =	simm.s32 $0xFFFFFFFF;
	p2 =	slt.u32 s8, $0xFFFFF086  }
0x1c: {  	p1 =	slt.u32 s9, $0xF7A;
	s5 =	simm.s32 @!p2 $0x0  }
0x1d: {  	s5 =	simm.s32 @p1 $0x1;
	p0 =	seq.s32 s7, s2  }
0x1e: {  	s7 =	smul.u32 @!p0 $0xF7A, s2;
	p2 =	seq.s32 @!p0 s5, $0x0  }
0x1f: {  	s9 =	smul.u32 $0xF7A, s1;
	s8 =	simm.s32 @!p0 $0x1BF5;
	p2 =	por !p2, p0  }
0x20: {  	[sflag:s8] =	ssyncset.s32 @!p0 $0xFFFFF086;
	s6 =	sadd.s32 @!p0 s3, s7;
	s7 =	simm.s32 @!p0 $0x108  }
0x21: {  	s3 =	sadd.s32 s3, s9;
	s6 =	sadd.s32 @!p0 $0x88, s6;
	s7 =	simm.s32 @p2 $0x1082  }
0x22: {  	[simem:s7], [sflag:s8] =	dma.local @!p0 [hbm:s6], $0xF7A  }
0x23: {  	s9 =	sor.u32 $0xD0000000, s2;
	s6 =	simm.s32 $0x108;
	_ =	swait.ge @!p0 [sflag:s8], $0x0  }
0x24: {  	s3 =	sadd.s32 $0x88, s3;
	s6 =	simm.s32 @!p1 $0x1082;
	[sflag:s4] =	ssyncset.s32 $0xFFFFF086  }
0x25: {  	[simem:s6], [sflag:s4] =	dma.local [hbm:s3], $0xF7A  }
0x26: {  	[smem:$0x3FA0] =	sst s1;
	(tag) =	ssettag s2;
	_ =	strace s9  }
0x27: {  	s1 =	sld [smem:$0x3FB0]  }
0x28: {  	s2 =	sld [smem:$0x3FB1]  }
0x29: {  	s4 =	sld [smem:$0x3FB3]  }
0x2a: {  	p0 =	seq.s32 s5, $0x0;
	s5 =	sld [smem:$0x3FB4]  }
0x2b: {  	s6 =	sld [smem:$0x3FB5]  }
0x2c: {  	s7 =	sld [smem:$0x3FB6]  }
0x2d: {  	s3 =	simm.s32 $0x108;
	s8 =	sld [smem:$0x3FB7]  }
0x2e: {  	s3 =	simm.s32 @!p0 $0x1082;
	s9 =	sld [smem:$0x3FB8]  }
0x2f: {  	lr =	sadd.s32 s0, s3;
	s0 =	sld [smem:$0x3FAF]  }
0x30: {  	s3 =	sld [smem:$0x3FB2]  }
0x31: {  	[smem:$0x3FBB] =	sst s10  }
0x32: {  	s10 =	sld [smem:$0x3FB9];
	_ =	sdelay $0x3  }
0x33: {  	p0 =	seq.s32 s10, $0x1;
	s10 =	sld [smem:$0x3FBB];
	_ =	sdelay $0x3  }
0x34: {  	[smem:$0x3FBB] =	sst s10  }
0x35: {  	s10 =	sld [smem:$0x3FBA];
	_ =	sdelay $0x3  }
0x36: {  	p1 =	seq.s32 s10, $0x1;
	s10 =	sld [smem:$0x3FBB];
	_ =	sdelay $0x3  }
0x37: {  	[smem:$0x3FBB] =	sst s10  }
0x38: {  	s10 =	sld [smem:$0x3FBC]  }
0x39: {  	_ = 	snop;
	(pc) =	sbr.ind lr, $3  }
0x3a: {  	_ = 	snop  }
0x3b: {  	_ = 	snop  }
0x3c: {  	p2 =	seq.s32 s10, $0x1;
	s10 =	sld [smem:$0x3FBB]  }
0x3d: {  	_ =	shalt  }
0x3e: {  	_ =	shalt  }
0x3f: {  	_ =	shalt  }
0x40: {  	_ =	shalt  }
0x41: {  	_ =	shalt  }
0x42: {  	_ =	shalt  }
0x43: {  	_ =	shalt  }
0x44: {  	_ =	shalt  }
0x45: {  	_ =	shalt  }
0x46: {  	_ =	shalt  }
0x47: {  	_ =	shalt  }
0x48: {  	_ =	shalt  }
0x49: {  	_ =	shalt  }
0x4a: {  	_ =	shalt  }
0x4b: {  	_ =	shalt  }
0x4c: {  	_ =	shalt  }
0x4d: {  	_ =	shalt  }
0x4e: {  	_ =	shalt  }
0x4f: {  	_ =	shalt  }
0x50: {  	_ =	shalt  }
0x51: {  	_ =	shalt  }
0x52: {  	_ =	shalt  }
0x53: {  	_ =	shalt  }
0x54: {  	_ =	shalt  }
0x55: {  	_ =	shalt  }
0x56: {  	_ =	shalt  }
0x57: {  	_ =	shalt  }
0x58: {  	_ =	shalt  }
0x59: {  	_ =	shalt  }
0x5a: {  	_ =	shalt  }
0x5b: {  	_ =	shalt  }
0x5c: {  	_ =	shalt  }
0x5d: {  	_ =	shalt  }
0x5e: {  	_ =	shalt  }
0x5f: {  	_ =	shalt  }
0x60: {  	_ =	shalt  }
0x61: {  	_ =	shalt  }
0x62: {  	_ =	shalt  }
0x63: {  	_ =	shalt  }
0x64: {  	_ =	shalt  }
0x65: {  	_ =	shalt  }
0x66: {  	_ =	shalt  }
0x67: {  	_ =	shalt  }
0x68: {  	_ =	shalt  }
0x69: {  	_ =	shalt  }
0x6a: {  	_ =	shalt  }
0x6b: {  	_ =	shalt  }
0x6c: {  	_ =	shalt  }
0x6d: {  	_ =	shalt  }
0x6e: {  	_ =	shalt  }
0x6f: {  	_ =	shalt  }
0x70: {  	_ =	shalt  }
0x71: {  	_ =	shalt  }
0x72: {  	_ =	shalt  }
0x73: {  	_ =	shalt  }
0x74: {  	_ =	shalt  }
0x75: {  	_ =	shalt  }
0x76: {  	_ =	shalt  }
0x77: {  	_ =	shalt  }
0x78: {  	_ =	shalt  }
0x79: {  	_ =	shalt  }
0x7a: {  	_ =	shalt  }
0x7b: {  	_ =	shalt  }
0x7c: {  	_ =	shalt  }
0x7d: {  	_ =	shalt  }
0x7e: {  	_ =	shalt  }
0x7f: {  	_ =	shalt  }
0x80: {  	_ =	shalt  }
0x81: {  	_ =	shalt  }
0x82: {  	_ =	shalt  }
0x83: {  	_ =	shalt  }
0x84: {  	_ =	shalt  }
0x85: {  	_ =	shalt  }
0x86: {  	_ =	shalt  }
0x87: {  	_ =	shalt  }
.Lfunc_end0:
.L_simem_size_0:
called_computation_lowered:
.L_overlay_start_0:
0x88: {  	s2 =	sld [smem:$0x3FD9]  }
0x89: {  	s3 =	sld [smem:$0x3FFE];
	_ =	sdelay $0x1  }
0x8a: {  	s1 =	srdreg.scid  }
0x8b: {  	s0 =	sand.u32 $0x1, s1  }
0x8c: {  	s17 =	sshll.u32 s0, $0xA;
	s2 =	sadd.s32 s3, s2  }
0x8d: {  	s2 =	sadd.s32 s2, s17  }
0x8e: {  	[smem:$0x3FC7] =	sst s2  }
0x8f: {  	_ = 	snop  }
0x90: {  	s2 =	sld [smem:$0x3FC9];
	(tm) =	ssettm $0x1  }
0x91: {  	s18 =	sld [smem:$0x3FFB];
	_ =	sdelay $0x3  }
0x92: {  	_ =	strace s18  }
0x93: {  	s3 =	sld [smem:$0x3FFC];
	_ =	sdelay $0x3  }
0x94: {  	_ =	strace s3  }
0x95: {  	s3 =	sld [smem:$0x3FFD];
	_ =	sdelay $0x3  }
0x96: {  	_ =	strace s3  }
0x97: {  	_ =	strace $0x8FFFFFFF  }
0x98: {  	s19 =	sld [smem:$0x3FDB];
	_ =	sdelay $0x1  }
0x99: {  	s4 =	simm.s32 $_scs_section_size  }
0x9a: {  	s5 =	simm.s32 $_size__tile_overlayer_lowered;
	s6 =	simm.s32 $_tile_overlayer_lowered  }
0x9b: {  	s22 =	simm.s32 $0x1BFF;
	s21 =	sshll.u32 s6, $0x1;
	s3 =	sadd.s32 s4, s19  }
0x9c: {  	s7 =	simm.s32 $0x0;
	s20 =	sshll.u32 s5, $0x1;
	s5 =	sadd.s32 s21, s3  }
0x9d: {  	[timem:s7], [sflag:s22] =	dma.local [hbm:s5], s20  }
0x9e: {  	_ =	swait.ge [sflag:s22], s20  }
0x9f: {  	s4 =	ssub.s32 $0x0, s20;
	[sflag:s22] =	ssyncset.done $0x0  }
0xa0: {  	[sflag:s22] =	ssyncadd.s32 s4;
	_ =	sdelay $0x1  }
0xa1: {  	s23 =	simm.s32 $0x1B8B  }
0xa2: {  	_ =	swait.ge [sflag:s23], $0x1  }
0xa3: {  	[sflag:s23] =	ssyncset.done $0x0  }
0xa4: {  	s25 =	simm.s32 $0x1B8E;
	s24 =	sld [smem:$0x3FFE];
	[sflag:s23] =	ssyncadd.s32 $0xFFFFFFFF  }
0xa5: {  	s26 =	simm.s32 $execute0_lowered;
	[smem:$0x3FD2] =	sst s25  }
0xa6: {  	s5 =	sshll.u32 s26, $0x1;
	_ =	strace $0x80000046;
	[dreg:$0x1] =	wrdreg $0xFFFFFFFF  }
0xa7: {  	s28 =	simm.s32 $_size_execute0_lowered;
	s3 =	sadd.s32 s3, s5;
	[dreg:$0x0] =	wrdreg $0x0  }
0xa8: {  	s5 =	sshll.u32 s28, $0x1;
	[dreg:$0x2] =	wrdreg s3  }
0xa9: {  	[dreg:$0x3] =	wrdreg s5  }
0xaa: {  	[dreg:$0x4] =	wrdreg $0xC0  }
0xab: {  	_ =	task [dreg:s7], $0x5FFFF  }
0xac: {  	[dreg:$0x1] =	wrdreg $0xFFFFFFFF  }
0xad: {  	[dreg:$0x0] =	wrdreg $0x60  }
0xae: {  	[dreg:$0x2] =	wrdreg s2  }
0xaf: {  	[dreg:$0x3] =	wrdreg s24  }
0xb0: {  	[dreg:$0x4] =	wrdreg $0x9  }
0xb1: {  	_ =	task.clear_ibuf [dreg:s7], $0x5FFFF;
	_ =	strace $0x90000046  }
0xb2: {  	s29 =	simm.s32 $0x9;
	_ =	strace $0x80000048  }
0xb3: {  	_ =	swait.ge [sflag:s29], $0x1  }
0xb4: {  	[sflag:s29] =	ssyncadd.s32 $0xFFFFFFFF  }
0xb5: {  	_ =	strace $0x90000048  }
0xb6: {  	_ =	sfence  }
0xb7: {  	s30 =	sld [smem:$0x0];
	_ =	sdelay $0x2  }
0xb8: {  	s31 =	sshll.u32 s1, $0xD;
	s1 =	sshrl.u32 s1, $0x2  }
0xb9: {  	s3 =	sand.u32 $0x4000, s31;
	s1 =	sadd.s32 s1, s30  }
0xba: {  	s0 =	sor.u32 s3, s0;
	s1 =	sshll.u32 s1, $0x11  }
0xbb: {  	s0 =	sor.u32 s1, s0  }
0xbc: {  	s0 =	sadd.s32 $0x8F2B, s0  }
0xbd: {  	[sflag:s0] =	ssyncadd.remote.s32 $0x1  }
0xbe: {  	_ =	sfence.sel $0xFFFF  }
0xbf: {  	[dreg:$0x0] =	wrdreg $0xFFFFFFFF;
	(pc) =	sbr.abs _section_cstart, $3  }
0xc0: {  	[dreg:$0x1] =	wrdreg $0xFFFFFFFF  }
0xc1: {  	_ =	task.clear_ibuf [dreg:s7], $0x2FFFF;
	_ =	strace $0x9FFFFFFF  }
0xc2: {  	(tm) =	ssettm $0x7FFFFFFF  }
0xc3: {  	_ =	shalt  }
tec
execute0_lowered:
.L_overlay_start_1:
0x0: {  	(tag) =	ssettag $0x1  }
0x1: {  	s0 =	rddreg [dreg:$0x0];
	s3 =	srdreg.scid  }
0x2: {  	s2 =	rddreg [dreg:$0x1];
	s1 =	simm.s32 $0x0;
	s5 =	sand.u32 $0x1, s3  }
0x3: {  	s9 =	stileid.u32;
	s18 =	simm.s32 $0x1400;
	s6 =	smul.u32 $0xB400, s5  }
0x4: {  	[smem:$0x7FF] =	sst s1;
	s3 =	ssub.s32 $0x2, s5;
	s8 =	smul.u32 $0x1680, s5  }
0x5: {  	s28 =	simm.s32 $0x14970;
	_ =	strace $0x80000047;
	s7 =	sshrl.u32 s3, $0x1  }
0x6: {  	s7 =	ssub.s32 s3, s7;
	s6 =	sshrl.u32 s6, $0x3;
	s8 =	sadd.s32 s0, s8  }
0x7: {  	[dreg:$0x3] =	wrdreg s8;
	s0 =	sadd.s32 s0, s6;
	s30 =	smax.u32 s7, $0x1  }
0x8: {  	s31 =	simm.s32 $0xDC00;
	s6 =	sadd.s32 $0x280, s0;
	[dreg:$0x10] =	wrdreg s30  }
0x9: {  	s10 =	simm.s32 $0x0;
	s19 =	sadd.s32 $0x500, s0;
	[dreg:$0x4] =	wrdreg s6  }
0xa: {  	s4 =	sadd.s32 $0xA00, s2;
	s21 =	sadd.s32 $0x780, s0;
	[dreg:$0x5] =	wrdreg s19  }
0xb: {  	s2 =	sadd.s32 $0x3200, s2;
	s22 =	sadd.s32 $0xA00, s0;
	[dreg:$0x6] =	wrdreg s21  }
0xc: {  	s20 =	smul.u32 $0x9D0, s9;
	s23 =	sadd.s32 $0xC80, s0;
	[dreg:$0x7] =	wrdreg s22  }
0xd: {  	p0 =	seq.s32 s9, $0xF;
	s24 =	sadd.s32 $0xF00, s0;
	[dreg:$0x8] =	wrdreg s23  }
0xe: {  	s5 =	smul.u32 $0x9C40, s5;
	s25 =	sadd.s32 $0x1180, s0;
	[dreg:$0x9] =	wrdreg s24  }
0xf: {  	s3 =	smul.u32 $0x13A, s9;
	s0 =	sadd.s32 $0x1400, s0;
	[dreg:$0xa] =	wrdreg s25  }
0x10: {  	s7 =	simm.s32 $0x13FA0;
	s6 =	sadd.s32 s20, s5;
	[dreg:$0xb] =	wrdreg s0  }
0x11: {  	s5 =	sshrl.u32 s5, $0x3;
	s19 =	simm.s32 $0x2800;
	s20 =	simm.s32 $0x3C00  }
0x12: {  	s21 =	simm.s32 $0x5000;
	s22 =	simm.s32 $0x6400;
	s26 =	sshrl.u32 s6, $0x3  }
0x13: {  	s23 =	simm.s32 $0x7800;
	s24 =	simm.s32 $0x8C00;
	s6 =	sadd.s32 s4, s26  }
0x14: {  	s29 =	sadd.s32 $0x1266, s5;
	s0 =	sadd.s32 s2, s26;
	[dreg:$0xc] =	wrdreg s6  }
0x15: {  	s25 =	simm.s32 $0xA000;
	s4 =	sadd.s32 s4, s29;
	[dreg:$0xd] =	wrdreg s0  }
0x16: {  	v0 =	vlaneseq.u32;
	s5 =	simm.s32 $0x12C00;
	[dreg:$0xe] =	wrdreg s4;
	s0 =	sadd.s32 s2, s29  }
0x17: {  	v1 =	vshrl.u32 v0, $0x3;
	s26 =	simm.s32 $0x1;
	[dreg:$0xf] =	wrdreg s0;
	s0 =	simm.s32 @!p0 $0x0  }
0x18: {  	v3 =	vimm.s32 $0xFFFFFFFF;
	v4 =	vimm.s32 $0x8;
	v2 =	vor.u32 $0x138, v1;
	s2 =	simm.s32 $0x10400;
	s4 =	simm.s32 $0x11800;
	s0 =	simm.s32 @p0 $0x1  }
0x19: {  	v5 =	vimm.s32 $0x0;
	v1 =	vmov s3;
	v2 =	vadd.s32 s3, v2;
	s6 =	simm.s32 $0x135D0;
	[smem:$0x7FD] =	sst s0;
	s0 =	simm.s32 $0xF000  }
.LBB2_1:
0x1a: {  	[dreg:$0x11] =	wrdreg s10  }
0x1b: {  	s8 =	rddreg [dreg:$0x3]  }
0x1c: {  	[tilespmem:s1], [sflag:$0x1] =	stream.linear.gather [hbm4b:s8+s1], $0x1400, $0x38;
	[tilespmem:$0x14AB0] =	vst v63  }
0x1d: {  	s12 =	rddreg [dreg:$0x4]  }
0x1e: {  	[tilespmem:s18], [sflag:$0x1] =	stream.linear.gather [hbm4b:s12+s1], $0x1400, $0x38;
	[tilespmem:$0x14AB0] =	vst v63  }
0x1f: {  	s13 =	rddreg [dreg:$0x5]  }
0x20: {  	[tilespmem:s19], [sflag:$0x1] =	stream.linear.gather [hbm4b:s13+s1], $0x1400, $0x38;
	[tilespmem:$0x14AB0] =	vst v63  }
0x21: {  	s14 =	rddreg [dreg:$0x6]  }
0x22: {  	[tilespmem:s20], [sflag:$0x1] =	stream.linear.gather [hbm4b:s14+s1], $0x1400, $0x38;
	[tilespmem:$0x14AB0] =	vst v63  }
0x23: {  	s15 =	rddreg [dreg:$0x7]  }
0x24: {  	[tilespmem:s21], [sflag:$0x1] =	stream.linear.gather [hbm4b:s15+s1], $0x1400, $0x38;
	[tilespmem:$0x14AB0] =	vst v63  }
0x25: {  	s16 =	rddreg [dreg:$0x8]  }
0x26: {  	[tilespmem:s22], [sflag:$0x1] =	stream.linear.gather [hbm4b:s16+s1], $0x1400, $0x38;
	[tilespmem:$0x14AB0] =	vst v63  }
0x27: {  	s17 =	rddreg [dreg:$0x9]  }
0x28: {  	[tilespmem:s23], [sflag:$0x1] =	stream.linear.gather [hbm4b:s17+s1], $0x1400, $0x38;
	[tilespmem:$0x14AB0] =	vst v63  }
0x29: {  	s29 =	rddreg [dreg:$0xa]  }
0x2a: {  	[tilespmem:s24], [sflag:$0x1] =	stream.linear.gather [hbm4b:s29+s1], $0x1400, $0x38;
	[tilespmem:$0x14AB0] =	vst v63  }
0x2b: {  	s30 =	rddreg [dreg:$0xb]  }
0x2c: {  	[tilespmem:s25], [sflag:$0x1] =	stream.linear.gather [hbm4b:s30+s1], $0x1400, $0x38;
	[tilespmem:$0x14AB0] =	vst v63  }
0x2d: {  	_ =	swait.ge [sflag:s26], $0x1400  }
0x2e: {  	[sflag:s26] =	ssyncset.done $0x0  }
0x2f: {  	[sflag:s26] =	ssyncadd.s32 $0xFFFFEC00  }
0x30: {  	_ =	swait.ge [sflag:s26], $0x1400  }
0x31: {  	[sflag:s26] =	ssyncset.done $0x0  }
0x32: {  	[sflag:s26] =	ssyncadd.s32 $0xFFFFEC00  }
0x33: {  	_ =	swait.ge [sflag:s26], $0x1400  }
0x34: {  	[sflag:s26] =	ssyncset.done $0x0  }
0x35: {  	[sflag:s26] =	ssyncadd.s32 $0xFFFFEC00  }
0x36: {  	_ =	swait.ge [sflag:s26], $0x1400  }
0x37: {  	[sflag:s26] =	ssyncset.done $0x0  }
0x38: {  	[sflag:s26] =	ssyncadd.s32 $0xFFFFEC00  }
0x39: {  	_ =	swait.ge [sflag:s26], $0x1400  }
0x3a: {  	[sflag:s26] =	ssyncset.done $0x0  }
0x3b: {  	[sflag:s26] =	ssyncadd.s32 $0xFFFFEC00  }
0x3c: {  	_ =	swait.ge [sflag:s26], $0x1400  }
0x3d: {  	[sflag:s26] =	ssyncset.done $0x0  }
0x3e: {  	[sflag:s26] =	ssyncadd.s32 $0xFFFFEC00  }
0x3f: {  	_ =	swait.ge [sflag:s26], $0x1400  }
0x40: {  	[sflag:s26] =	ssyncset.done $0x0  }
0x41: {  	[sflag:s26] =	ssyncadd.s32 $0xFFFFEC00  }
0x42: {  	_ =	swait.ge [sflag:s26], $0x1400  }
0x43: {  	[sflag:s26] =	ssyncset.done $0x0  }
0x44: {  	[sflag:s26] =	ssyncadd.s32 $0xFFFFEC00  }
0x45: {  	_ =	swait.ge [sflag:s26], $0x1400  }
0x46: {  	[sflag:s26] =	ssyncset.done $0x0  }
0x47: {  	s9 =	simm.s32 $0x0;
	[sflag:s26] =	ssyncadd.s32 $0xFFFFEC00  }
0x48: {  	v6 =	vld [tilespmem:s9+$0x2830]  }
0x49: {  	v7 =	vld [tilespmem:s9+$0x6430]  }
0x4a: {  	v8 =	vld [tilespmem:s9+$0xA030]  }
0x4b: {  	v9 =	vld [tilespmem:s9+$0x0]  }
0x4c: {  	v10 =	vld [tilespmem:s9+$0x3C00]  }
0x4d: {  	v11 =	vld [tilespmem:s9+$0x1400]  }
0x4e: {  	v12 =	vld [tilespmem:s9+$0x5000]  }
0x4f: {  	v13 =	vld [tilespmem:s9+$0x2800]  }
0x50: {  	v14 =	vld [tilespmem:s9+$0x6400]  }
0x51: {  	v15 =	vld [tilespmem:s9+$0x10]  }
0x52: {  	v16 =	vld [tilespmem:s9+$0x3C10]  }
0x53: {  	v17 =	vld [tilespmem:s9+$0x1410]  }
0x54: {  	v18 =	vld [tilespmem:s9+$0x5010]  }
0x55: {  	v19 =	vld [tilespmem:s9+$0x2810]  }
0x56: {  	v20 =	vld [tilespmem:s9+$0x6410]  }
0x57: {  	v21 =	vld [tilespmem:s9+$0x20]  }
0x58: {  	v22 =	vld [tilespmem:s9+$0x3C20]  }
0x59: {  	v24 =	vld [tilespmem:s9+$0x1420]  }
0x5a: {  	v25 =	vld [tilespmem:s9+$0x6420]  }
0x5b: {  	v26 =	vld [tilespmem:s9+$0x30]  }
0x5c: {  	v27 =	vld [tilespmem:s9+$0x3C30]  }
0x5d: {  	v28 =	vld [tilespmem:s9+$0x1430]  }
0x5e: {  	v31 =	vld [tilespmem:s9+$0x5030]  }
0x5f: {  	v35 =	vld [tilespmem:s9+$0x7800];
	v23 =	vmax.f32 v6, v7;
	v6 =	vmin.f32 v6, v7;
	v29 =	vmin.f32 v9, v10  }
0x60: {  	v30 =	vmax.f32 v9, v10;
	v32 =	vmin.f32 v11, v12;
	v7 =	vmax.f32 v23, v8;
	v23 =	vld [tilespmem:s9+$0x5020]  }
0x61: {  	v39 =	vld [tilespmem:s9+$0x8C00];
	v33 =	vmax.f32 v11, v12;
	v34 =	vmin.f32 v13, v14;
	v36 =	vmax.f32 v13, v14  }
0x62: {  	v42 =	vld [tilespmem:s9+$0xA000];
	v37 =	vmin.f32 v15, v16;
	v38 =	vmax.f32 v15, v16;
	v40 =	vmin.f32 v17, v18  }
0x63: {  	v41 =	vmax.f32 v17, v18;
	v13 =	vmin.f32 v21, v22;
	v10 =	vmax.f32 v21, v22;
	v22 =	vld [tilespmem:s9+$0x7810]  }
0x64: {  	v16 =	vmin.f32 v19, v20;
	v17 =	vmax.f32 v19, v20;
	v6 =	vmin.f32 v6, v8;
	v8 =	vld [tilespmem:s9+$0x2820]  }
0x65: {  	v9 =	vmin.f32 v26, v27;
	[tilespmem:s9+$0xDC30] =	vst v6;
	v11 =	vmin.f32 v24, v23;
	v6 =	vmax.f32 v24, v23;
	v23 =	vld [tilespmem:s9+$0x8C10]  }
0x66: {  	v21 =	vld [tilespmem:s9+$0xA010];
	v12 =	vmax.f32 v26, v27;
	v14 =	vmin.f32 v28, v31;
	v15 =	vmin.f32 v29, v35;
	[tilespmem:s9+$0x11830] =	vst v7  }
0x67: {  	v19 =	vld [tilespmem:s9+$0x7820];
	v18 =	vmax.f32 v30, v35;
	v20 =	vmin.f32 v32, v39;
	v27 =	vmax.f32 v36, v42;
	[tilespmem:s9+$0xB400] =	vst v15  }
0x68: {  	v15 =	vmax.f32 v28, v31;
	[tilespmem:s9+$0xF000] =	vst v18;
	v18 =	vld [tilespmem:s9+$0x8C20];
	v28 =	vmin.f32 v34, v42;
	v26 =	vmin.f32 v37, v22  }
0x69: {  	[tilespmem:s9+$0xC800] =	vst v20;
	v20 =	vld [tilespmem:s9+$0xA020];
	v7 =	vmin.f32 v8, v25;
	v8 =	vmax.f32 v8, v25;
	v25 =	vmax.f32 v33, v39  }
0x6a: {  	s10 =	simm.s32 $0x0;
	s11 =	simm.s32 $0x100;
	v24 =	vmax.f32 v38, v22;
	v22 =	vld [tilespmem:s9+$0x7830];
	[tilespmem:s9+$0x10400] =	vst v25;
	v25 =	vmin.f32 v40, v23;
	v23 =	vmax.f32 v41, v23  }
.LBB2_2:
0x6b: {  	s12 =	sshra.s32 s11, $0x2;
	[tilespmem:s9+$0xDC00] =	vst v28;
	v16 =	vmin.f32 v16, v21;
	v17 =	vmax.f32 v17, v21;
	v21 =	vld [tilespmem:s9+$0x8C30]  }
0x6c: {  	s10 =	sadd.s32 $0x4, s10;
	v28 =	vld [tilespmem:s12+$0x2830];
	[tilespmem:s9+$0x11800] =	vst v27;
	v13 =	vmin.f32 v13, v19;
	v10 =	vmax.f32 v10, v19  }
0x6d: {  	p0 =	slt.u32 s10, $0x13C;
	v19 =	vld [tilespmem:s12+$0x6430];
	[tilespmem:s9+$0xB410] =	vst v26;
	v11 =	vmin.f32 v11, v18;
	v6 =	vmax.f32 v6, v18  }
0x6e: {  	v18 =	vld [tilespmem:s12+$0xA030];
	[tilespmem:s9+$0xF010] =	vst v24;
	v7 =	vmin.f32 v7, v20;
	v8 =	vmax.f32 v8, v20  }
0x6f: {  	v20 =	vld [tilespmem:s12+$0x0];
	[tilespmem:s9+$0xC810] =	vst v25;
	v9 =	vmin.f32 v9, v22;
	v12 =	vmax.f32 v12, v22  }
0x70: {  	v22 =	vld [tilespmem:s12+$0x3C00];
	[tilespmem:s9+$0x10410] =	vst v23;
	v14 =	vmin.f32 v14, v21;
	v15 =	vmax.f32 v15, v21  }
0x71: {  	v21 =	vld [tilespmem:s12+$0x1400];
	[tilespmem:s9+$0xDC10] =	vst v16  }
0x72: {  	v16 =	vld [tilespmem:s12+$0x5000];
	v23 =	vmin.f32 v28, v19;
	v19 =	vmax.f32 v28, v19;
	[tilespmem:s9+$0x11810] =	vst v17  }
0x73: {  	v17 =	vld [tilespmem:s12+$0x2800];
	v23 =	vmin.f32 v23, v18;
	v18 =	vmax.f32 v19, v18;
	[tilespmem:s9+$0xB420] =	vst v13  }
0x74: {  	v13 =	vld [tilespmem:s12+$0x6400];
	[tilespmem:s12+$0x11830] =	vst v18  }
0x75: {  	v18 =	vmin.f32 v20, v22;
	v19 =	vmax.f32 v20, v22;
	v20 =	vld [tilespmem:s12+$0x10];
	[tilespmem:s9+$0xF020] =	vst v10  }
0x76: {  	v10 =	vld [tilespmem:s12+$0x3C10];
	[tilespmem:s9+$0xC820] =	vst v11  }
0x77: {  	v22 =	vmin.f32 v21, v16;
	v24 =	vmax.f32 v21, v16;
	v11 =	vld [tilespmem:s12+$0x1410];
	[tilespmem:s9+$0x10420] =	vst v6  }
0x78: {  	v6 =	vld [tilespmem:s12+$0x5010];
	[tilespmem:s9+$0xDC20] =	vst v7  }
0x79: {  	v25 =	vmin.f32 v17, v13;
	v26 =	vmax.f32 v17, v13;
	v7 =	vld [tilespmem:s12+$0x2810];
	[tilespmem:s9+$0x11820] =	vst v8  }
0x7a: {  	v8 =	vld [tilespmem:s12+$0x6410];
	[tilespmem:s9+$0xB430] =	vst v9  }
0x7b: {  	v29 =	vmin.f32 v20, v10;
	v20 =	vmax.f32 v20, v10;
	v9 =	vld [tilespmem:s12+$0x20];
	[tilespmem:s9+$0xF030] =	vst v12  }
0x7c: {  	v10 =	vld [tilespmem:s12+$0x3C20];
	[tilespmem:s9+$0xC830] =	vst v14  }
0x7d: {  	v30 =	vmin.f32 v11, v6;
	v31 =	vmax.f32 v11, v6;
	v6 =	vld [tilespmem:s12+$0x1420];
	[tilespmem:s9+$0x10430] =	vst v15;
	s9 =	smov.u32 s12  }
0x7e: {  	v12 =	vld [tilespmem:s9+$0x5020];
	[tilespmem:s9+$0xDC30] =	vst v23  }
0x7f: {  	v16 =	vmin.f32 v7, v8;
	v17 =	vmax.f32 v7, v8;
	v8 =	vld [tilespmem:s9+$0x2820]  }
0x80: {  	v14 =	vld [tilespmem:s9+$0x6420]  }
0x81: {  	v13 =	vmin.f32 v9, v10;
	v10 =	vmax.f32 v9, v10;
	v15 =	vld [tilespmem:s9+$0x30]  }
0x82: {  	v21 =	vld [tilespmem:s9+$0x3C30]  }
0x83: {  	v11 =	vmin.f32 v6, v12;
	v6 =	vmax.f32 v6, v12;
	v23 =	vld [tilespmem:s9+$0x1430]  }
0x84: {  	v27 =	vld [tilespmem:s9+$0x5030]  }
0x85: {  	v28 =	vld [tilespmem:s9+$0x7800];
	v7 =	vmin.f32 v8, v14;
	v8 =	vmax.f32 v8, v14  }
0x86: {  	v32 =	vld [tilespmem:s9+$0x8C00]  }
0x87: {  	v33 =	vld [tilespmem:s9+$0xA000];
	v9 =	vmin.f32 v15, v21;
	v12 =	vmax.f32 v15, v21  }
0x88: {  	v34 =	vld [tilespmem:s9+$0x7810]  }
0x89: {  	v35 =	vld [tilespmem:s9+$0x8C10];
	v14 =	vmin.f32 v23, v27;
	v15 =	vmax.f32 v23, v27  }
.Ltmp0:
0x8a: {  	v18 =	vmin.f32 v18, v28;
	v23 =	vmax.f32 v19, v28;
	v21 =	vld [tilespmem:s9+$0xA010];
	(pc) =	sbr.rel @p0 .LBB2_2-.Ltmp0, $4  }
0x8b: {  	[tilespmem:s9+$0xB400] =	vst v18;
	v22 =	vmin.f32 v22, v32;
	v32 =	vmax.f32 v24, v32;
	v19 =	vld [tilespmem:s9+$0x7820]  }
0x8c: {  	[tilespmem:s9+$0xF000] =	vst v23;
	v28 =	vmin.f32 v25, v33;
	v27 =	vmax.f32 v26, v33;
	v18 =	vld [tilespmem:s9+$0x8C20]  }
0x8d: {  	[tilespmem:s9+$0xC800] =	vst v22;
	v26 =	vmin.f32 v29, v34;
	v24 =	vmax.f32 v20, v34;
	v20 =	vld [tilespmem:s9+$0xA020]  }
0x8e: {  	s11 =	sadd.s32 $0x100, s11;
	[tilespmem:s9+$0x10400] =	vst v32;
	v25 =	vmin.f32 v30, v35;
	v23 =	vmax.f32 v31, v35;
	v22 =	vld [tilespmem:s9+$0x7830]  }
0x8f: {  	[tilespmem:s9+$0xDC00] =	vst v28  }
0x90: {  	[tilespmem:s9+$0x11800] =	vst v27  }
0x91: {  	[tilespmem:s9+$0xB410] =	vst v26  }
0x92: {  	[tilespmem:s9+$0xF010] =	vst v24  }
0x93: {  	[tilespmem:s9+$0xC810] =	vst v25  }
0x94: {  	v16 =	vmin.f32 v16, v21;
	[tilespmem:s9+$0x10410] =	vst v23  }
0x95: {  	v17 =	vmax.f32 v17, v21;
	[tilespmem:s9+$0xDC10] =	vst v16  }
0x96: {  	v13 =	vmin.f32 v13, v19;
	[tilespmem:s9+$0x11810] =	vst v17  }
0x97: {  	v10 =	vmax.f32 v10, v19;
	[tilespmem:s9+$0xB420] =	vst v13  }
0x98: {  	v11 =	vmin.f32 v11, v18;
	[tilespmem:s9+$0xF020] =	vst v10  }
0x99: {  	v63 =	vld [tilespmem:s9+$0x8C30];
	v6 =	vmax.f32 v6, v18;
	[tilespmem:s9+$0xC820] =	vst v11  }
0x9a: {  	v7 =	vmin.f32 v7, v20;
	[tilespmem:s9+$0x10420] =	vst v6  }
0x9b: {  	v6 =	vmax.f32 v8, v20;
	[tilespmem:s9+$0xDC20] =	vst v7  }
0x9c: {  	v7 =	vmin.f32 v9, v22;
	[tilespmem:s9+$0x11820] =	vst v6  }
0x9d: {  	v6 =	vmax.f32 v12, v22;
	[tilespmem:s9+$0xB430] =	vst v7  }
0x9e: {  	v7 =	vmin.f32 v14, v63;
	[tilespmem:s9+$0xF030] =	vst v6  }
0x9f: {  	v6 =	vmax.f32 v15, v63;
	[tilespmem:s9+$0xC830] =	vst v7  }
0xa0: {  	s8 =	simm.s32 $0x40;
	[tilespmem:s9+$0x10430] =	vst v6;
	s9 =	simm.s32 $0x0  }
.LBB2_4:
0xa1: {  	p0 =	sne.s32 s8, $0x2700;
	[tilespmem:s9+$0x12C00] =	vst v3;
	s9 =	smov.u32 s8;
	s8 =	sadd.s32 $0x40, s8  }
.Ltmp1:
0xa2: {  	(pc) =	sbr.rel @p0 .LBB2_4-.Ltmp1, $2  }
0xa3: {  	_ =	sdelay $0x2  }
0xa4: {  	s9 =	sshra.s32 s9, $0x2  }
0xa5: {  	[tilespmem:s9+$0x12C00] =	vst v3;
	s8 =	simm.s32 $0x40;
	s9 =	simm.s32 $0x0  }
.LBB2_6:
0xa6: {  	p0 =	sne.s32 s8, $0x2700;
	[tilespmem:s9+$0x135D0] =	vst v3;
	s10 =	smov.u32 s8;
	s8 =	sadd.s32 $0x40, s8  }
.Ltmp2:
0xa7: {  	[tilespmem:s9+$0x13FA0] =	vst v3;
	(pc) =	sbr.rel @p0 .LBB2_6-.Ltmp2, $2  }
0xa8: {  	_ =	sdelay $0x2  }
0xa9: {  	s9 =	sshra.s32 s10, $0x2  }
0xaa: {  	[tilespmem:s9+$0x135D0] =	vst v3  }
0xab: {  	[tilespmem:s9+$0x13FA0] =	vst v3  }
0xac: {  	[tilespmem:$0x14970] =	vst v4  }
0xad: {  	[tilespmem:$0x14980] =	vst v4  }
0xae: {  	[tilespmem:$0x14990] =	vst v4  }
0xaf: {  	[tilespmem:$0x149A0] =	vst v4  }
0xb0: {  	[tilespmem:$0x149B0] =	vst v4  }
0xb1: {  	[tilespmem:$0x149C0] =	vst v4  }
0xb2: {  	[tilespmem:$0x149D0] =	vst v4  }
0xb3: {  	[tilespmem:$0x149E0] =	vst v4  }
0xb4: {  	[tilespmem:$0x149F0] =	vst v4  }
0xb5: {  	[tilespmem:$0x14A00] =	vst v4  }
0xb6: {  	[tilespmem:$0x14A10] =	vst v4  }
0xb7: {  	[tilespmem:$0x14A20] =	vst v4  }
0xb8: {  	s8 =	sadd.s32 $0x0, s3;
	[tilespmem:$0x14A30] =	vst v4  }
0xb9: {  	[tilespmem:$0x14A40] =	vst v4;
	p1 =	sgt.u32 s8, $0x1387  }
0xba: {  	[tilespmem:$0x14A50] =	vst v4;
	v6 =	vld [tilespmem:$0xB400];
	s9 =	simm.s32 @!p1 $0x0  }
0xbb: {  	[tilespmem:$0x14A60] =	vst v4;
	v7 =	vld [tilespmem:$0xC800];
	v12 =	vmov @!p1 s8;
	s9 =	simm.s32 @p1 $0x1  }
0xbc: {  	[tilespmem:$0x14A70] =	vst v4;
	v8 =	vld [tilespmem:$0xDC00];
	[smem:$0x7F6] =	sst s9;
	s9 =	sadd.s32 $0x1, s3  }
0xbd: {  	[tilespmem:$0x14A80] =	vst v4;
	v9 =	vld [tilespmem:$0xF000];
	s8 =	sadd.s32 $0x2, s3;
	p3 =	sgt.u32 s9, $0x1387  }
0xbe: {  	[tilespmem:$0x14A90] =	vst v4;
	v10 =	vld [tilespmem:$0x10400];
	p2 =	sgt.u32 s8, $0x1387;
	v13 =	vmov @!p3 s9  }
0xbf: {  	[tilespmem:$0x14AA0] =	vst v4;
	v11 =	vld [tilespmem:$0x11800];
	v14 =	vmov @!p2 s8;
	s8 =	simm.s32 @!p1 $0x11800  }
0xc0: {  	s9 =	simm.s32 @!p1 $0xDC00;
	v18 =	vld.idx.msk @!p1 [tilespmem:v12+s8+$0x0], $0xffff  }
0xc1: {  	v21 =	vld.idx.msk @!p1 [tilespmem:v12+s9+$0x0], $0xffff;
	s9 =	simm.s32 @!p1 $0xC800  }
0xc2: {  	s8 =	simm.s32 @!p3 $0x11800;
	v29 =	vld.idx.msk @!p1 [tilespmem:v12+s9+$0x0], $0xffff  }
0xc3: {  	v19 =	vld.idx.msk @!p3 [tilespmem:v13+s8+$0x0], $0xffff;
	s8 =	simm.s32 @!p2 $0x11800  }
0xc4: {  	v20 =	vld.idx.msk @!p2 [tilespmem:v14+s8+$0x0], $0xffff;
	s8 =	simm.s32 @!p3 $0xDC00  }
0xc5: {  	v22 =	vld.idx.msk @!p3 [tilespmem:v13+s8+$0x0], $0xffff;
	s8 =	simm.s32 @!p2 $0xDC00  }
0xc6: {  	v23 =	vld.idx.msk @!p2 [tilespmem:v14+s8+$0x0], $0xffff;
	s8 =	simm.s32 @!p1 $0xB400  }
0xc7: {  	v24 =	vld.idx.msk @!p1 [tilespmem:v12+s8+$0x0], $0xffff;
	s8 =	simm.s32 @!p1 $0xF000  }
0xc8: {  	v17 =	vlaneseq.u32 @!p1;
	v25 =	vld.idx.msk @!p1 [tilespmem:v12+s8+$0x0], $0xffff;
	s8 =	simm.s32 @!p3 $0xB400  }
0xc9: {  	vm0 =	vcmask @!p1 $0x3F3C;
	vm7 =	vne.s32 @!p1 v12, v17;
	v15 =	vlaneseq.u32 @!p2;
	v26 =	vld.idx.msk @!p3 [tilespmem:v13+s8+$0x0], $0xffff;
	s8 =	simm.s32 @!p3 $0xF000  }
0xca: {  	vm13 =	vmmov vm0;
	vm5 =	vne.s32 @!p2 v14, v15;
	v16 =	vlaneseq.u32 @!p3;
	v27 =	vld.idx.msk @!p3 [tilespmem:v13+s8+$0x0], $0xffff;
	s8 =	simm.s32 @!p2 $0xB400  }
0xcb: {  	s10 =	sadd.s32 $0x3, s3;
	p5 =	por p1, p1;
	vm8 =	vne.s32 @!p3 v13, v16;
	vm1 =	vle.f32 @!p1 v8, v18;
	vm4 =	vle.f32 @!p1 v21, v11;
	v28 =	vld.idx.msk @!p2 [tilespmem:v14+s8+$0x0], $0xffff;
	s8 =	simm.s32 @!p2 $0xF000  }
0xcc: {  	p6 =	sgt.u32 s10, $0x1387;
	vm12 =	vle.f32 @!p5 v29, v10;
	vm3 =	vle.f32 @!p3 v8, v19;
	vm2 =	vle.f32 @!p2 v8, v20;
	v18 =	vld.idx.msk @!p2 [tilespmem:v14+s8+$0x0], $0xffff;
	s8 =	simm.s32 @!p3 $0xC800  }
0xcd: {  	p0 =	por p3, p3;
	s9 =	simm.s32 @!p1 $0x10400;
	v20 =	vmov @!p6 s10;
	vm6 =	vle.f32 @!p5 v24, v9;
	v19 =	vld.idx.msk @!p3 [tilespmem:v13+s8+$0x0], $0xffff;
	vm9 =	vle.f32 @!p5 v6, v25  }
0xce: {  	v12 =	vld.idx.msk @!p1 [tilespmem:v12+s9+$0x0], $0xffff;
	s8 =	simm.s32 @!p3 $0x10400;
	vm10 =	vle.f32 @!p0 v26, v9;
	vm9 =	vmand @!p5 vm6, vm9;
	vm6 =	vle.f32 @!p3 v22, v11  }
0xcf: {  	p4 =	por p2, p2;
	v13 =	vld.idx.msk @!p3 [tilespmem:v13+s8+$0x0], $0xffff;
	s8 =	simm.s32 @!p2 $0xC800;
	v22 =	vimm.s32 @!p2 $0x0;
	vm11 =	vle.f32 @!p0 v6, v27;
	vm7 =	vmand @!p5 vm9, vm7  }
0xd0: {  	s9 =	simm.s32 @!p2 $0x10400;
	v21 =	vld.idx.msk @!p2 [tilespmem:v14+s8+$0x0], $0xffff;
	vm10 =	vmand @!p0 vm10, vm11;
	vm11 =	vle.f32 @!p4 v28, v9;
	vm7 =	vmand @!p5 vm12, vm7  }
0xd1: {  	v14 =	vld.idx.msk @!p2 [tilespmem:v14+s9+$0x0], $0xffff;
	vm9 =	vle.f32 @!p4 v6, v18;
	vm10 =	vmand @!p0 vm10, vm8;
	vm8 =	vle.f32 @!p2 v23, v11  }
0xd2: {  	s8 =	simm.s32 @!p6 $0xB400;
	v18 =	vlaneseq.u32 @!p6;
	vm9 =	vmand @!p4 vm11, vm9;
	vm11 =	vle.f32 @!p0 v19, v10  }
0xd3: {  	v19 =	vimm.s32 @!p5 $0x0;
	vm10 =	vmand @!p0 vm11, vm10;
	vm11 =	vle.f32 @!p5 v7, v12;
	v12 =	vld.idx.msk @!p6 [tilespmem:v20+s8+$0x0], $0xffff;
	s8 =	simm.s32 @!p6 $0xF000  }
0xd4: {  	vm5 =	vmand @!p4 vm9, vm5;
	vm9 =	vle.f32 @!p3 v7, v13;
	vm11 =	vmand @!p5 vm11, vm7;
	v13 =	vld.idx.msk @!p6 [tilespmem:v20+s8+$0x0], $0xffff  }
0xd5: {  	vm7 =	vcmask @!p3 $0x3F3C;
	vm9 =	vmand @!p0 vm9, vm10;
	vm10 =	vle.f32 @!p2 v21, v10;
	s8 =	simm.s32 @!p6 $0xC800  }
0xd6: {  	vm5 =	vmand @!p4 vm10, vm5;
	vm10 =	vle.f32 @!p2 v7, v14;
	v14 =	vimm.s32 @!p0 $0x0;
	v21 =	vld.idx.msk @!p6 [tilespmem:v20+s8+$0x0], $0xffff;
	s8 =	simm.s32 @!p6 $0x10400  }
0xd7: {  	vm4 =	vmand @!p5 vm4, vm11;
	vm9 =	vmand @!p0 vm6, vm9;
	vm12 =	vmmov vm7;
	v23 =	vld.idx.msk @!p6 [tilespmem:v20+s8+$0x0], $0xffff;
	s8 =	simm.s32 @!p6 $0xDC00  }
0xd8: {  	vm5 =	vmand @!p4 vm10, vm5;
	vm6 =	vmand @!p5 vm1, vm4;
	vm4 =	vmand @!p0 vm3, vm9;
	v24 =	vld.idx.msk @!p6 [tilespmem:v20+s8+$0x0], $0xffff;
	s8 =	simm.s32 @!p6 $0x11800  }
0xd9: {  	vm5 =	vmand @!p4 vm8, vm5;
	vm1 =	vle.f32 @!p6 v12, v9;
	v12 =	vld.idx.msk @!p6 [tilespmem:v20+s8+$0x0], $0xffff;
	s8 =	simm.s32 @!p5 $0x0;
	vm3 =	vle.f32 @!p6 v6, v13  }
0xda: {  	s30 =	sld [smem:$0x7F6];
	s10 =	simm.s32 @!p4 $0x0;
	vm8 =	vne.s32 @!p6 v20, v18;
	vm5 =	vmand @!p4 vm2, vm5;
	s8 =	simm.s32 @p5 $0x1;
	vm1 =	vmand @!p6 vm1, vm3  }
0xdb: {  	s10 =	simm.s32 @p4 $0x1;
	v13 =	vsel @!p5 vm6, $0x1, v19;
	vm2 =	vle.f32 @!p6 v21, v10;
	[smem:$0x7F8] =	sst s8;
	s8 =	simm.s32 @!p0 $0x0;
	vm1 =	vmand @!p6 vm1, vm8  }
0xdc: {  	p1 =	por p6, p6;
	v14 =	vsel @!p0 vm4, $0x1, v14;
	[smem:$0x7FC] =	sst s10;
	(xrf0) =	vadd.scan.msk.s32 @!p5 $0xffff, v13;
	s8 =	simm.s32 @p0 $0x1;
	vm1 =	vmand @!p6 vm2, vm1;
	vm2 =	vle.f32 @!p6 v7, v23  }
0xdd: {  	s9 =	sadd.s32 $0x4, s3;
	s10 =	simm.s32 $0x1;
	v13 =	vsel @!p4 vm5, $0x1, v22;
	(xrf0) =	vadd.scan.msk.s32 @!p0 $0xffff, v14;
	vm8 =	vle.f32 @!p6 v24, v11;
	[smem:$0x7FA] =	sst s8;
	vm2 =	vmand @!p6 vm2, vm1  }
0xde: {  	vm3 =	vcmask @!p4 $0x3F3C;
	s8 =	simm.s32 $0x0;
	(xrf0) =	vadd.scan.msk.s32 @!p4 $0xffff, v13;
	vm0 =	vmand @!p6 vm8, vm2;
	vm2 =	vle.f32 @!p6 v8, v12;
	p6 =	por p4, p4;
	p4 =	sgt.u32 s9, $0x1387  }
0xdf: {  	v22 =	vmov @!p0 s10;
	v19 =	vmov @!p5 s8;
	s8 =	simm.s32 $0x2;
	v24 =	vmov @!p4 s9;
	s9 =	sadd.s32 $0x6, s3  }
0xe0: {  	s10 =	sld [smem:$0x7FA];
	v12 =	vimm.s32 @!p1 $0x0;
	vm7 =	vmand @!p1 vm2, vm0;
	v23 =	vmov @!p6 s8;
	p6 =	sgt.u32 s9, $0x1387  }
0xe1: {  	s11 =	sadd.s32 $0x5, s3;
	p0 =	seq.s32 s30, $0x1;
	v12 =	vsel @!p1 vm7, $0x1, v12;
	v26 =	vmov @!p6 s9;
	s9 =	sld [smem:$0x7F8]  }
0xe2: {  	p5 =	sgt.u32 s11, $0x1387;
	v21, _, _ =	vpop @!p0 (xrf0);
	(xrf0) =	vadd.scan.msk.s32 @!p1 $0xffff, v12  }
0xe3: {  	v25 =	vmov @!p5 s11;
	s11 =	sld [smem:$0x7FC];
	v20, _, _ =	vpop @!p3 (xrf0);
	p3 =	seq.s32 s10, $0x1  }
0xe4: {  	v13 =	vlaneseq.u32 @!p5;
	v14 =	vlaneseq.u32 @!p4;
	s10 =	simm.s32 @!p3 $0x8;
	p0 =	seq.s32 s9, $0x1  }
0xe5: {  	v29 =	vand.u32 @!p3 $0xFFFFFFFD, v22;
	v35 =	vmov @!p3 s10;
	s9 =	simm.s32 $0x18;
	v27 =	vadd.s32 @!p0 $0xFFFFFFFF, v21  }
0xe6: {  	s12 =	sld [smem:$0x7F8];
	v28 =	vand.u32 @!p0 $0xFFFFFFFC, v19;
	v19, _, _ =	vpop @!p2 (xrf0);
	p2 =	seq.s32 s11, $0x1;
	v31 =	vmov @!p1 s9;
	vm0 =	vlt.s32 @!p0 v27, $0x8  }
0xe7: {  	vm2 =	vgt.s32 @!p0 v27, $0x0;
	v22 =	vbroadcast @!p0 v28, $0x0;
	v30 =	vadd.s32 @!p2 $0xFFFFFFFF, v19  }
0xe8: {  	v31 =	vshrl.u32 @!p1 v31, $0x3;
	vm0 =	vmand @!p0 vm6, vm0;
	v27 =	vnsel @!p0 vm2, $0x0, v27;
	v32, _, _ =	vpop @!p1 (xrf0)  }
0xe9: {  	s8 =	simm.s32 @!p0 $0x0;
	vm10 =	vgt.s32 @!p2 v30, $0x0;
	v27 =	vmin.u32 @!p0 v27, $0x7;
	p0 =	por p2, p2;
	p2 =	seq.s32 s12, $0x1;
	v34 =	vadd.s32 @!p1 $0xFFFFFFFF, v32  }
0xea: {  	s11 =	simm.s32 @!p1 $0x0;
	v31 =	vshll.u32 @!p1 v31, $0x3;
	v33 =	vmov @!p2 s8;
	vm2 =	vgt.s32 @!p1 v34, $0x0;
	s8 =	simm.s32 @!p4 $0xB400  }
0xeb: {  	s11 =	simm.s32 @p1 $0x1;
	v31 =	vbroadcast @!p1 v31, $0x0;
	s10 =	simm.s32 @!p0 $0x10;
	vm6 =	vlt.s32 @!p1 v34, $0x8;
	v34 =	vnsel @!p1 vm2, $0x0, v34;
	v36 =	vld.idx.msk @!p4 [tilespmem:v24+s8+$0x0], $0xffff;
	s8 =	simm.s32 @!p4 $0xF000  }
0xec: {  	v35 =	vshrl.u32 @!p3 v35, $0x3;
	v37 =	vmov @!p0 s10;
	s10 =	simm.s32 $0x3;
	v34 =	vmin.u32 @!p1 v34, $0x7;
	v38 =	vld.idx.msk @!p4 [tilespmem:v24+s8+$0x0], $0xffff;
	s8 =	simm.s32 @!p5 $0xB400;
	[smem:$0x7F7] =	sst s11  }
0xed: {  	v28 =	vadd.s32 @!p3 $0xFFFFFFFF, v20;
	v39 =	vmov @!p1 s10;
	s10 =	simm.s32 @!p4 $0xC800;
	v31 =	vor.u32 @!p1 v31, v34;
	v34 =	vld.idx.msk @!p5 [tilespmem:v25+s8+$0x0], $0xffff  }
0xee: {  	v35 =	vshll.u32 @!p3 v35, $0x3;
	vm8 =	vlt.s32 @!p3 v28, $0x8;
	vm9 =	vgt.s32 @!p3 v28, $0x0;
	s8 =	simm.s32 @!p5 $0xF000;
	v44 =	vld.idx.msk @!p4 [tilespmem:v24+s10+$0x0], $0xffff  }
0xef: {  	v28 =	vnsel @!p3 vm9, $0x0, v28;
	vm1 =	vmand @!p3 vm4, vm8;
	v42 =	vnsel @!p0 vm10, $0x0, v30;
	v40 =	vld.idx.msk @!p5 [tilespmem:v25+s8+$0x0], $0xffff;
	s8 =	simm.s32 @!p6 $0xB400  }
0xf0: {  	vm4 =	vlt.s32 @!p0 v30, $0x8;
	vm6 =	vmand @!p1 vm7, vm6;
	v33 =	vshrl.u32 @!p2 v33, $0x3;
	v41 =	vld.idx.msk @!p6 [tilespmem:v26+s8+$0x0], $0xffff;
	s8 =	simm.s32 @!p6 $0xF000  }
0xf1: {  	s14 =	sld [smem:$0x7FC];
	vm7 =	vcmask @!p1 $0x3F3C;
	vm2 =	vne.s32 @!p4 v24, v14;
	v33 =	vshll.u32 @!p2 v33, $0x3;
	s11 =	simm.s32 @!p4 $0x0;
	v43 =	vld.idx.msk @!p6 [tilespmem:v26+s8+$0x0], $0xffff;
	s8 =	simm.s32 @!p5 $0xC800  }
0xf2: {  	vm4 =	vmand @!p0 vm5, vm4;
	v37 =	vshrl.u32 @!p0 v37, $0x3;
	v33 =	vbroadcast @!p2 v33, $0x0;
	p1 =	por p4, p4;
	p2 =	por p5, p5;
	v30 =	vld.idx.msk @!p5 [tilespmem:v25+s8+$0x0], $0xffff;
	s8 =	simm.s32 @!p4 $0x10400  }
0xf3: {  	s13 =	sld [smem:$0x7FA];
	s11 =	simm.s32 @p4 $0x1;
	vm5 =	vle.f32 @!p1 v36, v9;
	vm9 =	vle.f32 @!p1 v6, v38;
	vm10 =	vle.f32 @!p2 v34, v9;
	v34 =	vld.idx.msk @!p4 [tilespmem:v24+s8+$0x0], $0xffff;
	s8 =	simm.s32 @!p5 $0x10400  }
0xf4: {  	v37 =	vshll.u32 @!p0 v37, $0x3;
	vm5 =	vmand @!p1 vm5, vm9;
	vm9 =	vle.f32 @!p2 v6, v40;
	v36 =	vld.idx.msk @!p5 [tilespmem:v25+s8+$0x0], $0xffff;
	[smem:$0x7F9] =	sst s11  }
0xf5: {  	p3 =	por p6, p6;
	vm2 =	vmand @!p1 vm5, vm2;
	s8 =	simm.s32 @!p6 $0xC800;
	vm9 =	vmand @!p2 vm10, vm9;
	vm10 =	vne.s32 @!p5 v25, v13;
	s15 =	sld [smem:$0x7F9]  }
0xf6: {  	p0 =	por p4, p4;
	s10 =	simm.s32 @!p4 $0xDC00;
	p4 =	seq.s32 s13, $0x1;
	vm5 =	vle.f32 @!p3 v41, v9;
	v38 =	vld.idx.msk @!p6 [tilespmem:v26+s8+$0x0], $0xffff;
	vm9 =	vmand @!p2 vm9, vm10;
	vm10 =	vle.f32 @!p3 v6, v43  }
0xf7: {  	v35 =	vbroadcast @!p4 v35, $0x0;
	v40 =	vld.idx.msk @!p0 [tilespmem:v24+s10+$0x0], $0xffff;
	s8 =	simm.s32 @!p5 $0xDC00;
	vm5 =	vmand @!p3 vm5, vm10;
	vm10 =	vle.f32 @!p1 v44, v10  }
0xf8: {  	s16 =	sld [smem:$0x7F8];
	v28 =	vmin.u32 @!p4 v28, $0x7;
	vm2 =	vmand @!p1 vm10, vm2;
	vm10 =	vle.f32 @!p2 v30, v10;
	v30 =	vld.idx.msk @!p5 [tilespmem:v25+s8+$0x0], $0xffff;
	s8 =	simm.s32 @!p6 $0x10400;
	p4 =	seq.s32 s15, $0x1  }
0xf9: {  	s10 =	sadd.s32 $0x7, s3;
	p0 =	seq.s32 s14, $0x1;
	s11 =	simm.s32 @!p4 $0x11800;
	v41 =	vld.idx.msk @!p6 [tilespmem:v26+s8+$0x0], $0xffff  }
0xfa: {  	s17 =	sld [smem:$0x7FA];
	v37 =	vbroadcast @!p0 v37, $0x0;
	p0 =	sgt.u32 s10, $0x1387;
	s8 =	simm.s32 @!p5 $0x11800;
	v24 =	vld.idx.msk @!p4 [tilespmem:v24+s11+$0x0], $0xffff  }
0xfb: {  	s29 =	sld [smem:$0x7FC];
	v12 =	vlaneseq.u32 @!p6;
	v43 =	vmov @!p0 s10;
	p4 =	seq.s32 s16, $0x1;
	v25 =	vld.idx.msk @!p5 [tilespmem:v25+s8+$0x0], $0xffff;
	s8 =	simm.s32 @!p6 $0xDC00  }
0xfc: {  	s30 =	sld [smem:$0x7F9];
	s10 =	simm.s32 @!p6 $0x11800;
	vm9 =	vmand @!p2 vm10, vm9;
	vm10 =	vne.s32 @!p6 v26, v12;
	v27 =	vor.u32 @!p4 v33, v27;
	v33 =	vld.idx.msk @!p6 [tilespmem:v26+s8+$0x0], $0xffff  }
0xfd: {  	vm5 =	vmand @!p3 vm5, vm10;
	vm10 =	vle.f32 @!p1 v7, v34;
	p4 =	seq.s32 s17, $0x1;
	v26 =	vld.idx.msk @!p6 [tilespmem:v26+s10+$0x0], $0xffff;
	s10 =	sld [smem:$0x7FC]  }
0xfe: {  	s11 =	sld [smem:$0x7F7];
	vm2 =	vmand @!p1 vm10, vm2;
	vm10 =	vle.f32 @!p5 v7, v36;
	v28 =	vor.u32 @!p4 v35, v28;
	p4 =	seq.s32 s29, $0x1  }
0xff: {  	s12 =	sld [smem:$0x7FA];
	vm9 =	vmand @!p2 vm10, vm9;
	vm10 =	vle.f32 @!p6 v38, v10;
	v34 =	vmin.u32 @!p4 v42, $0x7;
	p4 =	seq.s32 s30, $0x1  }
0x100: {  	s13 =	sld [smem:$0x7F7];
	vm5 =	vmand @!p3 vm10, vm5;
	vm10 =	vle.f32 @!p4 v40, v11;
	p4 =	seq.s32 s10, $0x1  }
0x101: {  	s8 =	simm.s32 @!p5 $0x0;
	v34 =	vor.u32 @!p4 v37, v34;
	p4 =	seq.s32 s11, $0x1  }
0x102: {  	s8 =	simm.s32 @p5 $0x1;
	s10 =	simm.s32 @!p4 $0x12C00;
	p4 =	seq.s32 s12, $0x1  }
0x103: {  	[smem:$0x7FB] =	sst s8;
	v29 =	vbroadcast @!p4 v29, $0x0;
	p4 =	seq.s32 s13, $0x1  }
0x104: {  	[tilespmem:v31+s10+$0x0] =	vst.idx.msk @!p4 vm6, v18  }
0x105: {  	s14 =	sld [smem:$0x7FC]  }
0x106: {  	s15 =	sld [smem:$0x7F9]  }
0x107: {  	s16 =	sld [smem:$0x7F7]  }
0x108: {  	s10 =	simm.s32 @!p4 $0x14970;
	p4 =	seq.s32 s14, $0x1  }
0x109: {  	v18 =	vand.u32 @!p4 $0xFFFFFFFE, v23;
	p4 =	seq.s32 s15, $0x1  }
0x10a: {  	vm6 =	vle.f32 @!p4 v8, v24;
	p4 =	seq.s32 s16, $0x1  }
0x10b: {  	[tilespmem:v39+s10+$0x0] =	vst.idx.msk @!p4 vm7, v32  }
0x10c: {  	s17 =	sld [smem:$0x7F8]  }
0x10d: {  	s10 =	sld [smem:$0x7FC]  }
0x10e: {  	s8 =	simm.s32 @!p0 $0xB400;
	s29 =	sld [smem:$0x7F8]  }
0x10f: {  	vm2 =	vmand @!p1 vm10, vm2;
	vm10 =	vle.f32 @!p5 v30, v11;
	v30 =	vld.idx.msk @!p0 [tilespmem:v43+s8+$0x0], $0xffff;
	s8 =	simm.s32 @!p0 $0xF000;
	p4 =	seq.s32 s17, $0x1  }
0x110: {  	v23 =	vld.idx.msk @!p0 [tilespmem:v43+s8+$0x0], $0xffff;
	s8 =	simm.s32 @!p4 $0x12C00;
	p4 =	seq.s32 s10, $0x1  }
0x111: {  	v18 =	vbroadcast @!p4 v18, $0x0;
	p4 =	seq.s32 s29, $0x1  }
0x112: {  	[tilespmem:v27+s8+$0x0] =	vst.idx.msk @!p4 vm0, v17  }
0x113: {  	s8 =	sld [smem:$0x7F9];
	_ =	sdelay $0x2  }
0x114: {  	vm7 =	vle.f32 @!p5 v8, v25;
	p5 =	seq.s32 s8, $0x1;
	s8 =	simm.s32 @!p4 $0x14970  }
0x115: {  	[tilespmem:v22+s8+$0x0] =	vst.idx.msk @!p4 vm13, v21  }
0x116: {  	s8 =	sld [smem:$0x7FA];
	_ =	sdelay $0x2  }
0x117: {  	p4 =	seq.s32 s8, $0x1  }
0x118: {  	s8 =	simm.s32 @!p4 $0x12C00  }
0x119: {  	s30 =	sld [smem:$0x7FB];
	[tilespmem:v28+s8+$0x0] =	vst.idx.msk @!p4 vm1, v16;
	s8 =	simm.s32 @!p4 $0x14970  }
0x11a: {  	vm8 =	vmand @!p2 vm10, vm9;
	vm10 =	vle.f32 @!p6 v7, v41;
	[tilespmem:v29+s8+$0x0] =	vst.idx.msk @!p4 vm12, v20  }
0x11b: {  	vm5 =	vmand @!p3 vm10, vm5;
	s10 =	simm.s32 @!p0 $0xC800;
	vm0 =	vmand @!p2 vm7, vm8;
	vm7 =	vle.f32 @!p6 v33, v11;
	s8 =	sld [smem:$0x7FC]  }
0x11c: {  	vm6 =	vmand @!p1 vm6, vm2;
	vm2 =	vle.f32 @!p6 v8, v26;
	v17 =	vld.idx.msk @!p0 [tilespmem:v43+s10+$0x0], $0xffff;
	s10 =	simm.s32 @!p0 $0x10400;
	vm5 =	vmand @!p3 vm7, vm5  }
0x11d: {  	v24 =	vimm.s32 @!p2 $0x0;
	vm10 =	vmand @!p3 vm2, vm5;
	v21 =	vld.idx.msk @!p0 [tilespmem:v43+s10+$0x0], $0xffff  }
0x11e: {  	vm5 =	vle.f32 @!p0 v6, v23;
	vm11 =	vcmask @!p5 $0x3F3C;
	v22 =	vimm.s32 @!p1 $0x0;
	p5 =	seq.s32 s30, $0x1;
	p4 =	seq.s32 s8, $0x1  }
0x11f: {  	vm7 =	vcmask @!p5 $0x3F3C;
	v16 =	vlaneseq.u32 @!p0;
	vm1 =	vle.f32 @!p0 v30, v9;
	s8 =	simm.s32 @!p4 $0x12C00  }
0x120: {  	s10 =	simm.s32 @!p0 $0xDC00;
	v20 =	vsel @!p1 vm6, $0x1, v22;
	[tilespmem:v34+s8+$0x0] =	vst.idx.msk @!p4 vm4, v15;
	s8 =	simm.s32 @!p4 $0x14970;
	vm4 =	vmand @!p0 vm1, vm5;
	vm5 =	vne.s32 @!p0 v43, v16  }
0x121: {  	s11 =	simm.s32 $0x7;
	s12 =	simm.s32 $0x5;
	v15 =	vimm.s32 @!p6 $0x0;
	[tilespmem:v18+s8+$0x0] =	vst.idx.msk @!p4 vm3, v19;
	v18 =	vld.idx.msk @!p0 [tilespmem:v43+s10+$0x0], $0xffff;
	s8 =	simm.s32 @!p0 $0x11800;
	vm3 =	vmand @!p0 vm4, vm5;
	vm4 =	vle.f32 @!p0 v17, v10  }
0x122: {  	s13 =	simm.s32 $0x4;
	s14 =	simm.s32 $0x4;
	(xrf0) =	vadd.scan.msk.s32 @!p1 $0xffff, v20;
	s10 =	simm.s32 $0x6;
	v19 =	vsel @!p2 vm0, $0x1, v24;
	v17 =	vld.idx.msk @!p0 [tilespmem:v43+s8+$0x0], $0xffff;
	vm3 =	vmand @!p0 vm4, vm3;
	vm4 =	vle.f32 @!p0 v7, v21  }
.LBB2_8:
0x123: {  	s17 =	sld [smem:$0x7FB];
	_ =	sdelay $0x1  }
0x124: {  	s8 =	simm.s32 @!p6 $0x0;
	s29 =	sld [smem:$0x7F9]  }
0x125: {  	s8 =	simm.s32 @p6 $0x1;
	p4 =	seq.s32 s17, $0x1  }
0x126: {  	[smem:$0x7F4] =	sst s8;
	s8 =	simm.s32 @!p4 $0x0  }
0x127: {  	s15 =	smov.u32 s13;
	s8 =	simm.s32 @p4 $0x1;
	p4 =	seq.s32 s29, $0x1  }
0x128: {  	s13 =	sadd.s32 $0x4, s13;
	[smem:$0x7F3] =	sst s8;
	s8 =	simm.s32 @!p4 $0x0  }
0x129: {  	s8 =	simm.s32 @p4 $0x1;
	p4 =	slt.u32 s13, $0x134  }
0x12a: {  	v15 =	vsel @!p3 vm10, $0x1, v15;
	s17 =	simm.s32 @!p4 $0x0  }
0x12b: {  	vm3 =	vmand @!p0 vm4, vm3;
	vm4 =	vmmov vm11;
	vm1 =	vmmov vm7;
	s16 =	sadd.s32 $0x5, s15;
	[smem:$0x7F2] =	sst s8;
	s17 =	simm.s32 @p4 $0x1  }
0x12c: {  	(xrf0) =	vadd.scan.msk.s32 @!p2 $0xffff, v19;
	v19 =	vmov @!p1 s14;
	v20 =	vmov @!p2 s12;
	vm5 =	vle.f32 @!p0 v18, v11;
	s8 =	sadd.s32 s3, s13;
	[smem:$0x7F5] =	sst s17;
	s17 =	sadd.s32 s3, s16  }
0x12d: {  	v25 =	vmov @!p3 s10;
	vm2 =	vmand @!p0 vm5, vm3;
	vm3 =	vle.f32 @!p0 v8, v17;
	p4 =	sgt.u32 s8, $0x1387;
	s30 =	sld [smem:$0x7F2];
	p5 =	sgt.u32 s17, $0x1387  }
0x12e: {  	(xrf0) =	vadd.scan.msk.s32 @!p3 $0xffff, v15;
	v15 =	vimm.s32 @!p0 $0x0;
	s12 =	smov.u32 s16;
	vm5 =	vmand @!p0 vm3, vm2;
	v23 =	vmov @!p4 s8;
	s16 =	sld [smem:$0x7F3];
	s8 =	simm.s32 @!p5 $0x0  }
0x12f: {  	v45 =	vmov @!p0 s11;
	s29 =	sadd.s32 $0x6, s15;
	v15 =	vsel @!p0 vm5, $0x1, v15;
	v24 =	vmov @!p5 s17;
	s17 =	sld [smem:$0x7F4];
	s8 =	simm.s32 @p5 $0x1  }
0x130: {  	s9 =	sadd.s32 $0x20, s9;
	v58 =	vimm.s32 $0x0;
	v59 =	vimm.s32 $0x0;
	v60 =	vimm.s32 $0x0;
	s10 =	smov.u32 s29;
	(xrf0) =	vadd.scan.msk.s32 @!p0 $0xffff, v15;
	[smem:$0x7FB] =	sst s8  }
0x131: {  	v61 =	vimm.s32 $0x0;
	v34 =	vmov @!p0 s9;
	v18 =	vlaneseq.u32 @!p5;
	p5 =	seq.s32 s30, $0x1;
	s8 =	sadd.s32 s3, s29;
	s29 =	sld [smem:$0x7FB]  }
0x132: {  	v62 =	vimm.s32 $0x0;
	v29 =	vand.u32 @!p1 $0xFFFFFFFC, v19;
	v34 =	vshrl.u32 @!p0 v34, $0x3;
	v21, _, _ =	vpop @!p5 (xrf0);
	p5 =	seq.s32 s16, $0x1;
	p6 =	sgt.u32 s8, $0x1387  }
0x133: {  	v27 =	vand.u32 @!p2 $0xFFFFFFFD, v20;
	v34 =	vshll.u32 @!p0 v34, $0x3;
	s16 =	simm.s32 @!p4 $0xDC00;
	v20, _, _ =	vpop @!p5 (xrf0);
	p5 =	seq.s32 s17, $0x1;
	v22 =	vmov @!p6 s8  }
0x134: {  	v28 =	vbroadcast @!p1 v29, $0x0;
	v34 =	vbroadcast @!p0 v34, $0x0;
	v26 =	vadd.s32 @!p1 $0xFFFFFFFF, v21;
	v36 =	vld.idx.msk @!p4 [tilespmem:v23+s16+$0x0], $0xffff;
	s8 =	simm.s32 @!p4 $0x11800;
	v19, _, _ =	vpop @!p5 (xrf0);
	p5 =	seq.s32 s29, $0x1  }
0x135: {  	v17 =	vlaneseq.u32 @!p4;
	s17 =	sadd.s32 @!p2 $0xFFFFFFF0, s9;
	v15 =	vlaneseq.u32 @!p6;
	vm2 =	vlt.s32 @!p1 v26, $0x8;
	v29 =	vld.idx.msk @!p4 [tilespmem:v23+s8+$0x0], $0xffff;
	s8 =	simm.s32 @!p5 $0x11800  }
0x136: {  	vm3 =	vgt.s32 @!p1 v26, $0x0;
	v30 =	vadd.s32 @!p2 $0xFFFFFFFF, v20;
	v40 =	vmov @!p2 s17;
	v35, _, _ =	vpop @!p0 (xrf0);
	s16 =	simm.s32 @!p5 $0xDC00;
	v32 =	vld.idx.msk @!p5 [tilespmem:v24+s8+$0x0], $0xffff  }
0x137: {  	vm6 =	vmand @!p1 vm6, vm2;
	v31 =	vadd.s32 @!p3 $0xFFFFFFFF, v19;
	v38 =	vadd.s32 @!p0 $0xFFFFFFFF, v35;
	s8 =	simm.s32 @!p6 $0x11800;
	v39 =	vld.idx.msk @!p5 [tilespmem:v24+s16+$0x0], $0xffff  }
0x138: {  	v26 =	vnsel @!p1 vm3, $0x0, v26;
	vm7 =	vlt.s32 @!p2 v30, $0x8;
	vm2 =	vgt.s32 @!p0 v38, $0x0;
	s16 =	simm.s32 @!p4 $0x10400;
	v33 =	vld.idx.msk @!p6 [tilespmem:v22+s8+$0x0], $0xffff  }
0x139: {  	vm8 =	vgt.s32 @!p2 v30, $0x0;
	vm3 =	vlt.s32 @!p0 v38, $0x8;
	v38 =	vnsel @!p0 vm2, $0x0, v38;
	s8 =	sadd.s32 @!p1 $0xFFFFFFE8, s9;
	v42 =	vld.idx.msk @!p4 [tilespmem:v23+s16+$0x0], $0xffff;
	s16 =	simm.s32 @!p4 $0xC800  }
0x13a: {  	vm3 =	vmand @!p0 vm5, vm3;
	v38 =	vmin.u32 @!p0 v38, $0x7;
	v37 =	vmov @!p1 s8;
	s8 =	simm.s32 @!p6 $0xDC00;
	v46 =	vld.idx.msk @!p4 [tilespmem:v23+s16+$0x0], $0xffff  }
0x13b: {  	v40 =	vshrl.u32 @!p2 v40, $0x3;
	vm2 =	vcmask @!p0 $0x3F3C;
	v34 =	vor.u32 @!p0 v34, v38;
	v41 =	vld.idx.msk @!p6 [tilespmem:v22+s8+$0x0], $0xffff;
	s8 =	simm.s32 @!p5 $0x10400  }
0x13c: {  	v26 =	vmin.u32 @!p1 v26, $0x7;
	vm9 =	vgt.s32 @!p3 v31, $0x0;
	v37 =	vshrl.u32 @!p1 v37, $0x3;
	v44 =	vld.idx.msk @!p5 [tilespmem:v24+s8+$0x0], $0xffff;
	s8 =	simm.s32 @!p6 $0x10400  }
0x13d: {  	v40 =	vshll.u32 @!p2 v40, $0x3;
	v30 =	vnsel @!p2 vm8, $0x0, v30;
	v37 =	vshll.u32 @!p1 v37, $0x3;
	v38 =	vld.idx.msk @!p6 [tilespmem:v22+s8+$0x0], $0xffff;
	s8 =	simm.s32 @!p5 $0xC800  }
0x13e: {  	s29 =	sadd.s32 @!p3 $0xFFFFFFF8, s9;
	vm15 =	vmand @!p2 vm0, vm7;
	vm0 =	vne.s32 @!p4 v23, v17;
	v37 =	vbroadcast @!p1 v37, $0x0;
	v47 =	vld.idx.msk @!p5 [tilespmem:v24+s8+$0x0], $0xffff;
	s8 =	simm.s32 @!p6 $0xC800  }
0x13f: {  	s11 =	simm.s32 @!p4 $0xB400;
	v43 =	vmov @!p3 s29;
	v40 =	vbroadcast @!p2 v40, $0x0;
	v30 =	vmin.u32 @!p2 v30, $0x7;
	v48 =	vld.idx.msk @!p6 [tilespmem:v22+s8+$0x0], $0xffff;
	s8 =	simm.s32 @!p0 $0x12C00  }
0x140: {  	v49 =	vnsel @!p3 vm9, $0x0, v31;
	v43 =	vshrl.u32 @!p3 v43, $0x3;
	v26 =	vor.u32 @!p1 v37, v26;
	[tilespmem:v34+s8+$0x0] =	vst.idx.msk @!p0 vm3, v16;
	s8 =	simm.s32 @!p0 $0x14970;
	v16 =	vld.idx.msk @!p4 [tilespmem:v23+s11+$0x0], $0xffff;
	s11 =	simm.s32 @!p4 $0xF000  }
0x141: {  	v43 =	vshll.u32 @!p3 v43, $0x3;
	[tilespmem:v45+s8+$0x0] =	vst.idx.msk @!p0 vm2, v35;
	v35 =	vld.idx.msk @!p4 [tilespmem:v23+s11+$0x0], $0xffff;
	v23 =	vsel vm0, $0xFFFFFFFF, v58;
	vm2 =	vne.s32 @!p6 v22, v15  }
0x142: {  	vm0 =	vlt.s32 @!p3 v31, $0x8;
	v31 =	vsel vm2, $0xFFFFFFFF, v59;
	vm2 =	vle.f32 @!p4 v8, v29  }
0x143: {  	v30 =	vor.u32 @!p2 v40, v30;
	v43 =	vbroadcast @!p3 v43, $0x0;
	[tilespmem:$0x1FFA0] =	vst v23;
	v29 =	vsel vm2, $0xFFFFFFFF, v60  }
0x144: {  	s16 =	simm.s32 @!p1 $0x12C00;
	v37 =	vmin.u32 @!p3 v49, $0x7;
	s8 =	simm.s32 @!p5 $0xB400;
	v23 =	vbroadcast @!p2 v27, $0x0;
	vm2 =	vle.f32 @!p5 v8, v32;
	[tilespmem:$0x1FFD0] =	vst v29  }
0x145: {  	v27 =	vld.idx.msk @!p5 [tilespmem:v24+s8+$0x0], $0xffff;
	s8 =	simm.s32 @!p5 $0xF000;
	vm0 =	vmand @!p3 vm10, vm0;
	v29 =	vsel vm2, $0xFFFFFFFF, v61;
	vm2 =	vle.f32 @!p4 v36, v11;
	[tilespmem:v26+s16+$0x0] =	vst.idx.msk @!p1 vm6, v14  }
0x146: {  	vm12 =	vne.s32 @!p5 v24, v18;
	v34 =	vor.u32 @!p3 v43, v37;
	v24 =	vld.idx.msk @!p5 [tilespmem:v24+s8+$0x0], $0xffff;
	s8 =	simm.s32 @!p6 $0xB400;
	[tilespmem:$0x1FFE0] =	vst v29;
	v29 =	vsel vm2, $0xFFFFFFFF, v62  }
0x147: {  	s16 =	simm.s32 @!p1 $0x14970;
	[tilespmem:$0x1FFC0] =	vst v29;
	v29 =	vld.idx.msk @!p6 [tilespmem:v22+s8+$0x0], $0xffff;
	s8 =	simm.s32 @!p6 $0xF000  }
0x148: {  	v25 =	vand.u32 @!p3 $0xFFFFFFFE, v25;
	[tilespmem:v28+s16+$0x0] =	vst.idx.msk @!p1 vm4, v21;
	v22 =	vld.idx.msk @!p6 [tilespmem:v22+s8+$0x0], $0xffff;
	s8 =	simm.s32 @!p2 $0x12C00  }
0x149: {  	v25 =	vbroadcast @!p3 v25, $0x0;
	vm8 =	vcmask @!p3 $0x3F3C;
	[tilespmem:v30+s8+$0x0] =	vst.idx.msk @!p2 vm15, v13;
	s8 =	simm.s32 @!p2 $0x14970  }
0x14a: {  	p1 =	por p4, p4;
	[tilespmem:v23+s8+$0x0] =	vst.idx.msk @!p2 vm1, v20;
	s8 =	simm.s32 @!p3 $0x12C00  }
0x14b: {  	[tilespmem:v34+s8+$0x0] =	vst.idx.msk @!p3 vm0, v12;
	vm0 =	vle.f32 @!p1 v16, v9;
	v16 =	vld [tilespmem:$0x1FFA0];
	_ =	sdelay $0x2  }
0x14c: {  	[tilespmem:$0x1FFB0] =	vst v31;
	p2 =	por p5, p5;
	vm1 =	vle.f32 @!p1 v6, v35;
	s8 =	simm.s32 @!p3 $0x14970  }
0x14d: {  	vm9 =	vle.f32 @!p2 v6, v24;
	[tilespmem:v25+s8+$0x0] =	vst.idx.msk @!p3 vm8, v19;
	vm8 =	vle.f32 @!p2 v27, v9  }
0x14e: {  	vm0 =	vmand @!p1 vm0, vm1;
	vm1 =	vmand @!p2 vm8, vm9;
	vm9 =	vnez.u8 v16;
	v16 =	vld [tilespmem:$0x1FFB0];
	_ =	sdelay $0x2  }
0x14f: {  	v63 =	vimm.s32 $0x0;
	vm2 =	vle.f32 @!p6 v8, v33  }
0x150: {  	v31 =	vsel vm2, $0xFFFFFFFF, v63;
	vm2 =	vle.f32 @!p2 v47, v10;
	vm1 =	vmand @!p2 vm1, vm12  }
0x151: {  	vm1 =	vmand @!p2 vm2, vm1;
	vm2 =	vnez.u8 v16;
	v16 =	vld [tilespmem:$0x1FFC0]  }
0x152: {  	p3 =	por p6, p6  }
0x153: {  	vm10 =	vle.f32 @!p3 v29, v9;
	vm8 =	vle.f32 @!p3 v6, v22  }
0x154: {  	s11 =	sadd.s32 $0x7, s15;
	vm8 =	vmand @!p3 vm10, vm8  }
0x155: {  	s15 =	sadd.s32 s3, s11;
	vm3 =	vle.f32 @!p6 v48, v10;
	vm2 =	vmand @!p3 vm8, vm2  }
0x156: {  	p0 =	sgt.u32 s15, $0x1387;
	vm2 =	vmand @!p3 vm3, vm2;
	vm3 =	vnez.u8 v16;
	v16 =	vld [tilespmem:$0x1FFD0]  }
0x157: {  	v26 =	vmov @!p0 s15  }
0x158: {  	vm5 =	vle.f32 @!p1 v46, v10;
	vm0 =	vmand @!p1 vm0, vm9  }
0x159: {  	s15 =	simm.s32 @!p4 $0x0;
	vm4 =	vle.f32 @!p1 v7, v42;
	vm0 =	vmand @!p1 vm5, vm0  }
0x15a: {  	s15 =	simm.s32 @p4 $0x1;
	vm0 =	vmand @!p1 vm4, vm0  }
0x15b: {  	[smem:$0x7F9] =	sst s15;
	s15 =	simm.s32 @!p0 $0xB400;
	vm0 =	vmand @!p1 vm3, vm0;
	vm3 =	vnez.u8 v16;
	v16 =	vld [tilespmem:$0x1FFE0]  }
0x15c: {  	v19 =	vld.idx.msk @!p0 [tilespmem:v26+s15+$0x0], $0xffff  }
0x15d: {  	vm14 =	vle.f32 @!p5 v7, v44  }
0x15e: {  	vm6 =	vle.f32 @!p5 v39, v11;
	vm1 =	vmand @!p2 vm14, vm1  }
0x15f: {  	vm13 =	vle.f32 @!p6 v41, v11;
	vm15 =	vle.f32 @!p6 v7, v38;
	s8 =	simm.s32 @!p0 $0xF000;
	vm1 =	vmand @!p2 vm6, vm1  }
0x160: {  	[tilespmem:$0x1FFF0] =	vst v31;
	v22 =	vld.idx.msk @!p0 [tilespmem:v26+s8+$0x0], $0xffff;
	vm2 =	vmand @!p3 vm15, vm2;
	vm6 =	vmand @!p1 vm3, vm0;
	vm0 =	vnez.u8 v16  }
0x161: {  	s30 =	sld [smem:$0x7F5];
	vm0 =	vmand @!p2 vm0, vm1;
	vm1 =	vmand @!p3 vm13, vm2;
	vm2 =	vle.f32 @!p0 v19, v9;
	v19 =	vld [tilespmem:$0x1FFF0]  }
0x162: {  	s8 =	simm.s32 @!p0 $0xC800  }
0x163: {  	v23 =	vld.idx.msk @!p0 [tilespmem:v26+s8+$0x0], $0xffff;
	s8 =	simm.s32 @!p0 $0x10400  }
0x164: {  	vm11 =	vcmask @!p4 $0x3F3C;
	vm7 =	vcmask @!p5 $0x3F3C;
	p4 =	seq.s32 s30, $0x1;
	v24 =	vld.idx.msk @!p0 [tilespmem:v26+s8+$0x0], $0xffff  }
.Ltmp3:
0x165: {  	v21 =	vimm.s32 @!p1 $0x0;
	v20 =	vimm.s32 @!p2 $0x0;
	v12 =	vmovc v15;
	v15 =	vimm.s32 @!p6 $0x0;
	(pc) =	sbr.rel @p4 .LBB2_8-.Ltmp3, $4  }
0x166: {  	vm3 =	vle.f32 @!p0 v6, v22;
	v16 =	vlaneseq.u32 @!p0;
	vm4 =	vnez.u8 v19  }
0x167: {  	s15 =	simm.s32 @!p0 $0xDC00;
	vm2 =	vmand @!p0 vm2, vm3;
	vm10 =	vmand @!p3 vm4, vm1;
	vm1 =	vne.s32 @!p0 v26, v16  }
0x168: {  	v13 =	vmovc v18;
	v18 =	vld.idx.msk @!p0 [tilespmem:v26+s15+$0x0], $0xffff;
	s8 =	simm.s32 @!p0 $0x11800;
	v21 =	vsel @!p1 vm6, $0x1, v21;
	vm1 =	vmand @!p0 vm2, vm1;
	vm2 =	vle.f32 @!p0 v23, v10  }
0x169: {  	s14 =	smov.u32 s13;
	v14 =	vmovc v17;
	v17 =	vld.idx.msk @!p0 [tilespmem:v26+s8+$0x0], $0xffff;
	(xrf0) =	vadd.scan.msk.s32 @!p1 $0xffff, v21;
	v19 =	vsel @!p2 vm0, $0x1, v20;
	vm4 =	vle.f32 @!p0 v7, v24;
	vm3 =	vmand @!p0 vm2, vm1  }
0x16a: {  	_ =	sdelay $0x1  }
0x16b: {  	s8 =	sld [smem:$0x7F9]  }
0x16c: {  	vm1 =	vmand @!p0 vm4, vm3;
	v15 =	vsel @!p3 vm10, $0x1, v15;
	vm2 =	vle.f32 @!p0 v18, v11  }
0x16d: {  	(xrf0) =	vadd.scan.msk.s32 @!p2 $0xffff, v19;
	vm3 =	vmmov vm11;
	vm1 =	vmand @!p0 vm2, vm1;
	vm2 =	vle.f32 @!p0 v8, v17  }
0x16e: {  	v19 =	vmov @!p3 s10;
	(xrf0) =	vadd.scan.msk.s32 @!p3 $0xffff, v15;
	v15 =	vimm.s32 @!p0 $0x0;
	p4 =	seq.s32 s8, $0x1;
	s8 =	sadd.s32 $0x20, s9;
	vm1 =	vmand @!p0 vm2, vm1  }
0x16f: {  	s30 =	sld [smem:$0x7FB];
	v17 =	vmov @!p2 s12;
	v25 =	vmov @!p0 s8;
	v15 =	vsel @!p0 vm1, $0x1, v15  }
0x170: {  	s9 =	sadd.s32 @!p1 $0xFFFFFFE8, s8;
	s10 =	sadd.s32 @!p2 $0xFFFFFFF0, s8;
	vm2 =	vmmov vm7;
	v18, _, _ =	vpop @!p4 (xrf0);
	v17 =	vand.u32 @!p2 $0xFFFFFFFD, v17;
	v25 =	vshrl.u32 @!p0 v25, $0x3;
	(xrf0) =	vadd.scan.msk.s32 @!p0 $0xffff, v15  }
0x171: {  	v28 =	vmov @!p1 s9;
	v29 =	vmov @!p2 s10;
	v20 =	vadd.s32 @!p1 $0xFFFFFFFF, v18  }
0x172: {  	p4 =	seq.s32 s30, $0x1;
	v25 =	vshll.u32 @!p0 v25, $0x3;
	v28 =	vshrl.u32 @!p1 v28, $0x3;
	v29 =	vshrl.u32 @!p2 v29, $0x3  }
0x173: {  	v21, _, _ =	vpop @!p4 (xrf0);
	v17 =	vbroadcast @!p2 v17, $0x0;
	v15 =	vmov @!p1 s14;
	vm4 =	vlt.s32 @!p1 v20, $0x8  }
0x174: {  	vm5 =	vgt.s32 @!p1 v20, $0x0;
	v23 =	vadd.s32 @!p2 $0xFFFFFFFF, v21;
	v25 =	vbroadcast @!p0 v25, $0x0  }
0x175: {  	v22, _, _ =	vpop @!p6 (xrf0);
	v28 =	vshll.u32 @!p1 v28, $0x3;
	v29 =	vshll.u32 @!p2 v29, $0x3;
	v15 =	vand.u32 @!p1 $0xFFFFFFFC, v15  }
0x176: {  	vm4 =	vmand @!p1 vm6, vm4;
	v24 =	vadd.s32 @!p3 $0xFFFFFFFF, v22;
	v20 =	vnsel @!p1 vm5, $0x0, v20;
	v26, _, _ =	vpop @!p0 (xrf0)  }
0x177: {  	vm5 =	vlt.s32 @!p2 v23, $0x8;
	vm6 =	vgt.s32 @!p2 v23, $0x0;
	v27 =	vadd.s32 @!p0 $0xFFFFFFFF, v26  }
0x178: {  	v28 =	vbroadcast @!p1 v28, $0x0;
	v29 =	vbroadcast @!p2 v29, $0x0;
	vm8 =	vgt.s32 @!p0 v27, $0x0  }
0x179: {  	v15 =	vbroadcast @!p1 v15, $0x0;
	v30 =	vnsel @!p0 vm8, $0x0, v27;
	vm8 =	vlt.s32 @!p0 v27, $0x8  }
0x17a: {  	v20 =	vmin.u32 @!p1 v20, $0x7;
	v30 =	vmin.u32 @!p0 v30, $0x7;
	vm1 =	vmand @!p0 vm1, vm8  }
0x17b: {  	s8 =	sadd.s32 @!p3 $0xFFFFFFF8, s8;
	vm7 =	vgt.s32 @!p3 v24, $0x0;
	vm8 =	vcmask @!p0 $0x3F3C;
	v25 =	vor.u32 @!p0 v25, v30  }
0x17c: {  	v23 =	vnsel @!p2 vm6, $0x0, v23;
	v27 =	vmov @!p3 s8;
	v30 =	vmov @!p0 s11  }
0x17d: {  	vm0 =	vmand @!p2 vm0, vm5;
	v20 =	vor.u32 @!p1 v28, v20;
	v27 =	vshrl.u32 @!p3 v27, $0x3  }
0x17e: {  	vm5 =	vlt.s32 @!p3 v24, $0x8;
	v23 =	vmin.u32 @!p2 v23, $0x7;
	v27 =	vshll.u32 @!p3 v27, $0x3  }
0x17f: {  	v28 =	vnsel @!p3 vm7, $0x0, v24;
	v23 =	vor.u32 @!p2 v29, v23;
	s8 =	simm.s32 @!p0 $0x12C00;
	v27 =	vbroadcast @!p3 v27, $0x0  }
0x180: {  	v24 =	vmin.u32 @!p3 v28, $0x7;
	[tilespmem:v25+s8+$0x0] =	vst.idx.msk @!p0 vm1, v16;
	s8 =	simm.s32 @!p0 $0x14970;
	v16 =	vand.u32 @!p3 $0xFFFFFFFE, v19;
	vm1 =	vmand @!p3 vm10, vm5  }
0x181: {  	vm5 =	vcmask @!p3 $0x3F3C;
	v19 =	vor.u32 @!p3 v27, v24;
	[tilespmem:v30+s8+$0x0] =	vst.idx.msk @!p0 vm8, v26;
	s8 =	simm.s32 @!p1 $0x12C00;
	v16 =	vbroadcast @!p3 v16, $0x0  }
0x182: {  	[tilespmem:v20+s8+$0x0] =	vst.idx.msk @!p1 vm4, v14;
	s8 =	simm.s32 @!p1 $0x14970  }
0x183: {  	[tilespmem:v15+s8+$0x0] =	vst.idx.msk @!p1 vm3, v18;
	s8 =	simm.s32 @!p2 $0x12C00  }
0x184: {  	[tilespmem:v23+s8+$0x0] =	vst.idx.msk @!p2 vm0, v13;
	s8 =	simm.s32 @!p2 $0x14970  }
0x185: {  	[tilespmem:v17+s8+$0x0] =	vst.idx.msk @!p2 vm2, v21;
	s8 =	simm.s32 @!p3 $0x12C00  }
0x186: {  	[tilespmem:v19+s8+$0x0] =	vst.idx.msk @!p3 vm1, v12;
	s8 =	simm.s32 @!p3 $0x14970  }
0x187: {  	s9 =	simm.s32 $0x138;
	p0 =	por $0x0, $0x0;
	[tilespmem:v16+s8+$0x0] =	vst.idx.msk @!p3 vm5, v22  }
.LBB2_10:
0x188: {  	s8 =	sadd.s32 s3, s9  }
0x189: {  	p1 =	sgt.u32 s8, $0x1387  }
0x18a: {  	v12 =	vmov @!p1 s8;
	_ =	sdelay $0x3  }
0x18b: {  	s8 =	simm.s32 @!p1 $0xB400  }
0x18c: {  	v13 =	vld.idx.msk @!p1 [tilespmem:v12+s8+$0x0], $0xffff;
	s8 =	simm.s32 @!p1 $0xF000  }
0x18d: {  	v14 =	vld.idx.msk @!p1 [tilespmem:v12+s8+$0x0], $0xffff  }
0x18e: {  	s8 =	simm.s32 @!p1 $0xC800  }
0x18f: {  	v15 =	vld.idx.msk @!p1 [tilespmem:v12+s8+$0x0], $0xffff;
	s8 =	simm.s32 @!p1 $0x10400  }
0x190: {  	v16 =	vld.idx.msk @!p1 [tilespmem:v12+s8+$0x0], $0xffff;
	s8 =	simm.s32 @!p1 $0xDC00  }
0x191: {  	v17 =	vld.idx.msk @!p1 [tilespmem:v12+s8+$0x0], $0xffff;
	s8 =	simm.s32 @!p1 $0x11800  }
0x192: {  	v19 =	vlaneseq.u32 @!p1;
	v18 =	vld.idx.msk @!p1 [tilespmem:v12+s8+$0x0], $0xffff;
	vm0 =	vle.f32 @!p1 v13, v9;
	vm1 =	vle.f32 @!p1 v6, v14  }
0x193: {  	vm2 =	vne.s32 @!p1 v12, v19;
	vm0 =	vmand @!p1 vm0, vm1  }
0x194: {  	vm1 =	vle.f32 @!p1 v15, v10;
	vm0 =	vmand @!p1 vm0, vm2  }
0x195: {  	vm0 =	vmand @!p1 vm1, vm0;
	vm1 =	vle.f32 @!p1 v7, v16  }
0x196: {  	vm0 =	vmand @!p1 vm1, vm0;
	vm1 =	vle.f32 @!p1 v17, v11  }
0x197: {  	vm0 =	vmand @!p1 vm1, vm0;
	vm1 =	vle.f32 @!p1 v8, v18  }
0x198: {  	v12 =	vimm.s32 @!p1 $0x0;
	vm0 =	vmand @!p1 vm1, vm0  }
0x199: {  	v12 =	vsel @!p1 vm0, $0x1, v12  }
0x19a: {  	(xrf0) =	vadd.scan.msk.s32 @!p1 $0xffff, v12;
	_ =	sdelay $0x4  }
0x19b: {  	s8 =	sshll.u32 @!p1 s9, $0x3  }
0x19c: {  	v13 =	vmov @!p1 s8;
	v12, _, _ =	vpop @!p1 (xrf0)  }
0x19d: {  	v13 =	vshrl.u32 @!p1 v13, $0x3;
	v14 =	vadd.s32 @!p1 $0xFFFFFFFF, v12  }
0x19e: {  	v13 =	vshll.u32 @!p1 v13, $0x3;
	vm1 =	vgt.s32 @!p1 v14, $0x0  }
0x19f: {  	v13 =	vbroadcast @!p1 v13, $0x0;
	vm2 =	vlt.s32 @!p1 v14, $0x8;
	v14 =	vnsel @!p1 vm1, $0x0, v14  }
0x1a0: {  	vm0 =	vmand @!p1 vm0, vm2;
	v14 =	vmin.u32 @!p1 v14, $0x7  }
0x1a1: {  	vm1 =	vcmask @!p1 $0x3F3C;
	v13 =	vor.u32 @!p1 v13, v14  }
0x1a2: {  	p2 =	por p0, p0;
	v14 =	vmov @!p1 s9  }
.Ltmp4:
0x1a3: {  	_ = 	snop;
	(pc) =	sbr.rel @!p2 .LBB2_10-.Ltmp4, $4  }
0x1a4: {  	_ = 	snop  }
0x1a5: {  	s8 =	simm.s32 @!p1 $0x12C00  }
0x1a6: {  	[tilespmem:v13+s8+$0x0] =	vst.idx.msk @!p1 vm0, v19;
	s8 =	simm.s32 @!p1 $0x14970  }
0x1a7: {  	p0 =	por $0x1, $0x1;
	s9 =	simm.s32 $0x139;
	[tilespmem:v14+s8+$0x0] =	vst.idx.msk @!p1 vm1, v12  }
.Ltmp5:
0x1a8: {  	(pc) =	sbr.rel .LBB2_12-.Ltmp5, $2  }
0x1a9: {  	_ =	sdelay $0x2  }
0x1aa: {  	s9 =	simm.s32 $0x0  }
.LBB2_15:
0x1ab: {  	s9 =	sadd.s32 $0x1, s9  }
0x1ac: {  	p0 =	sne.s32 s9, $0x13A  }
.Ltmp6:
0x1ad: {  	_ = 	snop;
	(pc) =	sbr.rel @!p0 .LBB2_16-.Ltmp6, $1  }
0x1ae: {  	_ =	sdelay $0x3  }
.LBB2_12:
0x1af: {  	v6 =	vmov s9;
	_ =	sdelay $0x4  }
0x1b0: {  	v6 =	vld.idx.msk [tilespmem:v6+s28+$0x0], $0xffff;
	_ =	sdelay $0x4  }
0x1b1: {  	(v2sf) =	vpush v6, $0x0;
	_ =	sdelay $0xe  }
0x1b2: {  	s10 =	spop (v2sf)  }
0x1b3: {  	p0 =	sgt.s32 s10, $0x7  }
.Ltmp7:
0x1b4: {  	_ = 	snop;
	(pc) =	sbr.rel @p0 .LBB2_15-.Ltmp7, $1  }
0x1b5: {  	_ =	sdelay $0x3  }
0x1b6: {  	s8 =	sadd.s32 s3, s9  }
0x1b7: {  	v6 =	vmov s8;
	_ =	sdelay $0x3  }
0x1b8: {  	s17 =	simm.s32 $0xB400  }
0x1b9: {  	s29 =	simm.s32 $0xC800;
	v7 =	vld.idx.msk [tilespmem:v6+s17+$0x0], $0xffff  }
0x1ba: {  	s30 =	sshll.u32 s9, $0x3;
	v8 =	vld.idx.msk [tilespmem:v6+s29+$0x0], $0xffff  }
0x1bb: {  	v11 =	vmov s30;
	v9 =	vld.idx.msk [tilespmem:v6+s31+$0x0], $0xffff  }
0x1bc: {  	s11 =	simm.s32 $0xB410;
	s12 =	simm.s32 $0xF010;
	v12 =	vshrl.u32 v11, $0x3;
	v10 =	vld.idx.msk [tilespmem:v6+s0+$0x0], $0xffff  }
0x1bd: {  	s13 =	simm.s32 $0xC810;
	s14 =	simm.s32 $0x10410;
	s15 =	simm.s32 $0xDC10;
	v13 =	vshll.u32 v12, $0x3;
	v11 =	vld.idx.msk [tilespmem:v6+s2+$0x0], $0xffff  }
0x1be: {  	s16 =	simm.s32 $0x11810;
	s8 =	simm.s32 $0x1;
	v13 =	vbroadcast v13, $0x0;
	v12 =	vld.idx.msk [tilespmem:v6+s4+$0x0], $0xffff;
	s17 =	simm.s32 $0x10  }
.LBB2_14:
0x1bf: {  	v14 =	vld [tilespmem:s11+$0x0]  }
0x1c0: {  	v15 =	vld [tilespmem:s12+$0x0];
	_ =	sdelay $0x1  }
0x1c1: {  	v16 =	vld [tilespmem:s14+$0x0]  }
0x1c2: {  	v17 =	vld [tilespmem:s13+$0x0]  }
0x1c3: {  	v18 =	vld [tilespmem:s16+$0x0]  }
0x1c4: {  	vm0 =	vle.f32 v7, v15;
	v15 =	vor.u32 s17, v0;
	vm1 =	vle.f32 v14, v10;
	v14 =	vld [tilespmem:s15+$0x0]  }
0x1c5: {  	vm0 =	vmand vm0, vm1;
	vm10 =	vne.s32 v15, v6  }
0x1c6: {  	vm2 =	vle.f32 v8, v16;
	vm0 =	vmand vm0, vm10  }
0x1c7: {  	vm11 =	vle.f32 v17, v11;
	vm0 =	vmand vm0, vm2  }
0x1c8: {  	vm12 =	vle.f32 v9, v18;
	vm0 =	vmand vm11, vm0  }
0x1c9: {  	vm0 =	vmand vm0, vm12;
	vm13 =	vle.f32 v14, v12  }
0x1ca: {  	vm0 =	vmand vm13, vm0  }
0x1cb: {  	v14 =	vsel vm0, $0x1, v5  }
0x1cc: {  	(xrf0) =	vadd.scan.msk.s32 $0xffff, v14;
	_ =	sdelay $0x5  }
0x1cd: {  	v14, _, _ =	vpop (xrf0)  }
0x1ce: {  	(v2sf) =	vpush v14, $0xF;
	_ =	sdelay $0xc  }
0x1cf: {  	s29 =	sadd.s32 $0xFFFFFFFF, s10  }
0x1d0: {  	v14 =	vadd.s32 s29, v14  }
0x1d1: {  	vm14 =	vgt.s32 v14, $0x0;
	s29 =	spop (v2sf)  }
0x1d2: {  	p0 =	sgt.u32 s8, $0x13E;
	vm15 =	vlt.s32 v14, $0x8;
	v14 =	vnsel vm14, $0x0, v14;
	s10 =	sadd.s32 s10, s29  }
0x1d3: {  	vm0 =	vmand vm0, vm15;
	v14 =	vmin.u32 v14, $0x7;
	p1 =	slt.s32 @!p0 s10, $0x8  }
0x1d4: {  	v14 =	vor.u32 v13, v14;
	p0 =	por p0, !p1  }
.Ltmp8:
0x1d5: {  	_ = 	snop;
	(pc) =	sbr.rel @!p0 .LBB2_14-.Ltmp8, $4  }
0x1d6: {  	_ = 	snop  }
0x1d7: {  	s30 =	sadd.s32 $0x1, s8;
	s11 =	sadd.s32 $0x10, s11;
	s12 =	sadd.s32 $0x10, s12  }
0x1d8: {  	s13 =	sadd.s32 $0x10, s13;
	s14 =	sadd.s32 $0x10, s14;
	s16 =	sadd.s32 $0x10, s16  }
0x1d9: {  	s8 =	smov.u32 s30;
	s15 =	sadd.s32 $0x10, s15;
	s17 =	sadd.s32 $0x10, s17;
	[tilespmem:v14+s5+$0x0] =	vst.idx.msk vm0, v15  }
.Ltmp9:
0x1da: {  	_ = 	snop;
	(pc) =	sbr.rel .LBB2_15-.Ltmp9, $1  }
0x1db: {  	_ =	sdelay $0x3  }
.LBB2_16:
0x1dc: {  	s9 =	simm.s32 $0xFFFFFFFC;
	s10 =	simm.s32 $0x0;
	s11 =	simm.s32 $0x12C20  }
.LBB2_17:
0x1dd: {  	v6 =	vld [tilespmem:s11+$0xFFFFFFE0];
	_ =	sdelay $0x4  }
0x1de: {  	vm0 =	vgt.s32 v6, $0x0  }
0x1df: {  	v7 =	vnsel vm0, $0x0, v6;
	_ =	sdelay $0x4  }
0x1e0: {  	v17 =	vld.idx.msk [tilespmem:v7+s1+$0x0], $0xffff  }
0x1e1: {  	v14 =	vld.idx.msk [tilespmem:v7+s18+$0x0], $0xffff  }
0x1e2: {  	v12 =	vld.idx.msk [tilespmem:v7+s19+$0x0], $0xffff  }
0x1e3: {  	v15 =	vld.idx.msk [tilespmem:v7+s20+$0x0], $0xffff  }
0x1e4: {  	v16 =	vld.idx.msk [tilespmem:v7+s21+$0x0], $0xffff  }
0x1e5: {  	v13 =	vld.idx.msk [tilespmem:v7+s22+$0x0], $0xffff  }
0x1e6: {  	v8 =	vld.idx.msk [tilespmem:v7+s24+$0x0], $0xffff  }
0x1e7: {  	v9 =	vor.u32 s10, v0;
	v10 =	vld.idx.msk [tilespmem:v7+s25+$0x0], $0xffff  }
0x1e8: {  	v11 =	vld.idx.msk [tilespmem:v7+s23+$0x0], $0xffff;
	v7 =	vshrl.u32 v9, $0x3  }
0x1e9: {  	v7 =	vadd.s32 v1, v7;
	_ =	sdelay $0x3  }
0x1ea: {  	v18 =	vsub.f32 v16, v14;
	v19 =	vsub.f32 v13, v12  }
0x1eb: {  	v20 =	vsub.f32 v8, v14;
	v21 =	vsub.f32 v10, v12;
	v26 =	vld.idx.msk [tilespmem:v7+s1+$0x0], $0xffff  }
0x1ec: {  	v22 =	vsub.f32 v15, v17;
	v23 =	vsub.f32 v11, v17;
	v27 =	vld.idx.msk [tilespmem:v7+s18+$0x0], $0xffff  }
0x1ed: {  	v29 =	vld.idx.msk [tilespmem:v7+s19+$0x0], $0xffff;
	v24 =	vmul.f32 v21, v18;
	v25 =	vmul.f32 v20, v19  }
0x1ee: {  	v31 =	vld.idx.msk [tilespmem:v7+s20+$0x0], $0xffff;
	v19 =	vmul.f32 v23, v19;
	v21 =	vmul.f32 v21, v22  }
0x1ef: {  	v32 =	vld.idx.msk [tilespmem:v7+s21+$0x0], $0xffff;
	v49 =	vmul.f32 v20, v22;
	v18 =	vmul.f32 v23, v18  }
0x1f0: {  	v34 =	vld.idx.msk [tilespmem:v7+s22+$0x0], $0xffff;
	v28 =	vsub.f32 v24, v25;
	v30 =	vsub.f32 v19, v21  }
0x1f1: {  	v35 =	vld.idx.msk [tilespmem:v7+s23+$0x0], $0xffff;
	v33 =	vsub.f32 v49, v18  }
0x1f2: {  	v25 =	vld.idx.msk [tilespmem:v7+s24+$0x0], $0xffff;
	v50 =	vmul.f32 v28, v17;
	v51 =	vmul.f32 v30, v14  }
0x1f3: {  	v24 =	vld.idx.msk [tilespmem:v7+s25+$0x0], $0xffff;
	v52 =	vmul.f32 v33, v12;
	v53 =	vmul.f32 v28, v26  }
0x1f4: {  	v54 =	vmul.f32 v30, v27;
	v58 =	vmul.f32 v28, v31  }
0x1f5: {  	v59 =	vsub.f32 v32, v27;
	v60 =	vsub.f32 v34, v29;
	v36 =	vmul.f32 v30, v32  }
0x1f6: {  	v39 =	vmul.f32 v33, v34;
	v40 =	vsub.f32 v31, v26;
	v41 =	vsub.f32 v35, v26  }
0x1f7: {  	v63 =	vmul.f32 v28, v35;
	v18 =	vadd.f32 v51, v50;
	v56 =	vadd.f32 v54, v53  }
0x1f8: {  	v23 =	vmul.f32 v41, v60;
	v37 =	vsub.f32 v25, v27;
	v38 =	vsub.f32 v24, v29  }
0x1f9: {  	v20 =	vadd.f32 v36, v58;
	v22 =	vmul.f32 v41, v59;
	v43 =	vmul.f32 v30, v25  }
0x1fa: {  	v18 =	vadd.f32 v18, v52;
	v61 =	vmul.f32 v38, v59;
	v42 =	vmul.f32 v37, v60  }
0x1fb: {  	v20 =	vadd.f32 v20, v39;
	v62 =	vmul.f32 v38, v40;
	v40 =	vmul.f32 v37, v40  }
0x1fc: {  	v57 =	vmul.f32 v33, v29;
	v43 =	vadd.f32 v43, v63;
	v42 =	vsub.f32 v61, v42  }
0x1fd: {  	v44 =	vmul.f32 v33, v24;
	v36 =	vsub.f32 v23, v62;
	v45 =	vsub.f32 v40, v22  }
0x1fe: {  	v55 =	vsub.f32 $0.0e+00, v18;
	v18 =	vadd.f32 v56, v57;
	v46 =	vmul.f32 v42, v26  }
0x1ff: {  	v37 =	vadd.f32 v43, v44;
	v47 =	vmul.f32 v36, v27;
	v49 =	vmul.f32 v45, v29  }
0x200: {  	v18 =	vadd.f32 v55, v18;
	v50 =	vmul.f32 v42, v17;
	v51 =	vmul.f32 v36, v14  }
0x201: {  	v23 =	vadd.f32 v55, v20;
	v52 =	vmul.f32 v15, v42;
	v53 =	vmul.f32 v16, v36  }
0x202: {  	v19 =	vadd.f32 v55, v37;
	v54 =	vmul.f32 v11, v42;
	v55 =	vmul.f32 v8, v36  }
0x203: {  	v56 =	vmul.f32 v12, v45;
	v57 =	vmul.f32 v13, v45  }
0x204: {  	v60 =	vmul.f32 v10, v45;
	v61 =	vmul.f32 v33, v36  }
0x205: {  	v62 =	vmul.f32 v30, v45;
	v38 =	vmul.f32 v28, v45  }
0x206: {  	v33 =	vmul.f32 v33, v42;
	v30 =	vmul.f32 v30, v42  }
0x207: {  	v28 =	vmul.f32 v28, v36;
	vm10 =	vgt.f32 v18, $9.999999930e-09;
	vm1 =	vgt.f32 v23, $9.999999930e-09  }
0x208: {  	vm2 =	vlt.f32 v18, $-9.999999930e-09;
	v43 =	vsub.f32 v18, v23;
	v48 =	vadd.f32 v47, v46  }
0x209: {  	vm3 =	vlt.f32 v23, $-9.999999930e-09;
	v21 =	vadd.f32 v51, v50;
	v22 =	vadd.f32 v53, v52  }
0x20a: {  	v59 =	vadd.f32 v55, v54;
	vm0 =	vmneg vm10;
	vm1 =	vmneg vm1  }
0x20b: {  	vm11 =	vgt.f32 v19, $9.999999930e-09;
	vm2 =	vmneg vm2;
	vm3 =	vmneg vm3  }
0x20c: {  	vm13 =	vlt.f32 v19, $-9.999999930e-09;
	v63 =	vsub.f32 v61, v62;
	v33 =	vsub.f32 v38, v33  }
0x20d: {  	v28 =	vsub.f32 v30, v28;
	v54 =	vsub.f32 v19, v18;
	v39 =	vmul.f32 v19, v23  }
0x20e: {  	vm0 =	vmor vm0, vm1;
	vm1 =	vmneg vm11;
	vm12 =	vmor vm2, vm3  }
0x20f: {  	vm2 =	vmneg vm13;
	v47 =	vand.u32 $0x7FFFFFFF, v43;
	v40 =	vmul.f32 v63, v63  }
0x210: {  	v20 =	vadd.f32 v48, v49;
	v41 =	vmul.f32 v33, v33;
	v42 =	vmul.f32 v28, v28  }
0x211: {  	v21 =	vadd.f32 v21, v56;
	v26 =	vmul.f32 v63, v26;
	v27 =	vmul.f32 v33, v27  }
0x212: {  	v22 =	vadd.f32 v57, v22;
	v44 =	vmul.f32 v28, v29;
	v45 =	vmul.f32 v63, v31  }
0x213: {  	v37 =	vadd.f32 v60, v59;
	v46 =	vmul.f32 v33, v32;
	v51 =	vmul.f32 v28, v34  }
0x214: {  	vm0 =	vmor vm1, vm0;
	v53 =	vmul.f32 v63, v35;
	v25 =	vmul.f32 v33, v25  }
0x215: {  	vm1 =	vmor vm2, vm12;
	v17 =	vmul.f32 v63, v17;
	v14 =	vmul.f32 v33, v14  }
0x216: {  	vm13 =	vgt.f32 v47, $1.000000000e-30;
	v15 =	vmul.f32 v63, v15;
	v16 =	vmul.f32 v33, v16  }
0x217: {  	v48 =	vsub.f32 v23, v19;
	v24 =	vmul.f32 v28, v24;
	v12 =	vmul.f32 v28, v12  }
0x218: {  	v13 =	vmul.f32 v28, v13;
	v55 =	vand.u32 $0x7FFFFFFF, v54;
	v58 =	vsub.f32 $0.0e+00, v20  }
0x219: {  	v11 =	vmul.f32 v63, v11;
	v30 =	vadd.f32 v41, v40;
	v26 =	vadd.f32 v27, v26  }
0x21a: {  	v10 =	vmul.f32 v28, v10;
	v49 =	vadd.f32 v46, v45;
	v25 =	vadd.f32 v25, v53  }
0x21b: {  	v34 =	vmul.f32 v23, v18;
	v14 =	vadd.f32 v14, v17;
	v15 =	vadd.f32 v16, v15  }
0x21c: {  	vm0 =	vmand vm0, vm1;
	v21 =	vadd.f32 v58, v21;
	v20 =	vadd.f32 v22, v58  }
0x21d: {  	v50 =	vnsel vm13, $0x3F800000, v43;
	v22 =	vadd.f32 v37, v58;
	v30 =	vadd.f32 v30, v42  }
0x21e: {  	(erf) = vrcp.f32 v50;
	v26 =	vadd.f32 v26, v44;
	v27 =	vadd.f32 v49, v51  }
0x21f: {  	v52 =	vand.u32 $0x7FFFFFFF, v48;
	v56 =	vadd.f32 v25, v24;
	v24 =	vadd.f32 v14, v12  }
0x220: {  	v25 =	vadd.f32 v15, v13;
	v58 =	vmul.f32 v33, v8;
	vm14 =	vgt.f32 v21, $9.999999930e-09  }
0x221: {  	vm4 =	vgt.f32 v20, $9.999999930e-09;
	vm5 =	vgt.f32 v22, $9.999999930e-09;
	v60 =	vsub.f32 v21, v20  }
0x222: {  	vm9 =	vlt.f32 v21, $-9.999999930e-09;
	v62 =	vsub.f32 v27, v26;
	v63 =	vsub.f32 v20, v22  }
0x223: {  	vm10 =	vlt.f32 v20, $-9.999999930e-09;
	v11 =	vadd.f32 v58, v11;
	v32 =	vsub.f32 v56, v27  }
0x224: {  	vm11 =	vlt.f32 v22, $-9.999999930e-09;
	v37 =	vsub.f32 v22, v21;
	v41 =	vsub.f32 v26, v56  }
0x225: {  	vm3 =	vmneg vm14;
	vm4 =	vmneg vm4;
	vm14 =	vgt.f32 v52, $1.000000000e-30  }
0x226: {  	vm8 =	vmneg vm5;
	vm15 =	vmor vm3, vm4;
	v29 =	vnsel vm14, $0x3F800000, v48  }
0x227: {  	vm2 =	vmor vm15, vm8;
	(erf) = vrcp.f32 v29;
	vm15 =	vgt.f32 v55, $1.000000000e-30  }
0x228: {  	v8 =	vld [tilespmem:s11+$0xFFFFFFF0];
	v49 =	vsub.f32 v25, v24;
	v53 =	vmul.f32 v20, v21;
	v57 =	vnsel vm15, $0x3F800000, v54  }
0x229: {  	vm5 =	vmneg vm10;
	vm10 =	vlt.f32 v39, $0.0e+00;
	(erf) = vrcp.f32 v57  }
0x22a: {  	vm4 =	vmneg vm9;
	v31 =	vand.u32 $0x7FFFFFFF, v63;
	vm9 =	vlt.f32 v34, $0.0e+00  }
0x22b: {  	v42 =	vand.u32 $0x7FFFFFFF, v37;
	vm13 =	vlt.f32 v53, $0.0e+00;
	vm4 =	vmor vm4, vm5  }
0x22c: {  	vm5 =	vmneg vm11;
	v29 =	vand.u32 $0x7FFFFFFF, v60;
	vm7 =	vgt.f32 v31, $1.000000000e-30  }
0x22d: {  	vm8 =	vgt.s32 v8, $0x0;
	vm11 =	vgt.f32 v42, $1.000000000e-30;
	vm12 =	vmor vm4, vm5  }
0x22e: {  	vm6 =	vgt.f32 v29, $1.000000000e-30;
	v33 =	vnsel vm7, $0x3F800000, v63;
	v36 =	vnsel vm8, $0x0, v8  }
0x22f: {  	vm1 =	vmand vm2, vm12;
	v59 =	vpop (erf);
	v12 =	vnsel vm6, $0x3F800000, v60;
	v57 =	vmul.f32 v22, v20  }
0x230: {  	vm2 =	vle.f32 v30, $9.999999930e-09;
	v61 =	vmul.f32 v59, v18;
	v30 =	vpop (erf);
	(erf) = vrcp.f32 v12  }
0x231: {  	v29 =	vadd.f32 v11, v10;
	v15 =	vmul.f32 v30, v23;
	(erf) = vrcp.f32 v33  }
0x232: {  	s8 =	sadd.s32 $0x10, s10;
	v10 =	vnsel vm11, $0x3F800000, v37;
	v18 =	vmul.f32 v18, v19;
	v14 =	vmul.f32 v61, v62;
	v40 =	vpop (erf)  }
0x233: {  	v11 =	vor.u32 s8, v0;
	v16 =	vld.idx.msk [tilespmem:v36+s18+$0x0], $0xffff;
	v13 =	vmul.f32 v15, v32;
	v15 =	vmul.f32 v40, v19  }
0x234: {  	v52 =	vsub.f32 v29, v25;
	vm2 =	vmneg vm2;
	v17 =	vld.idx.msk [tilespmem:v36+s20+$0x0], $0xffff;
	v35 =	vadd.f32 v14, v26  }
0x235: {  	vm0 =	vmand vm1, vm0;
	v14 =	vld.idx.msk [tilespmem:v36+s24+$0x0], $0xffff;
	(erf) = vrcp.f32 v10;
	v44 =	vmul.f32 v15, v41  }
0x236: {  	vm12 =	vlt.f32 v18, $0.0e+00;
	v38 =	vnsel vm9, $0x7F800000, v35;
	v19 =	vld.idx.msk [tilespmem:v36+s21+$0x0], $0xffff;
	v13 =	vadd.f32 v13, v27  }
0x237: {  	v18 =	vld.idx.msk [tilespmem:v36+s22+$0x0], $0xffff;
	v12 =	vnsel vm9, $0xFF800000, v35;
	v47 =	vadd.f32 v44, v56;
	v56 =	vshrl.u32 v11, $0x3  }
0x238: {  	v15 =	vld.idx.msk [tilespmem:v36+s1+$0x0], $0xffff;
	v43 =	vmin.f32 v38, v13;
	v13 =	vmax.f32 v12, v13;
	v10 =	vadd.s32 v1, v56  }
0x239: {  	vm14 =	vlt.f32 v57, $0.0e+00;
	vm0 =	vmand vm2, vm0;
	v46 =	vsel vm10, v13, v12;
	v12 =	vld.idx.msk [tilespmem:v36+s19+$0x0], $0xffff;
	v48 =	vpop (erf)  }
0x23a: {  	v63 =	vsub.f32 v14, v16;
	v45 =	vsel vm10, v43, v38;
	v13 =	vmul.f32 v48, v21;
	v50 =	vpop (erf)  }
0x23b: {  	v61 =	vsub.f32 v19, v16;
	v23 =	vmin.f32 v45, v47;
	v51 =	vmul.f32 v50, v20  }
0x23c: {  	v54 =	vmax.f32 v46, v47;
	v23 =	vsel vm12, v23, v45;
	v20 =	vld.idx.msk [tilespmem:v36+s23+$0x0], $0xffff;
	v13 =	vmul.f32 v49, v13  }
0x23d: {  	v21 =	vmul.f32 v22, v21;
	v45 =	vsub.f32 v17, v15;
	v27 =	vmul.f32 v52, v51;
	v28 =	vld.idx.msk [tilespmem:v10+s18+$0x0], $0xffff  }
0x23e: {  	v26 =	vsel vm12, v54, v46;
	v60 =	vpop (erf);
	v62 =	vsub.f32 v18, v12;
	v55 =	vadd.f32 v13, v24;
	v13 =	vld.idx.msk [tilespmem:v36+s25+$0x0], $0xffff  }
0x23f: {  	vm15 =	vlt.f32 v21, $0.0e+00;
	v34 =	vld.idx.msk [tilespmem:v10+s21+$0x0], $0xffff;
	v25 =	vadd.f32 v27, v25;
	v27 =	vmul.f32 v60, v22  }
0x240: {  	v33 =	vld.idx.msk [tilespmem:v10+s22+$0x0], $0xffff;
	v24 =	vsub.f32 v24, v29;
	v48 =	vmul.f32 v63, v62;
	v22 =	vmul.f32 v63, v45  }
0x241: {  	v35 =	vld.idx.msk [tilespmem:v10+s23+$0x0], $0xffff;
	v58 =	vnsel vm13, $0x7F800000, v55;
	v30 =	vnsel vm13, $0xFF800000, v55;
	v46 =	vsub.f32 v20, v15  }
0x242: {  	v59 =	vmin.f32 v58, v25;
	v24 =	vmul.f32 v24, v27;
	v27 =	vld.idx.msk [tilespmem:v10+s1+$0x0], $0xffff;
	v49 =	vmax.f32 v30, v25  }
0x243: {  	v25 =	vld.idx.msk [tilespmem:v10+s19+$0x0], $0xffff;
	v31 =	vsel vm14, v59, v58;
	v52 =	vmul.f32 v46, v61;
	v44 =	vsub.f32 v13, v12  }
0x244: {  	v50 =	vmul.f32 v46, v62;
	v30 =	vsel vm14, v49, v30;
	v24 =	vadd.f32 v24, v29  }
0x245: {  	v32 =	vld.idx.msk [tilespmem:v10+s20+$0x0], $0xffff;
	v62 =	vsub.f32 v34, v28;
	v38 =	vsub.f32 v22, v52;
	v47 =	vmul.f32 v44, v61  }
0x246: {  	v51 =	vmul.f32 v44, v45;
	v53 =	vmin.f32 v31, v24;
	v54 =	vmax.f32 v30, v24  }
0x247: {  	v29 =	vld.idx.msk [tilespmem:v10+s24+$0x0], $0xffff;
	v21 =	vsel vm15, v53, v31;
	v22 =	vsel vm15, v54, v30;
	v57 =	vmul.f32 v38, v12  }
0x248: {  	v61 =	vmul.f32 v38, v25;
	v63 =	vsub.f32 v33, v25;
	v52 =	vsub.f32 v35, v27  }
0x249: {  	v31 =	vld.idx.msk [tilespmem:v10+s25+$0x0], $0xffff;
	v36 =	vsub.f32 v47, v48;
	v37 =	vsub.f32 v50, v51;
	v21 =	vmax.f32 v23, v21  }
0x24a: {  	v22 =	vmin.f32 v26, v22;
	v51 =	vsub.f32 v32, v27;
	v54 =	vmul.f32 v52, v63  }
0x24b: {  	vm6 =	vle.f32 v21, v22;
	v55 =	vmul.f32 v36, v15;
	v56 =	vmul.f32 v37, v16  }
0x24c: {  	v49 =	vsub.f32 v29, v28;
	v58 =	vmul.f32 v36, v27;
	v40 =	vmul.f32 v37, v28  }
0x24d: {  	v48 =	vmul.f32 v36, v32;
	v41 =	vmul.f32 v37, v34;
	vm0 =	vmand vm0, vm6  }
0x24e: {  	v45 =	vmul.f32 v49, v63;
	v24 =	vadd.f32 v56, v55;
	v50 =	vsub.f32 v31, v25  }
0x24f: {  	v60 =	vadd.f32 v40, v58;
	v56 =	vmul.f32 v38, v33;
	v58 =	vmul.f32 v52, v62  }
0x250: {  	v30 =	vadd.f32 v41, v48;
	v53 =	vmul.f32 v50, v62;
	v55 =	vmul.f32 v50, v51  }
0x251: {  	v59 =	vadd.f32 v24, v57;
	v22 =	vadd.f32 v60, v61;
	v57 =	vmul.f32 v49, v51  }
0x252: {  	v43 =	vmul.f32 v38, v31;
	v41 =	vsub.f32 v53, v45;
	v45 =	vsub.f32 v54, v55  }
0x253: {  	v60 =	vmul.f32 v36, v35;
	v61 =	vmul.f32 v37, v29;
	v39 =	vsub.f32 v57, v58  }
0x254: {  	v44 =	vsub.f32 $0.0e+00, v59;
	v62 =	vmul.f32 v41, v27;
	v63 =	vmul.f32 v45, v28  }
0x255: {  	v59 =	vadd.f32 v30, v56;
	v46 =	vmul.f32 v39, v25;
	v47 =	vmul.f32 v41, v15  }
0x256: {  	v26 =	vadd.f32 v61, v60;
	v48 =	vmul.f32 v45, v16;
	v49 =	vmul.f32 v17, v41  }
0x257: {  	v21 =	vadd.f32 v44, v22;
	v50 =	vmul.f32 v19, v45;
	v51 =	vmul.f32 v20, v41  }
0x258: {  	v22 =	vadd.f32 v44, v59;
	v52 =	vmul.f32 v14, v45;
	v53 =	vmul.f32 v18, v39  }
0x259: {  	v26 =	vadd.f32 v26, v43;
	v55 =	vmul.f32 v13, v39;
	v57 =	vmul.f32 v38, v45  }
0x25a: {  	v58 =	vmul.f32 v37, v39;
	v38 =	vmul.f32 v38, v41;
	v23 =	vadd.f32 v63, v62  }
0x25b: {  	v37 =	vmul.f32 v37, v41;
	v30 =	vadd.f32 v48, v47;
	v24 =	vadd.f32 v50, v49  }
0x25c: {  	v54 =	vadd.f32 v52, v51;
	vm7 =	vgt.f32 v21, $9.999999930e-09;
	vm8 =	vgt.f32 v22, $9.999999930e-09  }
0x25d: {  	vm11 =	vlt.f32 v21, $-9.999999930e-09;
	vm13 =	vlt.f32 v22, $-9.999999930e-09;
	v60 =	vsub.f32 v21, v22  }
0x25e: {  	vm1 =	vmneg vm7;
	vm2 =	vmneg vm8;
	vm12 =	vmneg vm11  }
0x25f: {  	vm3 =	vmneg vm13;
	v23 =	vadd.f32 v23, v46;
	v46 =	vmul.f32 v12, v39  }
0x260: {  	v24 =	vadd.f32 v53, v24;
	v40 =	vadd.f32 v55, v54;
	v39 =	vmul.f32 v36, v39  }
0x261: {  	vm1 =	vmor vm1, vm2;
	v36 =	vmul.f32 v36, v45;
	v47 =	vsub.f32 $0.0e+00, v23  }
0x262: {  	vm2 =	vmor vm12, vm3;
	v56 =	vadd.f32 v30, v46;
	v38 =	vsub.f32 v39, v38  }
0x263: {  	v62 =	vand.u32 $0x7FFFFFFF, v60;
	v30 =	vadd.f32 v44, v26;
	v36 =	vsub.f32 v37, v36  }
0x264: {  	v23 =	vadd.f32 v47, v56;
	v26 =	vadd.f32 v24, v47;
	v39 =	vmul.f32 v38, v38  }
0x265: {  	v24 =	vadd.f32 v40, v47;
	v28 =	vmul.f32 v38, v28;
	v34 =	vmul.f32 v38, v34  }
0x266: {  	vm9 =	vgt.f32 v30, $9.999999930e-09;
	v61 =	vmul.f32 v36, v36;
	v25 =	vmul.f32 v36, v25  }
0x267: {  	vm6 =	vlt.f32 v30, $-9.999999930e-09;
	v63 =	vmul.f32 v36, v33;
	v29 =	vmul.f32 v38, v29  }
0x268: {  	v40 =	vsub.f32 v57, v58;
	v31 =	vmul.f32 v36, v31;
	v16 =	vmul.f32 v38, v16  }
0x269: {  	v43 =	vsub.f32 v22, v30;
	v19 =	vmul.f32 v38, v19;
	v12 =	vmul.f32 v36, v12  }
0x26a: {  	v47 =	vsub.f32 v30, v21;
	v50 =	vmul.f32 v36, v18;
	v14 =	vmul.f32 v38, v14  }
0x26b: {  	v13 =	vmul.f32 v36, v13;
	vm10 =	vmneg vm9;
	vm9 =	vmneg vm6  }
0x26c: {  	vm1 =	vmor vm10, vm1;
	vm14 =	vgt.f32 v23, $9.999999930e-09;
	vm15 =	vgt.f32 v26, $9.999999930e-09  }
0x26d: {  	vm10 =	vgt.f32 v24, $9.999999930e-09;
	vm11 =	vlt.f32 v23, $-9.999999930e-09;
	vm7 =	vlt.f32 v26, $-9.999999930e-09  }
0x26e: {  	vm2 =	vmor vm9, vm2;
	v59 =	vmul.f32 v40, v40;
	v27 =	vmul.f32 v40, v27  }
0x26f: {  	v32 =	vmul.f32 v40, v32;
	v45 =	vmul.f32 v40, v35;
	v46 =	vand.u32 $0x7FFFFFFF, v43  }
0x270: {  	v15 =	vmul.f32 v40, v15;
	v17 =	vmul.f32 v40, v17;
	v48 =	vand.u32 $0x7FFFFFFF, v47  }
0x271: {  	v53 =	vsub.f32 v23, v26;
	v55 =	vmul.f32 v40, v20;
	v58 =	vsub.f32 v26, v24  }
0x272: {  	v36 =	vsub.f32 v24, v23;
	vm4 =	vmneg vm14;
	vm5 =	vmneg vm15  }
0x273: {  	vm6 =	vmneg vm11;
	vm7 =	vmneg vm7;
	vm14 =	vlt.f32 v24, $-9.999999930e-09  }
0x274: {  	vm15 =	vgt.s32 v6, $0xFFFFFFFF;
	vm1 =	vmand vm1, vm2;
	vm8 =	vgt.f32 v46, $1.000000000e-30  }
0x275: {  	vm9 =	vgt.f32 v48, $1.000000000e-30;
	vm4 =	vmor vm4, vm5;
	vm5 =	vmneg vm10  }
0x276: {  	vm13 =	vmor vm6, vm7;
	v37 =	vadd.f32 v39, v59;
	v27 =	vadd.f32 v28, v27  }
0x277: {  	vm0 =	vmand vm15, vm0;
	v32 =	vadd.f32 v34, v32;
	v28 =	vadd.f32 v29, v45  }
0x278: {  	vm7 =	vgt.f32 v62, $1.000000000e-30;
	v15 =	vadd.f32 v16, v15;
	v49 =	vadd.f32 v19, v17  }
0x279: {  	v51 =	vnsel vm9, $0x3F800000, v47;
	v56 =	vand.u32 $0x7FFFFFFF, v53;
	v42 =	vnsel vm7, $0x3F800000, v60  }
0x27a: {  	v59 =	vmul.f32 v22, v21;
	v14 =	vadd.f32 v14, v55;
	(erf) = vrcp.f32 v42  }
0x27b: {  	v39 =	vand.u32 $0x7FFFFFFF, v36;
	v44 =	vadd.f32 v32, v63;
	v32 =	vnsel vm8, $0x3F800000, v43  }
0x27c: {  	v52 =	vadd.f32 v28, v31;
	v28 =	vadd.f32 v15, v12;
	v12 =	vld [tilespmem:s11+$0x0];
	(erf) = vrcp.f32 v32  }
0x27d: {  	vm12 =	vmor vm4, vm5;
	vm5 =	vmneg vm14;
	vm10 =	vgt.f32 v56, $1.000000000e-30  }
0x27e: {  	vm15 =	vgt.f32 v39, $1.000000000e-30;
	v37 =	vadd.f32 v37, v61;
	(erf) = vrcp.f32 v51  }
0x27f: {  	vm4 =	vmor vm13, vm5;
	v25 =	vadd.f32 v27, v25;
	v29 =	vadd.f32 v49, v50  }
0x280: {  	v18 =	vnsel vm10, $0x3F800000, v53;
	v61 =	vand.u32 $0x7FFFFFFF, v58;
	vm13 =	vlt.f32 v59, $0.0e+00  }
0x281: {  	v50 =	vmul.f32 v26, v23;
	vm2 =	vmand vm12, vm4;
	vm12 =	vgt.s32 v12, $0x0  }
0x282: {  	vm11 =	vgt.f32 v61, $1.000000000e-30;
	vm3 =	vle.f32 v37, $9.999999930e-09;
	v63 =	vnsel vm12, $0x0, v12  }
0x283: {  	v57 =	vsub.f32 v44, v25;
	v62 =	vsub.f32 v52, v44;
	v17 =	vnsel vm11, $0x3F800000, v58;
	v54 =	vpop (erf)  }
0x284: {  	v35 =	vsub.f32 v25, v52;
	vm9 =	vlt.f32 v50, $0.0e+00;
	v15 =	vmul.f32 v54, v21  }
0x285: {  	vm1 =	vmand vm2, vm1;
	v60 =	vpop (erf);
	(erf) = vrcp.f32 v18;
	v21 =	vmul.f32 v21, v30  }
0x286: {  	vm3 =	vmneg vm3;
	v20 =	vmul.f32 v60, v22;
	(erf) = vrcp.f32 v17  }
0x287: {  	vm1 =	vmand vm3, vm1;
	v34 =	vpop (erf);
	v22 =	vmul.f32 v30, v22;
	v18 =	vld.idx.msk [tilespmem:v63+s18+$0x0], $0xffff;
	v15 =	vmul.f32 v15, v57  }
0x288: {  	s29 =	sadd.s32 $0x20, s10;
	v19 =	vld.idx.msk [tilespmem:v63+s20+$0x0], $0xffff;
	v17 =	vmul.f32 v34, v30;
	v34 =	vadd.f32 v14, v13;
	vm8 =	vlt.f32 v21, $0.0e+00  }
0x289: {  	v21 =	vld.idx.msk [tilespmem:v63+s22+$0x0], $0xffff;
	v14 =	vor.u32 s29, v0;
	v33 =	vmul.f32 v20, v62;
	vm14 =	vlt.f32 v22, $0.0e+00  }
0x28a: {  	v20 =	vnsel vm15, $0x3F800000, v36;
	v22 =	vld.idx.msk [tilespmem:v63+s24+$0x0], $0xffff;
	v55 =	vshrl.u32 v14, $0x3;
	v15 =	vadd.f32 v15, v25  }
0x28b: {  	v17 =	vmul.f32 v17, v35;
	v25 =	vld.idx.msk [tilespmem:v63+s23+$0x0], $0xffff;
	v13 =	vadd.s32 v1, v55;
	v16 =	vadd.f32 v33, v44  }
0x28c: {  	v44 =	vsub.f32 v29, v28;
	v37 =	vnsel vm13, $0x7F800000, v15;
	v38 =	vnsel vm13, $0xFF800000, v15;
	v15 =	vld.idx.msk [tilespmem:v63+s1+$0x0], $0xffff  }
0x28d: {  	v41 =	vadd.f32 v17, v52;
	v17 =	vld.idx.msk [tilespmem:v63+s19+$0x0], $0xffff;
	v40 =	vmin.f32 v37, v16;
	v46 =	vmax.f32 v38, v16  }
0x28e: {  	v52 =	vsub.f32 v34, v29;
	v16 =	vld.idx.msk [tilespmem:v63+s25+$0x0], $0xffff;
	v45 =	vsel vm14, v40, v37;
	v27 =	vsel vm14, v46, v38  }
0x28f: {  	v60 =	vsub.f32 v22, v18;
	v42 =	vpop (erf);
	(erf) = vrcp.f32 v20;
	v47 =	vmin.f32 v45, v41  }
0x290: {  	v30 =	vmax.f32 v27, v41;
	v43 =	vmul.f32 v42, v23;
	v49 =	vpop (erf);
	v36 =	vsel vm8, v47, v45  }
0x291: {  	v20 =	vld.idx.msk [tilespmem:v63+s21+$0x0], $0xffff;
	v23 =	vmul.f32 v24, v23;
	v27 =	vsel vm8, v30, v27;
	v51 =	vmul.f32 v49, v26  }
0x292: {  	v26 =	vmul.f32 v24, v26;
	v58 =	vsub.f32 v21, v17;
	v62 =	vsub.f32 v19, v15  }
0x293: {  	v63 =	vsub.f32 v25, v15;
	v48 =	vmul.f32 v44, v43;
	v61 =	vsub.f32 v16, v17  }
0x294: {  	v40 =	vld.idx.msk [tilespmem:v13+s21+$0x0], $0xffff;
	vm11 =	vlt.f32 v23, $0.0e+00;
	v54 =	vmul.f32 v52, v51;
	vm10 =	vlt.f32 v26, $0.0e+00  }
0x295: {  	v44 =	vld.idx.msk [tilespmem:v13+s18+$0x0], $0xffff;
	v49 =	vmul.f32 v60, v58;
	v51 =	vmul.f32 v63, v58;
	v53 =	vadd.f32 v48, v28  }
0x296: {  	v32 =	vld.idx.msk [tilespmem:v13+s1+$0x0], $0xffff;
	v52 =	vmul.f32 v60, v62;
	v57 =	vsub.f32 v20, v18;
	v39 =	vmul.f32 v61, v62  }
0x297: {  	v33 =	vld.idx.msk [tilespmem:v13+s19+$0x0], $0xffff;
	v28 =	vsub.f32 v28, v34;
	v29 =	vadd.f32 v54, v29;
	v31 =	vnsel vm9, $0x7F800000, v53  }
0x298: {  	v43 =	vld.idx.msk [tilespmem:v13+s23+$0x0], $0xffff;
	v56 =	vnsel vm9, $0xFF800000, v53;
	v48 =	vmul.f32 v61, v57;
	v39 =	vsub.f32 v51, v39  }
0x299: {  	v38 =	vld.idx.msk [tilespmem:v13+s20+$0x0], $0xffff;
	v37 =	vmul.f32 v63, v57;
	v50 =	vmin.f32 v31, v29;
	v29 =	vmax.f32 v56, v29  }
0x29a: {  	v63 =	vsub.f32 v40, v44;
	v59 =	vpop (erf);
	v31 =	vsel vm10, v50, v31;
	v42 =	vsub.f32 v48, v49  }
0x29b: {  	v41 =	vld.idx.msk [tilespmem:v13+s22+$0x0], $0xffff;
	v37 =	vsub.f32 v52, v37;
	v55 =	vmul.f32 v39, v18;
	v26 =	vmul.f32 v59, v24  }
0x29c: {  	v29 =	vsel vm10, v29, v56;
	v59 =	vmul.f32 v39, v44;
	v54 =	vmul.f32 v42, v15  }
0x29d: {  	v35 =	vld.idx.msk [tilespmem:v13+s25+$0x0], $0xffff;
	v49 =	vsub.f32 v43, v32;
	v57 =	vmul.f32 v37, v17;
	v26 =	vmul.f32 v28, v26  }
0x29e: {  	v48 =	vsub.f32 v38, v32;
	v58 =	vmul.f32 v42, v32;
	v61 =	vmul.f32 v37, v33  }
0x29f: {  	v62 =	vmul.f32 v42, v38;
	v28 =	vmul.f32 v49, v63;
	v53 =	vadd.f32 v26, v34  }
0x2a0: {  	v60 =	vadd.f32 v59, v58;
	v58 =	vmul.f32 v37, v41;
	v26 =	vadd.f32 v55, v54  }
0x2a1: {  	v34 =	vld.idx.msk [tilespmem:v13+s24+$0x0], $0xffff;
	v54 =	vsub.f32 v41, v33;
	v55 =	vmul.f32 v39, v40;
	v56 =	vmin.f32 v31, v53  }
0x2a2: {  	v24 =	vmax.f32 v29, v53;
	v26 =	vadd.f32 v26, v57;
	v57 =	vsub.f32 v35, v33  }
0x2a3: {  	v23 =	vsel vm11, v56, v31;
	v24 =	vsel vm11, v24, v29;
	v29 =	vmul.f32 v49, v54  }
0x2a4: {  	v30 =	vmax.f32 v36, v23;
	v36 =	vmin.f32 v27, v24;
	v24 =	vsub.f32 $0.0e+00, v26  }
0x2a5: {  	v23 =	vadd.f32 v60, v61;
	v27 =	vadd.f32 v55, v62;
	v60 =	vmul.f32 v57, v48  }
0x2a6: {  	v59 =	vmul.f32 v57, v63;
	v61 =	vmul.f32 v42, v43;
	v56 =	vsub.f32 v34, v44  }
0x2a7: {  	v51 =	vmul.f32 v39, v34;
	v52 =	vsub.f32 v29, v60;
	v27 =	vadd.f32 v27, v58  }
0x2a8: {  	v23 =	vadd.f32 v24, v23;
	v50 =	vmul.f32 v56, v54;
	v62 =	vmul.f32 v56, v48  }
0x2a9: {  	v63 =	vadd.f32 v51, v61;
	v48 =	vmul.f32 v37, v35;
	v51 =	vmul.f32 v52, v44  }
0x2aa: {  	v31 =	vadd.f32 v24, v27;
	v55 =	vmul.f32 v52, v18;
	v57 =	vmul.f32 v20, v52  }
0x2ab: {  	vm12 =	vgt.f32 v23, $9.999999930e-09;
	vm15 =	vlt.f32 v23, $-9.999999930e-09;
	v50 =	vsub.f32 v59, v50  }
0x2ac: {  	v45 =	vsub.f32 v62, v28;
	v29 =	vadd.f32 v63, v48;
	v59 =	vmul.f32 v22, v52  }
0x2ad: {  	vm2 =	vmneg vm12;
	v48 =	vmul.f32 v37, v52;
	v52 =	vmul.f32 v42, v52  }
0x2ae: {  	vm4 =	vmneg vm15;
	v49 =	vmul.f32 v50, v32;
	v53 =	vmul.f32 v45, v33  }
0x2af: {  	vm13 =	vgt.f32 v31, $9.999999930e-09;
	v54 =	vmul.f32 v50, v15;
	v56 =	vmul.f32 v19, v50  }
0x2b0: {  	vm8 =	vlt.f32 v31, $-9.999999930e-09;
	v58 =	vmul.f32 v25, v50;
	v60 =	vmul.f32 v17, v45  }
0x2b1: {  	v24 =	vadd.f32 v24, v29;
	v61 =	vmul.f32 v21, v45;
	v47 =	vmul.f32 v16, v45  }
0x2b2: {  	vm3 =	vmneg vm13;
	vm5 =	vmneg vm8;
	v37 =	vmul.f32 v37, v50  }
0x2b3: {  	vm2 =	vmor vm2, vm3;
	v26 =	vadd.f32 v51, v49;
	v28 =	vadd.f32 v55, v54  }
0x2b4: {  	vm9 =	vmor vm4, vm5;
	v27 =	vadd.f32 v57, v56;
	v63 =	vadd.f32 v59, v58  }
0x2b5: {  	vm14 =	vgt.f32 v24, $9.999999930e-09;
	vm10 =	vlt.f32 v24, $-9.999999930e-09;
	v49 =	vmul.f32 v39, v45  }
0x2b6: {  	v45 =	vmul.f32 v42, v45;
	v51 =	vmul.f32 v39, v50;
	v54 =	vsub.f32 v23, v31  }
0x2b7: {  	v58 =	vsub.f32 v31, v24;
	v50 =	vmul.f32 v31, v23;
	vm3 =	vmneg vm14  }
0x2b8: {  	vm4 =	vmneg vm10;
	v26 =	vadd.f32 v26, v53;
	v28 =	vadd.f32 v28, v60  }
0x2b9: {  	v27 =	vadd.f32 v61, v27;
	vm3 =	vmor vm3, vm2;
	vm4 =	vmor vm4, vm9  }
0x2ba: {  	vm2 =	vle.f32 v30, v36;
	v36 =	vsub.f32 v48, v49;
	v30 =	vsub.f32 v51, v52  }
0x2bb: {  	v29 =	vadd.f32 v47, v63;
	v57 =	vand.u32 $0x7FFFFFFF, v54;
	vm3 =	vmand vm3, vm4  }
0x2bc: {  	vm10 =	vgt.f32 v57, $1.000000000e-30;
	v32 =	vmul.f32 v36, v32;
	v33 =	vmul.f32 v30, v33  }
0x2bd: {  	vm1 =	vmand vm1, vm2;
	v55 =	vmul.f32 v36, v38;
	v61 =	vmul.f32 v30, v41  }
0x2be: {  	v62 =	vsub.f32 $0.0e+00, v26;
	v63 =	vmul.f32 v36, v43;
	v15 =	vmul.f32 v36, v15  }
0x2bf: {  	v60 =	vnsel vm10, $0x3F800000, v54;
	v35 =	vmul.f32 v30, v35;
	v17 =	vmul.f32 v30, v17  }
0x2c0: {  	v41 =	vsub.f32 v24, v23;
	v19 =	vmul.f32 v36, v19;
	v43 =	vmul.f32 v30, v21  }
0x2c1: {  	v16 =	vmul.f32 v30, v16;
	vm10 =	vlt.f32 v50, $0.0e+00;
	v28 =	vadd.f32 v62, v28  }
0x2c2: {  	(erf) = vrcp.f32 v60;
	v26 =	vadd.f32 v27, v62;
	v27 =	vadd.f32 v29, v62  }
0x2c3: {  	v29 =	vsub.f32 v45, v37;
	v62 =	vand.u32 $0x7FFFFFFF, v58;
	v42 =	vand.u32 $0x7FFFFFFF, v41  }
0x2c4: {  	vm11 =	vgt.f32 v28, $9.999999930e-09;
	vm12 =	vgt.f32 v26, $9.999999930e-09;
	vm15 =	vgt.f32 v27, $9.999999930e-09  }
0x2c5: {  	vm8 =	vlt.f32 v28, $-9.999999930e-09;
	v53 =	vmul.f32 v29, v44;
	v56 =	vmul.f32 v29, v40  }
0x2c6: {  	vm9 =	vlt.f32 v26, $-9.999999930e-09;
	v34 =	vmul.f32 v29, v34;
	v18 =	vmul.f32 v29, v18  }
0x2c7: {  	v20 =	vmul.f32 v29, v20;
	v44 =	vmul.f32 v36, v25;
	v47 =	vsub.f32 v28, v26  }
0x2c8: {  	v45 =	vmul.f32 v29, v22;
	v52 =	vsub.f32 v26, v27;
	v54 =	vsub.f32 v27, v28  }
0x2c9: {  	v40 =	vmul.f32 v23, v24;
	vm13 =	vmneg vm11;
	vm14 =	vmneg vm12  }
0x2ca: {  	vm6 =	vmneg vm15;
	vm11 =	vgt.f32 v62, $1.000000000e-30;
	vm12 =	vgt.f32 v42, $1.000000000e-30  }
0x2cb: {  	vm5 =	vmor vm13, vm14;
	v32 =	vadd.f32 v53, v32;
	v59 =	vadd.f32 v56, v55  }
0x2cc: {  	v37 =	vnsel vm11, $0x3F800000, v58;
	v34 =	vadd.f32 v34, v63;
	v15 =	vadd.f32 v18, v15  }
0x2cd: {  	v19 =	vadd.f32 v20, v19;
	v18 =	vnsel vm12, $0x3F800000, v41;
	v48 =	vadd.f32 v45, v44  }
0x2ce: {  	v51 =	vand.u32 $0x7FFFFFFF, v47;
	v55 =	vand.u32 $0x7FFFFFFF, v52;
	v56 =	vand.u32 $0x7FFFFFFF, v54  }
0x2cf: {  	vm12 =	vlt.f32 v40, $0.0e+00;
	v40 =	vmul.f32 v36, v36;
	(erf) = vrcp.f32 v37  }
0x2d0: {  	vm4 =	vmor vm5, vm6;
	vm5 =	vmneg vm8;
	(erf) = vrcp.f32 v18  }
0x2d1: {  	vm6 =	vmneg vm9;
	vm13 =	vgt.f32 v51, $1.000000000e-30;
	vm14 =	vgt.f32 v55, $1.000000000e-30  }
0x2d2: {  	vm15 =	vgt.f32 v56, $1.000000000e-30;
	v55 =	vmul.f32 v27, v26;
	v18 =	vnsel vm13, $0x3F800000, v47  }
0x2d3: {  	v32 =	vadd.f32 v32, v33;
	v17 =	vadd.f32 v15, v17;
	v15 =	vld [tilespmem:s11+$0x10];
	v46 =	vpop (erf);
	(erf) = vrcp.f32 v18  }
0x2d4: {  	vm5 =	vmor vm5, vm6;
	v33 =	vadd.f32 v59, v61;
	v34 =	vadd.f32 v34, v35  }
0x2d5: {  	v35 =	vadd.f32 v19, v43;
	v37 =	vnsel vm14, $0x3F800000, v52;
	v59 =	vmul.f32 v24, v31  }
0x2d6: {  	v62 =	vadd.f32 v48, v16;
	v47 =	vmul.f32 v26, v28;
	vm14 =	vlt.f32 v55, $0.0e+00  }
0x2d7: {  	v49 =	vsub.f32 v33, v32;
	v57 =	vsub.f32 v34, v33;
	v18 =	vnsel vm15, $0x3F800000, v54  }
0x2d8: {  	v19 =	vmul.f32 v46, v23;
	vm9 =	vgt.s32 v15, $0x0;
	v53 =	vpop (erf);
	(erf) = vrcp.f32 v37  }
0x2d9: {  	v58 =	vnsel vm9, $0x0, v15;
	v21 =	vmul.f32 v53, v31;
	v60 =	vpop (erf);
	(erf) = vrcp.f32 v18  }
0x2da: {  	v61 =	vsub.f32 v32, v34;
	vm11 =	vlt.f32 v59, $0.0e+00;
	v19 =	vmul.f32 v19, v49  }
0x2db: {  	v44 =	vsub.f32 v35, v17;
	v50 =	vsub.f32 v62, v35;
	v21 =	vmul.f32 v21, v57  }
0x2dc: {  	vm9 =	vlt.f32 v27, $-9.999999930e-09;
	v19 =	vadd.f32 v19, v32;
	v25 =	vmul.f32 v60, v24;
	v42 =	vpop (erf)  }
0x2dd: {  	vm6 =	vmneg vm9;
	v43 =	vmul.f32 v42, v28;
	v38 =	vadd.f32 v21, v33  }
0x2de: {  	vm6 =	vmor vm5, vm6;
	v63 =	vnsel vm10, $0x7F800000, v19;
	v20 =	vld.idx.msk [tilespmem:v58+s1+$0x0], $0xffff;
	v39 =	vmul.f32 v25, v61  }
0x2df: {  	v19 =	vnsel vm10, $0xFF800000, v19;
	v23 =	vld.idx.msk [tilespmem:v58+s24+$0x0], $0xffff;
	v22 =	vmul.f32 v44, v43;
	v21 =	vmin.f32 v63, v38  }
0x2e0: {  	v25 =	vld.idx.msk [tilespmem:v58+s21+$0x0], $0xffff;
	v41 =	vadd.f32 v39, v34;
	v18 =	vmax.f32 v19, v38;
	v16 =	vsel vm11, v21, v63  }
0x2e1: {  	v18 =	vsel vm11, v18, v19;
	v21 =	vld.idx.msk [tilespmem:v58+s18+$0x0], $0xffff;
	v51 =	vadd.f32 v22, v17;
	v17 =	vsub.f32 v17, v62;
	v48 =	vpop (erf)  }
0x2e2: {  	s30 =	sadd.s32 $0x30, s10;
	v19 =	vld.idx.msk [tilespmem:v58+s19+$0x0], $0xffff;
	v45 =	vmin.f32 v16, v41;
	v46 =	vmax.f32 v18, v41;
	v49 =	vmul.f32 v48, v26;
	v53 =	vpop (erf)  }
0x2e3: {  	v22 =	vld.idx.msk [tilespmem:v58+s22+$0x0], $0xffff;
	v42 =	vsel vm12, v45, v16;
	v16 =	vor.u32 s30, v0;
	v54 =	vmul.f32 v53, v27  }
0x2e4: {  	vm4 =	vmand vm4, vm6;
	v31 =	vsel vm12, v46, v18;
	v18 =	vld.idx.msk [tilespmem:v58+s25+$0x0], $0xffff;
	v56 =	vshrl.u32 v16, $0x3  }
0x2e5: {  	v26 =	vld.idx.msk [tilespmem:v58+s23+$0x0], $0xffff;
	v52 =	vmul.f32 v50, v49;
	v34 =	vmul.f32 v17, v54;
	v17 =	vadd.s32 v1, v56  }
0x2e6: {  	vm13 =	vlt.f32 v47, $0.0e+00;
	vm3 =	vmand vm4, vm3;
	v24 =	vld.idx.msk [tilespmem:v58+s20+$0x0], $0xffff;
	v28 =	vmul.f32 v27, v28  }
0x2e7: {  	v57 =	vnsel vm13, $0x7F800000, v51;
	v59 =	vsub.f32 v25, v21;
	v35 =	vadd.f32 v52, v35  }
0x2e8: {  	v33 =	vnsel vm13, $0xFF800000, v51;
	v60 =	vsub.f32 v22, v19;
	v32 =	vadd.f32 v34, v62  }
0x2e9: {  	v63 =	vsub.f32 v18, v19;
	v58 =	vmin.f32 v57, v35;
	v35 =	vmax.f32 v33, v35  }
0x2ea: {  	v62 =	vsub.f32 v23, v21;
	v53 =	vsub.f32 v26, v20;
	v61 =	vsel vm14, v35, v33;
	v35 =	vld.idx.msk [tilespmem:v17+s1+$0x0], $0xffff  }
0x2eb: {  	vm15 =	vlt.f32 v28, $0.0e+00;
	v52 =	vsub.f32 v24, v20;
	v55 =	vmul.f32 v63, v59;
	v41 =	vld.idx.msk [tilespmem:v17+s18+$0x0], $0xffff  }
0x2ec: {  	v36 =	vsel vm14, v58, v57;
	v56 =	vmul.f32 v62, v60;
	v57 =	vmul.f32 v53, v60;
	v33 =	vld.idx.msk [tilespmem:v17+s19+$0x0], $0xffff  }
0x2ed: {  	vm12 =	vgt.s32 v8, $0xFFFFFFFF;
	v43 =	vmul.f32 v63, v52;
	v28 =	vmul.f32 v62, v52;
	v37 =	vld.idx.msk [tilespmem:v17+s21+$0x0], $0xffff  }
0x2ee: {  	vm1 =	vmand vm12, vm1;
	v34 =	vmul.f32 v53, v59;
	v58 =	vmul.f32 v29, v29;
	v39 =	vld.idx.msk [tilespmem:v17+s22+$0x0], $0xffff  }
0x2ef: {  	v59 =	vmul.f32 v30, v30;
	vm14 =	vgt.s32 v12, $0xFFFFFFFF;
	v54 =	vmin.f32 v36, v32;
	v38 =	vld.idx.msk [tilespmem:v17+s23+$0x0], $0xffff  }
0x2f0: {  	v45 =	vsel vm15, v54, v36;
	v36 =	vld.idx.msk [tilespmem:v17+s20+$0x0], $0xffff;
	v46 =	vsub.f32 v55, v56;
	v43 =	vsub.f32 v57, v43  }
0x2f1: {  	v32 =	vmax.f32 v61, v32;
	v44 =	vsub.f32 v28, v34;
	v27 =	vadd.f32 v58, v40;
	v40 =	vld.idx.msk [tilespmem:v17+s24+$0x0], $0xffff  }
0x2f2: {  	v32 =	vsel vm15, v32, v61;
	v34 =	vld.idx.msk [tilespmem:v17+s25+$0x0], $0xffff;
	v60 =	vmul.f32 v46, v20;
	v61 =	vmul.f32 v43, v21  }
0x2f3: {  	v29 =	vmax.f32 v42, v45;
	v62 =	vmul.f32 v44, v19;
	v47 =	vmul.f32 v46, v35  }
0x2f4: {  	v51 =	vadd.f32 v27, v59;
	v48 =	vmul.f32 v43, v41;
	v63 =	vmul.f32 v44, v33  }
0x2f5: {  	v28 =	vadd.f32 v61, v60;
	v55 =	vmul.f32 v43, v37;
	v61 =	vmul.f32 v44, v39  }
0x2f6: {  	v42 =	vsub.f32 v37, v41;
	v53 =	vsub.f32 v38, v35;
	vm11 =	vle.f32 v51, $9.999999930e-09  }
0x2f7: {  	v54 =	vmul.f32 v46, v36;
	v57 =	vsub.f32 v40, v41;
	v58 =	vsub.f32 v34, v33  }
0x2f8: {  	v59 =	vmul.f32 v43, v40;
	v60 =	vsub.f32 v36, v35;
	vm6 =	vmneg vm11  }
0x2f9: {  	v47 =	vadd.f32 v48, v47;
	v27 =	vadd.f32 v28, v62;
	v28 =	vmin.f32 v31, v32  }
0x2fa: {  	v62 =	vsub.f32 v39, v33;
	vm13 =	vmand vm6, vm3;
	v56 =	vadd.f32 v55, v54  }
0x2fb: {  	v49 =	vmul.f32 v58, v60;
	v30 =	vadd.f32 v47, v63;
	v63 =	vmul.f32 v46, v38  }
0x2fc: {  	vm10 =	vle.f32 v29, v28;
	v54 =	vmul.f32 v57, v62;
	v45 =	vmul.f32 v53, v62  }
0x2fd: {  	v62 =	vsub.f32 $0.0e+00, v27;
	vm2 =	vmand vm13, vm10;
	v31 =	vadd.f32 v56, v61  }
0x2fe: {  	v61 =	vmul.f32 v58, v42;
	v42 =	vmul.f32 v53, v42;
	vm2 =	vmand vm14, vm2  }
0x2ff: {  	v47 =	vadd.f32 v59, v63;
	v45 =	vsub.f32 v45, v49;
	v63 =	vmul.f32 v44, v34  }
0x300: {  	v27 =	vadd.f32 v62, v30;
	v50 =	vsub.f32 v61, v54;
	v54 =	vmul.f32 v57, v60  }
0x301: {  	v31 =	vadd.f32 v62, v31;
	v55 =	vadd.f32 v47, v63;
	v57 =	vmul.f32 v45, v41  }
0x302: {  	v59 =	vmul.f32 v45, v21;
	v63 =	vmul.f32 v25, v45;
	vm15 =	vgt.f32 v27, $9.999999930e-09  }
0x303: {  	vm9 =	vlt.f32 v27, $-9.999999930e-09;
	v29 =	vsub.f32 v54, v42;
	v56 =	vmul.f32 v50, v35  }
0x304: {  	v58 =	vmul.f32 v50, v20;
	vm8 =	vgt.f32 v31, $9.999999930e-09;
	vm3 =	vmneg vm15  }
0x305: {  	vm10 =	vlt.f32 v31, $-9.999999930e-09;
	v30 =	vadd.f32 v62, v55;
	v62 =	vmul.f32 v24, v50  }
0x306: {  	vm4 =	vmneg vm8;
	vm5 =	vmneg vm10;
	v60 =	vmul.f32 v29, v33  }
0x307: {  	v42 =	vadd.f32 v57, v56;
	v61 =	vmul.f32 v19, v29;
	v56 =	vmul.f32 v26, v50  }
0x308: {  	v28 =	vadd.f32 v59, v58;
	v57 =	vmul.f32 v23, v45;
	v58 =	vmul.f32 v22, v29  }
0x309: {  	v59 =	vor.u32 $0xFFFFFFC8, v0;
	vm3 =	vmor vm3, vm4;
	vm4 =	vmneg vm9  }
0x30a: {  	v32 =	vadd.f32 v63, v62;
	v9 =	vand.u32 v59, v9;
	v62 =	vmul.f32 v43, v29  }
0x30b: {  	v63 =	vmul.f32 v46, v29;
	v43 =	vmul.f32 v43, v50;
	vm11 =	vgt.f32 v30, $9.999999930e-09  }
0x30c: {  	vm4 =	vmor vm4, vm5;
	vm12 =	vlt.f32 v30, $-9.999999930e-09;
	v42 =	vadd.f32 v42, v60  }
0x30d: {  	v28 =	vadd.f32 v28, v61;
	v60 =	vmul.f32 v18, v29;
	v61 =	vmul.f32 v44, v45  }
0x30e: {  	v47 =	vadd.f32 v57, v56;
	v44 =	vmul.f32 v44, v50;
	v45 =	vmul.f32 v46, v45  }
0x30f: {  	vm6 =	vmneg vm11;
	v32 =	vadd.f32 v58, v32;
	v54 =	vsub.f32 v61, v62  }
0x310: {  	vm5 =	vmneg vm12;
	v44 =	vsub.f32 v63, v44;
	v43 =	vsub.f32 v43, v45  }
0x311: {  	vm3 =	vmor vm6, vm3;
	vm4 =	vmor vm5, vm4;
	v55 =	vmul.f32 v54, v54  }
0x312: {  	v42 =	vsub.f32 $0.0e+00, v42;
	v56 =	vmul.f32 v44, v44;
	v57 =	vmul.f32 v43, v43  }
0x313: {  	v47 =	vadd.f32 v60, v47;
	v58 =	vmul.f32 v54, v35;
	v41 =	vmul.f32 v44, v41  }
0x314: {  	vm3 =	vmand vm3, vm4;
	v33 =	vmul.f32 v43, v33;
	v36 =	vmul.f32 v54, v36  }
0x315: {  	v60 =	vsub.f32 v27, v31;
	v37 =	vmul.f32 v44, v37;
	v59 =	vmul.f32 v43, v39  }
0x316: {  	v62 =	vsub.f32 v31, v30;
	v38 =	vmul.f32 v54, v38;
	v40 =	vmul.f32 v44, v40  }
0x317: {  	v28 =	vadd.f32 v42, v28;
	v34 =	vmul.f32 v43, v34;
	v20 =	vmul.f32 v54, v20  }
0x318: {  	v32 =	vadd.f32 v32, v42;
	v21 =	vmul.f32 v44, v21;
	v24 =	vmul.f32 v54, v24  }
0x319: {  	v29 =	vadd.f32 v47, v42;
	v25 =	vmul.f32 v44, v25;
	v46 =	vmul.f32 v54, v26  }
0x31a: {  	v61 =	vand.u32 $0x7FFFFFFF, v60;
	v19 =	vmul.f32 v43, v19;
	v47 =	vmul.f32 v43, v22  }
0x31b: {  	v63 =	vand.u32 $0x7FFFFFFF, v62;
	v50 =	vmul.f32 v44, v23;
	v18 =	vmul.f32 v43, v18  }
0x31c: {  	v44 =	vmul.f32 v27, v30;
	v45 =	vadd.f32 v56, v55;
	v41 =	vadd.f32 v41, v58  }
0x31d: {  	vm13 =	vgt.f32 v28, $9.999999930e-09;
	vm14 =	vgt.f32 v32, $9.999999930e-09;
	v36 =	vadd.f32 v37, v36  }
0x31e: {  	vm15 =	vgt.f32 v29, $9.999999930e-09;
	v38 =	vadd.f32 v40, v38;
	v40 =	vsub.f32 v30, v27  }
0x31f: {  	vm10 =	vlt.f32 v28, $-9.999999930e-09;
	v20 =	vadd.f32 v21, v20;
	v24 =	vadd.f32 v25, v24  }
0x320: {  	vm12 =	vlt.f32 v32, $-9.999999930e-09;
	v49 =	vsub.f32 v28, v32;
	v53 =	vsub.f32 v32, v29  }
0x321: {  	v55 =	vsub.f32 v29, v28;
	vm4 =	vmneg vm13;
	vm5 =	vmneg vm14  }
0x322: {  	vm9 =	vmneg vm15;
	vm11 =	vmneg vm10;
	vm6 =	vmneg vm12  }
0x323: {  	vm13 =	vgt.f32 v61, $1.000000000e-30;
	vm14 =	vlt.f32 v29, $-9.999999930e-09;
	vm15 =	vgt.f32 v63, $1.000000000e-30  }
0x324: {  	v35 =	vadd.f32 v45, v57;
	vm4 =	vmor vm4, vm5;
	v33 =	vadd.f32 v41, v33  }
0x325: {  	v36 =	vadd.f32 v36, v59;
	vm5 =	vmor vm11, vm6;
	v37 =	vnsel vm13, $0x3F800000, v60  }
0x326: {  	vm6 =	vmneg vm14;
	v34 =	vadd.f32 v38, v34;
	(erf) = vrcp.f32 v37  }
0x327: {  	v41 =	vnsel vm15, $0x3F800000, v62;
	v45 =	vand.u32 $0x7FFFFFFF, v40;
	v19 =	vadd.f32 v20, v19  }
0x328: {  	v21 =	vadd.f32 v24, v47;
	v52 =	vand.u32 $0x7FFFFFFF, v49;
	(erf) = vrcp.f32 v41  }
0x329: {  	v20 =	vadd.f32 v50, v46;
	v54 =	vand.u32 $0x7FFFFFFF, v53;
	v57 =	vmul.f32 v31, v27  }
0x32a: {  	v58 =	vand.u32 $0x7FFFFFFF, v55;
	vm4 =	vmor vm4, vm9;
	vm9 =	vgt.f32 v45, $1.000000000e-30  }
0x32b: {  	v38 =	vmul.f32 v30, v31;
	vm10 =	vgt.f32 v52, $1.000000000e-30;
	v48 =	vnsel vm9, $0x3F800000, v40  }
0x32c: {  	vm15 =	vlt.f32 v44, $0.0e+00;
	v23 =	vnsel vm10, $0x3F800000, v49;
	(erf) = vrcp.f32 v48  }
0x32d: {  	vm5 =	vmor vm5, vm6;
	vm11 =	vgt.f32 v54, $1.000000000e-30;
	(erf) = vrcp.f32 v23  }
0x32e: {  	vm12 =	vgt.f32 v58, $1.000000000e-30;
	v37 =	vor.u32 $0xFFFFFFD8, v0;
	v24 =	vnsel vm11, $0x3F800000, v53  }
0x32f: {  	v52 =	vmul.f32 v32, v28;
	vm4 =	vmand vm4, vm5;
	v51 =	vpop (erf);
	(erf) = vrcp.f32 v24  }
0x330: {  	v56 =	vsub.f32 v36, v33;
	v61 =	vsub.f32 v34, v36;
	v26 =	vnsel vm12, $0x3F800000, v55  }
0x331: {  	vm13 =	vlt.f32 v57, $0.0e+00;
	v40 =	vsub.f32 v33, v34;
	v59 =	vpop (erf);
	(erf) = vrcp.f32 v26  }
0x332: {  	v18 =	vadd.f32 v20, v18;
	vm14 =	vlt.f32 v38, $0.0e+00;
	v49 =	vsub.f32 v21, v19  }
0x333: {  	v55 =	vmul.f32 v29, v32;
	vm12 =	vle.f32 v35, $9.999999930e-09;
	v11 =	vand.u32 v37, v11  }
0x334: {  	vm9 =	vlt.f32 v52, $0.0e+00;
	vm3 =	vmand vm4, vm3;
	v22 =	vmul.f32 v51, v27  }
0x335: {  	v54 =	vsub.f32 v19, v18;
	v60 =	vmul.f32 v59, v31;
	v62 =	vpop (erf);
	v59 =	vmul.f32 v29, v28  }
0x336: {  	vm10 =	vlt.f32 v55, $0.0e+00;
	v22 =	vmul.f32 v22, v56;
	v39 =	vmul.f32 v62, v30;
	v45 =	vpop (erf)  }
0x337: {  	v51 =	vsub.f32 v18, v21;
	v63 =	vmul.f32 v60, v61;
	v48 =	vmul.f32 v45, v28  }
0x338: {  	vm11 =	vlt.f32 v59, $0.0e+00;
	v22 =	vadd.f32 v22, v33;
	v42 =	vmul.f32 v39, v40;
	v47 =	vpop (erf)  }
0x339: {  	v23 =	vadd.f32 v63, v36;
	v25 =	vmul.f32 v49, v48;
	v24 =	vmul.f32 v47, v32  }
0x33a: {  	v41 =	vnsel vm13, $0x7F800000, v22;
	v22 =	vnsel vm13, $0xFF800000, v22;
	v46 =	vadd.f32 v42, v34;
	v53 =	vpop (erf)  }
0x33b: {  	v43 =	vmin.f32 v41, v23;
	v26 =	vmul.f32 v53, v29;
	v24 =	vmul.f32 v51, v24  }
0x33c: {  	v23 =	vmax.f32 v22, v23;
	v19 =	vadd.f32 v25, v19;
	v20 =	vsel vm14, v43, v41  }
0x33d: {  	v22 =	vsel vm14, v23, v22;
	v56 =	vmul.f32 v54, v26;
	v21 =	vadd.f32 v24, v21  }
0x33e: {  	v50 =	vmin.f32 v20, v46;
	v57 =	vnsel vm9, $0x7F800000, v19;
	v19 =	vnsel vm9, $0xFF800000, v19  }
0x33f: {  	v18 =	vadd.f32 v56, v18;
	v58 =	vmin.f32 v57, v21;
	v21 =	vmax.f32 v19, v21  }
0x340: {  	v23 =	vmax.f32 v22, v46;
	v60 =	vsel vm10, v58, v57;
	v19 =	vsel vm10, v21, v19  }
0x341: {  	v20 =	vsel vm15, v50, v20;
	v61 =	vmin.f32 v60, v18;
	v18 =	vmax.f32 v19, v18  }
0x342: {  	v22 =	vsel vm15, v23, v22;
	v21 =	vsel vm11, v61, v60;
	v18 =	vsel vm11, v18, v19  }
0x343: {  	vm13 =	vmneg vm12;
	v62 =	vmax.f32 v20, v21;
	v18 =	vmin.f32 v22, v18  }
0x344: {  	v63 =	vor.u32 $0xFFFFFFE8, v0;
	vm3 =	vmand vm13, vm3;
	vm14 =	vle.f32 v62, v18  }
0x345: {  	v14 =	vand.u32 v63, v14;
	vm15 =	vgt.s32 v15, $0xFFFFFFFF;
	vm3 =	vmand vm3, vm14  }
0x346: {  	[tilespmem:v9+s6+$0x0] =	vst.idx.msk vm0, v7;
	v7 =	vor.u32 $0xFFFFFFF8, v0;
	vm3 =	vmand vm15, vm3  }
0x347: {  	s9 =	sadd.s32 $0x4, s9;
	[tilespmem:v9+s7+$0x0] =	vst.idx.msk vm0, v6;
	v6 =	vand.u32 v7, v16  }
0x348: {  	p0 =	slt.u32 s9, $0x98;
	[tilespmem:v11+s6+$0x0] =	vst.idx.msk vm1, v10  }
.Ltmp10:
0x349: {  	[tilespmem:v11+s7+$0x0] =	vst.idx.msk vm1, v8;
	(pc) =	sbr.rel @p0 .LBB2_17-.Ltmp10, $4  }
0x34a: {  	[tilespmem:v14+s6+$0x0] =	vst.idx.msk vm2, v13  }
0x34b: {  	[tilespmem:v14+s7+$0x0] =	vst.idx.msk vm2, v12  }
0x34c: {  	[tilespmem:v6+s6+$0x0] =	vst.idx.msk vm3, v17  }
0x34d: {  	s10 =	sadd.s32 $0x40, s10;
	s11 =	sadd.s32 $0x40, s11;
	[tilespmem:v6+s7+$0x0] =	vst.idx.msk vm3, v15  }
0x34e: {  	v6 =	vld [tilespmem:$0x135C0];
	_ =	sdelay $0x4  }
0x34f: {  	vm0 =	vgt.s32 v6, $0x0  }
0x350: {  	v10 =	vnsel vm0, $0x0, v6;
	_ =	sdelay $0x4  }
0x351: {  	v16 =	vld.idx.msk [tilespmem:v10+s1+$0x0], $0xffff  }
0x352: {  	v17 =	vld.idx.msk [tilespmem:v10+s18+$0x0], $0xffff  }
0x353: {  	v13 =	vld.idx.msk [tilespmem:v10+s19+$0x0], $0xffff  }
0x354: {  	v14 =	vld.idx.msk [tilespmem:v10+s20+$0x0], $0xffff  }
0x355: {  	v12 =	vld.idx.msk [tilespmem:v10+s21+$0x0], $0xffff  }
0x356: {  	v8 =	vld.idx.msk [tilespmem:v10+s22+$0x0], $0xffff  }
0x357: {  	v9 =	vld.idx.msk [tilespmem:v10+s24+$0x0], $0xffff  }
0x358: {  	v7 =	vld.idx.msk [tilespmem:v10+s25+$0x0], $0xffff  }
0x359: {  	v11 =	vld.idx.msk [tilespmem:v10+s23+$0x0], $0xffff;
	_ =	sdelay $0x2  }
0x35a: {  	v36 =	vsub.f32 v12, v17;
	v15 =	vsub.f32 v8, v13  }
0x35b: {  	v24 =	vld.idx.msk [tilespmem:v2+s1+$0x0], $0xffff;
	v18 =	vsub.f32 v9, v17;
	v19 =	vsub.f32 v7, v13  }
0x35c: {  	v25 =	vld.idx.msk [tilespmem:v2+s18+$0x0], $0xffff;
	v20 =	vsub.f32 v14, v16;
	v21 =	vsub.f32 v11, v16  }
0x35d: {  	v27 =	vld.idx.msk [tilespmem:v2+s20+$0x0], $0xffff;
	v22 =	vmul.f32 v19, v36;
	v23 =	vmul.f32 v18, v15  }
0x35e: {  	v28 =	vld.idx.msk [tilespmem:v2+s21+$0x0], $0xffff;
	v15 =	vmul.f32 v21, v15;
	v19 =	vmul.f32 v19, v20  }
0x35f: {  	v32 =	vld.idx.msk [tilespmem:v2+s24+$0x0], $0xffff;
	v37 =	vmul.f32 v18, v20;
	v10 =	vmul.f32 v21, v36  }
0x360: {  	v30 =	vld.idx.msk [tilespmem:v2+s22+$0x0], $0xffff;
	v22 =	vsub.f32 v22, v23  }
0x361: {  	v31 =	vld.idx.msk [tilespmem:v2+s23+$0x0], $0xffff;
	v26 =	vsub.f32 v15, v19;
	v29 =	vsub.f32 v37, v10  }
0x362: {  	v23 =	vld.idx.msk [tilespmem:v2+s19+$0x0], $0xffff;
	v38 =	vmul.f32 v22, v16  }
0x363: {  	v33 =	vld.idx.msk [tilespmem:v2+s25+$0x0], $0xffff;
	v49 =	vsub.f32 v28, v25;
	v39 =	vmul.f32 v26, v17;
	v40 =	vmul.f32 v29, v13  }
0x364: {  	v36 =	vsub.f32 v32, v25;
	v41 =	vmul.f32 v22, v24;
	v19 =	vmul.f32 v26, v25  }
0x365: {  	v46 =	vmul.f32 v22, v27;
	v47 =	vmul.f32 v26, v28;
	v10 =	vadd.f32 v39, v38  }
0x366: {  	v35 =	vmul.f32 v22, v31;
	v42 =	vadd.f32 v19, v41;
	v39 =	vsub.f32 v27, v24  }
0x367: {  	v38 =	vmul.f32 v26, v32;
	v15 =	vadd.f32 v47, v46;
	v34 =	vsub.f32 v30, v23  }
0x368: {  	v48 =	vmul.f32 v29, v30;
	v37 =	vsub.f32 v33, v23;
	v10 =	vadd.f32 v10, v40  }
0x369: {  	v43 =	vmul.f32 v29, v23;
	v40 =	vsub.f32 v31, v24;
	v35 =	vadd.f32 v38, v35  }
0x36a: {  	v15 =	vadd.f32 v15, v48;
	v50 =	vmul.f32 v37, v49;
	v41 =	vmul.f32 v36, v34  }
0x36b: {  	v45 =	vadd.f32 v42, v43;
	v37 =	vmul.f32 v37, v39;
	v34 =	vmul.f32 v40, v34  }
0x36c: {  	v36 =	vmul.f32 v36, v39;
	v21 =	vmul.f32 v40, v49;
	v52 =	vsub.f32 v50, v41  }
0x36d: {  	v51 =	vmul.f32 v29, v33;
	v44 =	vsub.f32 $0.0e+00, v10;
	v34 =	vsub.f32 v34, v37  }
0x36e: {  	v36 =	vsub.f32 v36, v21;
	v54 =	vmul.f32 v52, v24;
	v57 =	vmul.f32 v52, v16  }
0x36f: {  	v53 =	vadd.f32 v35, v51;
	v60 =	vmul.f32 v14, v52;
	v62 =	vmul.f32 v11, v52  }
0x370: {  	v10 =	vadd.f32 v44, v45;
	v55 =	vmul.f32 v34, v25;
	v56 =	vmul.f32 v36, v23  }
0x371: {  	v21 =	vadd.f32 v44, v15;
	v58 =	vmul.f32 v34, v17;
	v59 =	vmul.f32 v13, v36  }
0x372: {  	v19 =	vadd.f32 v44, v53;
	v61 =	vmul.f32 v12, v34;
	v63 =	vmul.f32 v9, v34  }
0x373: {  	v42 =	vmul.f32 v8, v36;
	v43 =	vmul.f32 v7, v36;
	vm9 =	vgt.f32 v10, $9.999999930e-09  }
0x374: {  	vm1 =	vgt.f32 v21, $9.999999930e-09;
	vm10 =	vgt.f32 v19, $9.999999930e-09;
	vm2 =	vlt.f32 v10, $-9.999999930e-09  }
0x375: {  	vm3 =	vlt.f32 v21, $-9.999999930e-09;
	v45 =	vmul.f32 v29, v34;
	v46 =	vmul.f32 v26, v36  }
0x376: {  	vm12 =	vlt.f32 v19, $-9.999999930e-09;
	v36 =	vmul.f32 v22, v36;
	v29 =	vmul.f32 v29, v52  }
0x377: {  	v26 =	vmul.f32 v26, v52;
	v22 =	vmul.f32 v22, v34;
	vm0 =	vmneg vm9  }
0x378: {  	vm1 =	vmneg vm1;
	vm2 =	vmneg vm2;
	v20 =	vadd.f32 v55, v54  }
0x379: {  	vm3 =	vmneg vm3;
	v18 =	vadd.f32 v58, v57;
	v40 =	vadd.f32 v61, v60  }
0x37a: {  	v37 =	vadd.f32 v63, v62;
	vm0 =	vmor vm0, vm1;
	v47 =	vsub.f32 v45, v46  }
0x37b: {  	vm1 =	vmneg vm10;
	v29 =	vsub.f32 v36, v29;
	v22 =	vsub.f32 v26, v22  }
0x37c: {  	vm11 =	vmor vm2, vm3;
	vm2 =	vmneg vm12;
	v48 =	vmul.f32 v47, v47  }
0x37d: {  	v55 =	vsub.f32 v10, v21;
	v49 =	vmul.f32 v29, v29;
	v50 =	vmul.f32 v22, v22  }
0x37e: {  	vm0 =	vmor vm1, vm0;
	v24 =	vmul.f32 v47, v24;
	v25 =	vmul.f32 v29, v25  }
0x37f: {  	vm1 =	vmor vm2, vm11;
	v27 =	vmul.f32 v47, v27;
	v28 =	vmul.f32 v29, v28  }
0x380: {  	v15 =	vadd.f32 v20, v56;
	v23 =	vmul.f32 v22, v23;
	v52 =	vmul.f32 v22, v30  }
0x381: {  	v18 =	vadd.f32 v18, v59;
	v53 =	vmul.f32 v47, v31;
	v54 =	vmul.f32 v29, v32  }
0x382: {  	v20 =	vadd.f32 v42, v40;
	v16 =	vmul.f32 v47, v16;
	v17 =	vmul.f32 v29, v17  }
0x383: {  	v37 =	vadd.f32 v43, v37;
	v60 =	vmul.f32 v22, v33;
	v13 =	vmul.f32 v22, v13  }
0x384: {  	vm0 =	vmand vm0, vm1;
	v14 =	vmul.f32 v47, v14;
	v12 =	vmul.f32 v29, v12  }
0x385: {  	v58 =	vand.u32 $0x7FFFFFFF, v55;
	v11 =	vmul.f32 v47, v11;
	v9 =	vmul.f32 v29, v9  }
0x386: {  	v59 =	vsub.f32 v21, v19;
	v8 =	vmul.f32 v22, v8;
	v7 =	vmul.f32 v22, v7  }
0x387: {  	v43 =	vmul.f32 v21, v10;
	v44 =	vsub.f32 $0.0e+00, v15;
	v26 =	vadd.f32 v49, v48  }
0x388: {  	v47 =	vmul.f32 v19, v21;
	v24 =	vadd.f32 v25, v24;
	v51 =	vadd.f32 v28, v27  }
0x389: {  	vm11 =	vgt.f32 v58, $1.000000000e-30;
	v57 =	vadd.f32 v54, v53;
	v16 =	vadd.f32 v17, v16  }
0x38a: {  	v61 =	vnsel vm11, $0x3F800000, v55;
	v28 =	vsub.f32 v19, v10;
	v12 =	vadd.f32 v12, v14  }
0x38b: {  	v62 =	vand.u32 $0x7FFFFFFF, v59;
	v9 =	vadd.f32 v9, v11;
	v15 =	vadd.f32 v44, v18  }
0x38c: {  	(erf) = vrcp.f32 v61;
	v20 =	vadd.f32 v20, v44;
	v18 =	vadd.f32 v37, v44  }
0x38d: {  	vm12 =	vgt.f32 v62, $1.000000000e-30;
	v26 =	vadd.f32 v26, v50;
	v23 =	vadd.f32 v24, v23  }
0x38e: {  	v56 =	vadd.f32 v51, v52;
	v63 =	vnsel vm12, $0x3F800000, v59;
	v25 =	vadd.f32 v57, v60  }
0x38f: {  	v13 =	vadd.f32 v16, v13;
	v30 =	vand.u32 $0x7FFFFFFF, v28;
	v8 =	vadd.f32 v12, v8  }
0x390: {  	v7 =	vadd.f32 v9, v7;
	(erf) = vrcp.f32 v63;
	vm13 =	vgt.f32 v15, $9.999999930e-09  }
0x391: {  	vm4 =	vgt.f32 v20, $9.999999930e-09;
	vm7 =	vgt.f32 v18, $9.999999930e-09;
	v31 =	vsub.f32 v15, v20  }
0x392: {  	vm8 =	vlt.f32 v15, $-9.999999930e-09;
	v33 =	vsub.f32 v20, v18;
	v37 =	vsub.f32 v18, v15  }
0x393: {  	vm9 =	vlt.f32 v20, $-9.999999930e-09;
	v39 =	vsub.f32 v56, v23;
	v42 =	vsub.f32 v25, v56  }
0x394: {  	vm10 =	vlt.f32 v18, $-9.999999930e-09;
	v48 =	vsub.f32 v23, v25;
	v53 =	vsub.f32 v8, v13  }
0x395: {  	vm14 =	vmneg vm13;
	vm15 =	vmneg vm4;
	vm2 =	vmneg vm7  }
0x396: {  	vm6 =	vmor vm14, vm15;
	vm14 =	vgt.f32 v30, $1.000000000e-30;
	v34 =	vand.u32 $0x7FFFFFFF, v31  }
0x397: {  	v35 =	vand.u32 $0x7FFFFFFF, v33;
	v32 =	vnsel vm14, $0x3F800000, v28;
	vm15 =	vgt.f32 v34, $1.000000000e-30  }
0x398: {  	v41 =	vand.u32 $0x7FFFFFFF, v37;
	(erf) = vrcp.f32 v32;
	v14 =	vnsel vm15, $0x3F800000, v31  }
0x399: {  	vm1 =	vmor vm6, vm2;
	vm6 =	vgt.f32 v35, $1.000000000e-30;
	v36 =	vpop (erf);
	(erf) = vrcp.f32 v14  }
0x39a: {  	v54 =	vsub.f32 v7, v8;
	vm7 =	vgt.f32 v41, $1.000000000e-30;
	v38 =	vnsel vm6, $0x3F800000, v33  }
0x39b: {  	v57 =	vmul.f32 v20, v15;
	v11 =	vnsel vm7, $0x3F800000, v37;
	v40 =	vpop (erf);
	(erf) = vrcp.f32 v38  }
0x39c: {  	v59 =	vmul.f32 v18, v20;
	vm3 =	vmneg vm9;
	(erf) = vrcp.f32 v11  }
0x39d: {  	vm13 =	vle.f32 v26, $9.999999930e-09;
	vm9 =	vlt.f32 v47, $0.0e+00;
	v16 =	vmul.f32 v36, v10  }
0x39e: {  	vm11 =	vlt.f32 v57, $0.0e+00;
	vm12 =	vlt.f32 v59, $0.0e+00;
	v22 =	vmul.f32 v40, v21  }
0x39f: {  	vm2 =	vmneg vm8;
	vm8 =	vlt.f32 v43, $0.0e+00;
	v16 =	vmul.f32 v16, v39  }
0x3a0: {  	vm2 =	vmor vm2, vm3;
	vm3 =	vmneg vm10;
	v44 =	vmul.f32 v22, v42  }
0x3a1: {  	vm2 =	vmor vm2, vm3;
	v10 =	vmul.f32 v10, v19;
	v45 =	vadd.f32 v16, v23;
	v46 =	vpop (erf)  }
0x3a2: {  	vm1 =	vmand vm1, vm2;
	v12 =	vadd.f32 v44, v56;
	v11 =	vmul.f32 v46, v19;
	v50 =	vpop (erf)  }
0x3a3: {  	vm10 =	vlt.f32 v10, $0.0e+00;
	v16 =	vnsel vm8, $0x7F800000, v45;
	v52 =	vmul.f32 v50, v15  }
0x3a4: {  	v9 =	vnsel vm8, $0xFF800000, v45;
	v49 =	vmin.f32 v16, v12;
	v11 =	vmul.f32 v11, v48;
	v51 =	vpop (erf)  }
0x3a5: {  	v14 =	vsel vm9, v49, v16;
	v16 =	vmul.f32 v51, v20;
	v55 =	vmul.f32 v53, v52;
	v58 =	vpop (erf)  }
0x3a6: {  	v12 =	vmax.f32 v9, v12;
	v15 =	vmul.f32 v18, v15;
	v19 =	vmul.f32 v58, v18  }
0x3a7: {  	v16 =	vmul.f32 v54, v16;
	v10 =	vadd.f32 v55, v13;
	v13 =	vsub.f32 v13, v7  }
0x3a8: {  	vm2 =	vmneg vm13;
	v9 =	vsel vm9, v12, v9;
	v11 =	vadd.f32 v11, v25  }
0x3a9: {  	vm13 =	vlt.f32 v15, $0.0e+00;
	v8 =	vadd.f32 v16, v8;
	v13 =	vmul.f32 v13, v19  }
0x3aa: {  	v56 =	vmin.f32 v14, v11;
	v60 =	vnsel vm11, $0x7F800000, v10;
	v10 =	vnsel vm11, $0xFF800000, v10  }
0x3ab: {  	v16 =	vmin.f32 v60, v8;
	v8 =	vmax.f32 v10, v8;
	v7 =	vadd.f32 v13, v7  }
0x3ac: {  	v11 =	vmax.f32 v9, v11;
	v61 =	vsel vm12, v16, v60;
	v8 =	vsel vm12, v8, v10  }
0x3ad: {  	v12 =	vsel vm10, v56, v14;
	v62 =	vmin.f32 v61, v7;
	v7 =	vmax.f32 v8, v7  }
0x3ae: {  	v9 =	vsel vm10, v11, v9;
	v10 =	vsel vm13, v62, v61;
	v7 =	vsel vm13, v7, v8  }
0x3af: {  	vm0 =	vmand vm1, vm0;
	v63 =	vmax.f32 v12, v10;
	v7 =	vmin.f32 v9, v7  }
0x3b0: {  	vm0 =	vmand vm2, vm0;
	vm14 =	vle.f32 v63, v7  }
0x3b1: {  	vm15 =	vgt.s32 v6, $0xFFFFFFFF;
	vm0 =	vmand vm0, vm14  }
0x3b2: {  	vm0 =	vmand vm15, vm0  }
0x3b3: {  	v7 =	vor.u32 $0x9C0, v0;
	_ =	sdelay $0x1  }
0x3b4: {  	s8 =	sld [smem:$0x7FD];
	_ =	sdelay $0x2  }
0x3b5: {  	p1 =	seq.s32 s8, $0x1;
	[tilespmem:v7+s6+$0x0] =	vst.idx.msk vm0, v2  }
0x3b6: {  	s10 =	rddreg [dreg:$0xe];
	s8 =	simm.s32 @p1 $0x0;
	s9 =	simm.s32 @p1 $0x135D0;
	[tilespmem:v7+s7+$0x0] =	vst.idx.msk vm0, v6  }
0x3b7: {  	[hbm4b:s10+s8] =	stream.linear.scatter @p1 [tilespmem:s9], [sflag:$0x2], $0x910, $0x38;
	[tilespmem:$0x14AB0] =	vst v63  }
0x3b8: {  	s9 =	simm.s32 @p1 $0x2  }
0x3b9: {  	_ =	swait.ge @p1 [sflag:s9], $0x910  }
0x3ba: {  	[sflag:s9] =	ssyncset.done @p1 $0x0  }
0x3bb: {  	s10 =	simm.s32 @p1 $0x13FA0;
	s11 =	rddreg [dreg:$0xf];
	[sflag:s9] =	ssyncadd.s32 @p1 $0xFFFFF6F0  }
0x3bc: {  	[hbm4b:s11+s8] =	stream.linear.scatter @p1 [tilespmem:s10], [sflag:$0x2], $0x910, $0x38;
	[tilespmem:$0x14AB0] =	vst v63  }
0x3bd: {  	_ =	swait.ge @p1 [sflag:s9], $0x910  }
0x3be: {  	s8 =	simm.s32 @!p1 $0x0;
	[sflag:s9] =	ssyncset.done @p1 $0x0  }
0x3bf: {  	s10 =	rddreg [dreg:$0xc];
	[sflag:s9] =	ssyncadd.s32 @p1 $0xFFFFF6F0;
	s9 =	simm.s32 @!p1 $0x135D0  }
0x3c0: {  	[hbm4b:s10+s8] =	stream.linear.scatter @!p1 [tilespmem:s9], [sflag:$0x2], $0x9D0, $0x38;
	[tilespmem:$0x14AB0] =	vst v63  }
0x3c1: {  	s9 =	simm.s32 @!p1 $0x2  }
0x3c2: {  	_ =	swait.ge @!p1 [sflag:s9], $0x9D0  }
0x3c3: {  	[sflag:s9] =	ssyncset.done @!p1 $0x0  }
0x3c4: {  	s10 =	simm.s32 @!p1 $0x13FA0;
	s11 =	rddreg [dreg:$0xd];
	[sflag:s9] =	ssyncadd.s32 @!p1 $0xFFFFF630  }
0x3c5: {  	[hbm4b:s11+s8] =	stream.linear.scatter @!p1 [tilespmem:s10], [sflag:$0x2], $0x9D0, $0x38;
	[tilespmem:$0x14AB0] =	vst v63  }
0x3c6: {  	_ =	swait.ge @!p1 [sflag:s9], $0x9D0  }
0x3c7: {  	s29 =	rddreg [dreg:$0x11]  }
0x3c8: {  	s30 =	rddreg [dreg:$0x10];
	s10 =	sadd.s32 $0x1, s29  }
0x3c9: {  	p0 =	sne.s32 s10, s30  }
.Ltmp11:
0x3ca: {  	_ = 	snop;
	(pc) =	sbr.rel @p0 .LBB2_1-.Ltmp11, $3  }
0x3cb: {  	_ =	sdelay $0x1  }
0x3cc: {  	[sflag:s9] =	ssyncset.done @!p1 $0x0  }
0x3cd: {  	[sflag:s9] =	ssyncadd.s32 @!p1 $0xFFFFF630  }
0x3ce: {  	_ =	sfence.sel $0x180000  }
0x3cf: {  	[bflag:$0x0] =	sbarrier.arrive $0xFFFF  }
0x3d0: {  	_ =	strace $0x90000047  }
0x3d1: {  	s0 =	stileid.u32;
	[bflag:$0x2] =	sbarrier.arrive $0xFFFF  }
0x3d2: {  	p0 =	sne.s32 s0, $0x0;
	s0 =	rddreg [dreg:$0x2]  }
0x3d3: {  	s0 =	sadd.s32 @!p0 $0x100000, s0  }
0x3d4: {  	[sflag:s0] =	ssyncadd.tile.s32 @!p0 $0x1;
	_ =	shalt  }
.Lfunc_end2:
_tile_overlayer_lowered:
.L_overlay_start_2:
0x3d5: {  	(tag) =	ssettag $0x2  }
0x3d6: {  	s0 =	rddreg [dreg:$0x0];
	s2 =	stileid.u32  }
0x3d7: {  	s1 =	rddreg [dreg:$0x1];
	p0 =	sne.s32 s2, $0x0  }
0x3d8: {  	s3 =	rddreg [dreg:$0x2];
	[bflag:$0x3] =	sbarrier.arrive $0xFFFF;
	s2 =	simm.s32 @!p0 $0x1C02  }
0x3d9: {  	[timem:s3], [sflag:s2] =	dma.local @!p0 [hbm:s0], s1  }
0x3da: {  	s0 =	simm.s32 @!p0 $0x2  }
0x3db: {  	_ =	swait.ge @!p0 [sflag:s0], s1  }
0x3dc: {  	s1 =	ssub.s32 @!p0 $0x0, s1;
	[sflag:s0] =	ssyncset.done @!p0 $0x0  }
0x3dd: {  	[sflag:s0] =	ssyncadd.s32 @!p0 s1  }
0x3de: {  	[bflag:$0x3] =	sbarrier.arrive $0xFFFF  }
0x3df: {  	_ =	shalt  }

</sc_bundles>
